<compile_context>
chip_gen: v7x
topology: tpu7x:2x2x1
jax: 0.10.2.dev20260603
libtpu: 0.0.44.dev20260713+nightly
codegen_flags: <defaults>
</compile_context>

<pallas_src>
import functools

import jax
import jax.numpy as jnp
from jax import lax
from jax.experimental import pallas as pl
from jax.experimental.pallas import tpu as pltpu
from jax.experimental.pallas import tpu_sc as plsc

NC = 2
NS = 16
NW = NC * NS
L = 16
CB = 64
NB = 3


@functools.partial(jax.jit, static_argnums=(3, 4, 5, 6))
def _econv_sc(x, dsflat, edge_attr, n, d, nch, e):
    base_n = nch // NW
    extra = nch - base_n * NW
    t_max = base_n + (1 if extra else 0)
    n_outer = (t_max + 1 + NB) // NB
    sw = (n // NS) // 8 * 8

    mesh = plsc.VectorSubcoreMesh(
        core_axis_name="c", subcore_axis_name="s",
        num_cores=NC, num_subcores=NS)

    @functools.partial(
        pl.kernel,
        out_type=jax.ShapeDtypeStruct((NC * n, d), jnp.float32),
        mesh=mesh,
        scratch_types=(
            [pltpu.VMEM((CB, d), jnp.float32) for _ in range(NB)]
            + [pltpu.VMEM((CB, d), jnp.float32) for _ in range(NB)]
            + [pltpu.VMEM((CB,), jnp.int32) for _ in range(NB)]
            + [pltpu.VMEM((CB,), jnp.int32) for _ in range(NB)]
            + [pltpu.VMEM((CB,), jnp.int32) for _ in range(NB)]
            + [pltpu.VMEM_SHARED((n, d), jnp.float32)]
            + [pltpu.SemaphoreType.DMA for _ in range(4 * NB)]
        ),
    )
    def k(x_hbm, ds_hbm, ea_hbm, out_hbm, *refs):
        rows = refs[0:NB]
        eav = refs[NB:2 * NB]
        sidx = refs[2 * NB:3 * NB]
        didx = refs[3 * NB:4 * NB]
        dcp = refs[4 * NB:5 * NB]
        acc = refs[5 * NB]
        base = 5 * NB + 1
        gsem = refs[base:base + NB]
        esem = refs[base + NB:base + 2 * NB]
        ssem = refs[base + 2 * NB:base + 3 * NB]
        isem = refs[base + 3 * NB:base + 4 * NB]

        cid = lax.axis_index("c")
        sid = lax.axis_index("s")
        wid = cid * NS + sid

        my_n = base_n + jnp.where(wid < extra, 1, 0)
        my_base = wid * base_n + jnp.minimum(wid, extra)

        def zero_body(i, _):
            for kk in range(d // L):
                rows[0][i, pl.ds(kk * L, L)] = jnp.zeros((L,), jnp.float32)
            return _
        lax.fori_loop(0, CB, zero_body, None)
        r0 = pl.multiple_of(sid * sw, 8)
        for j in range(sw // CB):
            pltpu.sync_copy(rows[0], acc.at[pl.ds(r0 + j * CB, CB)])
        rem = sw - (sw // CB) * CB
        if rem:
            pltpu.sync_copy(rows[0].at[pl.ds(0, rem)],
                            acc.at[pl.ds(r0 + (sw // CB) * CB, rem)])
        tail = n - NS * sw
        if tail:
            @pl.when(sid == NS - 1)
            def _():
                pltpu.sync_copy(rows[0].at[pl.ds(0, tail)],
                                acc.at[pl.ds(NS * sw, tail)])
        plsc.subcore_barrier()

        def issue_idx(c, b):
            @pl.when(c < my_n)
            def _():
                qq = pl.multiple_of((my_base + c) * CB, CB)
                pltpu.async_copy(ds_hbm.at[pl.ds(e + qq, CB)], sidx[b], isem[b])
                pltpu.async_copy(ds_hbm.at[pl.ds(qq, CB)], didx[b], isem[b])

        def wait_idx(b):
            pltpu.make_async_copy(ds_hbm.at[pl.ds(0, CB)], sidx[b],
                                  isem[b]).wait()
            pltpu.make_async_copy(ds_hbm.at[pl.ds(0, CB)], didx[b],
                                  isem[b]).wait()

        def issue_ge(c, b):
            @pl.when(c < my_n)
            def _():
                wait_idx(b)
                pltpu.async_copy(x_hbm.at[sidx[b]], rows[b], gsem[b])
                qq = pl.multiple_of((my_base + c) * CB, CB)
                pltpu.async_copy(ea_hbm.at[pl.ds(qq, CB)], eav[b], esem[b])

        for b in range(NB):
            issue_idx(b, b)
        for b in range(NB - 1):
            issue_ge(b, b)

        def outer_body(i3, _):
            for b in range(NB):
                c = i3 * NB + b
                b2 = (b + NB - 1) % NB

                @pl.when(c < my_n)
                def _():
                    pltpu.make_async_copy(x_hbm.at[sidx[b]],
                                          rows[b], gsem[b]).wait()
                    pltpu.make_async_copy(ea_hbm.at[pl.ds(0, CB)],
                                          eav[b], esem[b]).wait()

                    @plsc.parallel_loop(0, CB, 1, unroll=4)
                    def mul_body(j):
                        for kk in range(d // L):
                            sl = pl.ds(kk * L, L)
                            rows[b][j, sl] = rows[b][j, sl] * eav[b][j, sl]

                    for kk in range(CB // L):
                        sl = pl.ds(kk * L, L)
                        dcp[b][sl] = didx[b][sl]
                    pltpu.async_copy(rows[b], acc.at[dcp[b]],
                                     ssem[b], add=True)

                @pl.when((c >= 1) & (c - 1 < my_n))
                def _():
                    pltpu.make_async_copy(rows[b2], acc.at[dcp[b2]],
                                          ssem[b2]).wait()
                issue_ge(c + NB - 1, b2)
                issue_idx(c + NB, b)
            return _
        lax.fori_loop(0, n_outer, outer_body, None)

        plsc.subcore_barrier()
        o0 = pl.multiple_of(cid * n, 8)
        for j in range(sw // CB):
            pltpu.sync_copy(acc.at[pl.ds(r0 + j * CB, CB)],
                            out_hbm.at[pl.ds(o0 + r0 + j * CB, CB)])
        if rem:
            pltpu.sync_copy(acc.at[pl.ds(r0 + (sw // CB) * CB, rem)],
                            out_hbm.at[pl.ds(o0 + r0 + (sw // CB) * CB, rem)])
        if tail:
            @pl.when(sid == NS - 1)
            def _():
                pltpu.sync_copy(acc.at[pl.ds(NS * sw, tail)],
                                out_hbm.at[pl.ds(o0 + NS * sw, tail)])

    return k(x, dsflat, edge_attr)


def _combine_tc(o, n, d):
    bn = 1000
    nblk = n // bn

    def add_k(a_ref, b_ref, o_ref):
        o_ref[...] = a_ref[...] + b_ref[...]

    return pl.pallas_call(
        add_k,
        out_shape=jax.ShapeDtypeStruct((n, d), jnp.float32),
        grid=(nblk,),
        in_specs=[pl.BlockSpec((bn, d), lambda i: (i, 0)),
                  pl.BlockSpec((bn, d), lambda i, nb=nblk: (i + nb, 0))],
        out_specs=pl.BlockSpec((bn, d), lambda i: (i, 0)),
    )(o, o)


def kernel(x, edge_index, edge_attr):
    n, d = x.shape
    e = edge_index.shape[1]
    nch = e // CB
    dsflat = edge_index.reshape(2 * e)
    o = _econv_sc(x, dsflat, edge_attr, n, d, nch, e)
    return _combine_tc(o, n, d)

# --- scband reference (transcript-rebuilt; emitter-appended) ---
"""Pipeline reference for scband-econv-9457517986234 (READ-ONLY COPY).

The authoritative reference and input builder live on the scoring server;
editing this copy changes nothing except your own understanding.
"""

import jax, jax.numpy as jnp
import numpy as np

N = 10000
E = 320000
D = 128

def setup_inputs(seed: int = 0) -> dict:
    key = jax.random.key(seed)
    k1, k2, k3 = jax.random.split(key, 3)
    x = jax.random.normal(k1, (N, D), dtype=jnp.float32)
    edge_index = jax.random.randint(k2, (2, E), 0, N, dtype=jnp.int32)
    edge_attr = jax.random.normal(k3, (E, D), dtype=jnp.float32)
    return {"x": x, "edge_index": edge_index, "edge_attr": edge_attr}

def reference(x, edge_index, edge_attr):
    # messages: gather source-node features (edge_index[1]) and modulate by edge_attr
    msgs = jnp.take(x, edge_index[1], axis=0) * edge_attr
    # scatter_add into destination nodes (edge_index[0]) along dim 0
    out = jax.ops.segment_sum(msgs, edge_index[0], num_segments=x.shape[0])
    return out

if __name__ == "__main__":
    import jax
    _d = setup_inputs()
    print(jax.jit(kernel)(*tuple(_d.values())))

</pallas_src>

<mosaic_0001>
#map = affine_map<(d0, d1) -> (0, 0)>
#map1 = affine_map<(d0, d1) -> (0)>
module attributes {stable_mosaic.version = 14 : i64} {
  func.func @k(%arg0: i32, %arg1: i32, %arg2: memref<10000x128xf32, #tpu.memory_space<hbm>>, %arg3: memref<640000xi32, #tpu.memory_space<hbm>>, %arg4: memref<320000x128xf32, #tpu.memory_space<hbm>>, %arg5: memref<20000x128xf32, #tpu.memory_space<hbm>>, %arg6: memref<64x128xf32, #tpu.memory_space<vmem>>, %arg7: memref<64x128xf32, #tpu.memory_space<vmem>>, %arg8: memref<64x128xf32, #tpu.memory_space<vmem>>, %arg9: memref<64x128xf32, #tpu.memory_space<vmem>>, %arg10: memref<64x128xf32, #tpu.memory_space<vmem>>, %arg11: memref<64x128xf32, #tpu.memory_space<vmem>>, %arg12: memref<64xi32, #tpu.memory_space<vmem>>, %arg13: memref<64xi32, #tpu.memory_space<vmem>>, %arg14: memref<64xi32, #tpu.memory_space<vmem>>, %arg15: memref<64xi32, #tpu.memory_space<vmem>>, %arg16: memref<64xi32, #tpu.memory_space<vmem>>, %arg17: memref<64xi32, #tpu.memory_space<vmem>>, %arg18: memref<64xi32, #tpu.memory_space<vmem>>, %arg19: memref<64xi32, #tpu.memory_space<vmem>>, %arg20: memref<64xi32, #tpu.memory_space<vmem>>, %arg21: memref<10000x128xf32, #tpu.memory_space<vmem_shared>>, %arg22: memref<!tpu.dma_semaphore, #tpu.memory_space<semaphore_mem>>, %arg23: memref<!tpu.dma_semaphore, #tpu.memory_space<semaphore_mem>>, %arg24: memref<!tpu.dma_semaphore, #tpu.memory_space<semaphore_mem>>, %arg25: memref<!tpu.dma_semaphore, #tpu.memory_space<semaphore_mem>>, %arg26: memref<!tpu.dma_semaphore, #tpu.memory_space<semaphore_mem>>, %arg27: memref<!tpu.dma_semaphore, #tpu.memory_space<semaphore_mem>>, %arg28: memref<!tpu.dma_semaphore, #tpu.memory_space<semaphore_mem>>, %arg29: memref<!tpu.dma_semaphore, #tpu.memory_space<semaphore_mem>>, %arg30: memref<!tpu.dma_semaphore, #tpu.memory_space<semaphore_mem>>, %arg31: memref<!tpu.dma_semaphore, #tpu.memory_space<semaphore_mem>>, %arg32: memref<!tpu.dma_semaphore, #tpu.memory_space<semaphore_mem>>, %arg33: memref<!tpu.dma_semaphore, #tpu.memory_space<semaphore_mem>>) attributes {dimension_semantics = [#tpu.dimension_semantics<core_parallel>, #tpu.dimension_semantics<subcore_parallel>], iteration_bounds = array<i64: 2, 16>, scalar_prefetch = 0 : i64, scratch_operands = 28 : i64, tpu.core_type = #tpu.core_type<sc_vector_subcore>, window_params = [{transform_indices = #map}, {transform_indices = #map1}, {transform_indices = #map}, {transform_indices = #map}]} {
    %mul3A = arith.constant 16 : i32
    %mul3A_0 = arith.muli %arg0, %mul3A : i32
    %add3A = arith.addi %mul3A_0, %arg1 : i32
    %lt3A = arith.constant 8 : i32
    %lt3A_1 = arith.cmpi slt, %add3A, %lt3A : i32
    %jit3A = arith.constant 1 : i32
    %jit3A_2 = arith.constant 0 : i32
    %select_n3A = arith.select %lt3A_1, %jit3A, %jit3A_2 : i32
    %add3A_3 = arith.constant 156 : i32
    %add3A_4 = arith.addi %add3A_3, %select_n3A : i32
    %mul3A_5 = arith.constant 156 : i32
    %mul3A_6 = arith.muli %add3A, %mul3A_5 : i32
    %min3A = arith.constant 8 : i32
    %min3A_7 = arith.minsi %add3A, %min3A : i32
    %add3A_8 = arith.addi %mul3A_6, %min3A_7 : i32
    %scan3A = arith.constant 0 : i32
    %scan3A_9 = arith.constant 64 : i32
    %scan3A_10 = arith.addi %scan3A, %scan3A_9 : i32
    %scan3A_11 = arith.constant 1 : i32
    scf.for %scan3A_125 = %scan3A to %scan3A_10 step %scan3A_11  : i32 {
      %broadcast_in_dim3A = arith.constant 0.000000e+00 : f32
      %broadcast_in_dim3A_126 = vector.broadcast %broadcast_in_dim3A : f32 to vector<16xf32>
      %swap3A = arith.index_cast %scan3A_125 : i32 to index
      %swap3A_127 = arith.constant 0 : index
      %swap3A_128 = tpu.vector_load %arg6[%swap3A, %swap3A_127] {strides = array<i32>} : memref<64x128xf32, #tpu.memory_space<vmem>>, vector<1x16xf32>,
      %swap3A_129 = vector.shape_cast %swap3A_128 : vector<1x16xf32> to vector<16xf32>
      %swap3A_130 = vector.shape_cast %broadcast_in_dim3A_126 : vector<16xf32> to vector<1x16xf32>
      tpu.vector_store %arg6[%swap3A, %swap3A_127], %swap3A_130 {strides = array<i32>} : memref<64x128xf32, #tpu.memory_space<vmem>>, vector<1x16xf32>,
      %broadcast_in_dim3A_131 = arith.constant 0.000000e+00 : f32
      %broadcast_in_dim3A_132 = vector.broadcast %broadcast_in_dim3A_131 : f32 to vector<16xf32>
      %swap3A_133 = arith.index_cast %scan3A_125 : i32 to index
      %swap3A_134 = arith.constant 16 : index
      %swap3A_135 = tpu.vector_load %arg6[%swap3A_133, %swap3A_134] {strides = array<i32>} : memref<64x128xf32, #tpu.memory_space<vmem>>, vector<1x16xf32>,
      %swap3A_136 = vector.shape_cast %swap3A_135 : vector<1x16xf32> to vector<16xf32>
      %swap3A_137 = vector.shape_cast %broadcast_in_dim3A_132 : vector<16xf32> to vector<1x16xf32>
      tpu.vector_store %arg6[%swap3A_133, %swap3A_134], %swap3A_137 {strides = array<i32>} : memref<64x128xf32, #tpu.memory_space<vmem>>, vector<1x16xf32>,
      %broadcast_in_dim3A_138 = arith.constant 0.000000e+00 : f32
      %broadcast_in_dim3A_139 = vector.broadcast %broadcast_in_dim3A_138 : f32 to vector<16xf32>
      %swap3A_140 = arith.index_cast %scan3A_125 : i32 to index
      %swap3A_141 = arith.constant 32 : index
      %swap3A_142 = tpu.vector_load %arg6[%swap3A_140, %swap3A_141] {strides = array<i32>} : memref<64x128xf32, #tpu.memory_space<vmem>>, vector<1x16xf32>,
      %swap3A_143 = vector.shape_cast %swap3A_142 : vector<1x16xf32> to vector<16xf32>
      %swap3A_144 = vector.shape_cast %broadcast_in_dim3A_139 : vector<16xf32> to vector<1x16xf32>
      tpu.vector_store %arg6[%swap3A_140, %swap3A_141], %swap3A_144 {strides = array<i32>} : memref<64x128xf32, #tpu.memory_space<vmem>>, vector<1x16xf32>,
      %broadcast_in_dim3A_145 = arith.constant 0.000000e+00 : f32
      %broadcast_in_dim3A_146 = vector.broadcast %broadcast_in_dim3A_145 : f32 to vector<16xf32>
      %swap3A_147 = arith.index_cast %scan3A_125 : i32 to index
      %swap3A_148 = arith.constant 48 : index
      %swap3A_149 = tpu.vector_load %arg6[%swap3A_147, %swap3A_148] {strides = array<i32>} : memref<64x128xf32, #tpu.memory_space<vmem>>, vector<1x16xf32>,
      %swap3A_150 = vector.shape_cast %swap3A_149 : vector<1x16xf32> to vector<16xf32>
      %swap3A_151 = vector.shape_cast %broadcast_in_dim3A_146 : vector<16xf32> to vector<1x16xf32>
      tpu.vector_store %arg6[%swap3A_147, %swap3A_148], %swap3A_151 {strides = array<i32>} : memref<64x128xf32, #tpu.memory_space<vmem>>, vector<1x16xf32>,
      %broadcast_in_dim3A_152 = arith.constant 0.000000e+00 : f32
      %broadcast_in_dim3A_153 = vector.broadcast %broadcast_in_dim3A_152 : f32 to vector<16xf32>
      %swap3A_154 = arith.index_cast %scan3A_125 : i32 to index
      %swap3A_155 = arith.constant 64 : index
      %swap3A_156 = tpu.vector_load %arg6[%swap3A_154, %swap3A_155] {strides = array<i32>} : memref<64x128xf32, #tpu.memory_space<vmem>>, vector<1x16xf32>,
      %swap3A_157 = vector.shape_cast %swap3A_156 : vector<1x16xf32> to vector<16xf32>
      %swap3A_158 = vector.shape_cast %broadcast_in_dim3A_153 : vector<16xf32> to vector<1x16xf32>
      tpu.vector_store %arg6[%swap3A_154, %swap3A_155], %swap3A_158 {strides = array<i32>} : memref<64x128xf32, #tpu.memory_space<vmem>>, vector<1x16xf32>,
      %broadcast_in_dim3A_159 = arith.constant 0.000000e+00 : f32
      %broadcast_in_dim3A_160 = vector.broadcast %broadcast_in_dim3A_159 : f32 to vector<16xf32>
      %swap3A_161 = arith.index_cast %scan3A_125 : i32 to index
      %swap3A_162 = arith.constant 80 : index
      %swap3A_163 = tpu.vector_load %arg6[%swap3A_161, %swap3A_162] {strides = array<i32>} : memref<64x128xf32, #tpu.memory_space<vmem>>, vector<1x16xf32>,
      %swap3A_164 = vector.shape_cast %swap3A_163 : vector<1x16xf32> to vector<16xf32>
      %swap3A_165 = vector.shape_cast %broadcast_in_dim3A_160 : vector<16xf32> to vector<1x16xf32>
      tpu.vector_store %arg6[%swap3A_161, %swap3A_162], %swap3A_165 {strides = array<i32>} : memref<64x128xf32, #tpu.memory_space<vmem>>, vector<1x16xf32>,
      %broadcast_in_dim3A_166 = arith.constant 0.000000e+00 : f32
      %broadcast_in_dim3A_167 = vector.broadcast %broadcast_in_dim3A_166 : f32 to vector<16xf32>
      %swap3A_168 = arith.index_cast %scan3A_125 : i32 to index
      %swap3A_169 = arith.constant 96 : index
      %swap3A_170 = tpu.vector_load %arg6[%swap3A_168, %swap3A_169] {strides = array<i32>} : memref<64x128xf32, #tpu.memory_space<vmem>>, vector<1x16xf32>,
      %swap3A_171 = vector.shape_cast %swap3A_170 : vector<1x16xf32> to vector<16xf32>
      %swap3A_172 = vector.shape_cast %broadcast_in_dim3A_167 : vector<16xf32> to vector<1x16xf32>
      tpu.vector_store %arg6[%swap3A_168, %swap3A_169], %swap3A_172 {strides = array<i32>} : memref<64x128xf32, #tpu.memory_space<vmem>>, vector<1x16xf32>,
      %broadcast_in_dim3A_173 = arith.constant 0.000000e+00 : f32
      %broadcast_in_dim3A_174 = vector.broadcast %broadcast_in_dim3A_173 : f32 to vector<16xf32>
      %swap3A_175 = arith.index_cast %scan3A_125 : i32 to index
      %swap3A_176 = arith.constant 112 : index
      %swap3A_177 = tpu.vector_load %arg6[%swap3A_175, %swap3A_176] {strides = array<i32>} : memref<64x128xf32, #tpu.memory_space<vmem>>, vector<1x16xf32>,
      %swap3A_178 = vector.shape_cast %swap3A_177 : vector<1x16xf32> to vector<16xf32>
      %swap3A_179 = vector.shape_cast %broadcast_in_dim3A_174 : vector<16xf32> to vector<1x16xf32>
      tpu.vector_store %arg6[%swap3A_175, %swap3A_176], %swap3A_179 {strides = array<i32>} : memref<64x128xf32, #tpu.memory_space<vmem>>, vector<1x16xf32>,
    }
    %scan3A_12 = arith.constant 64 : i32
    %mul3A_13 = arith.constant 624 : i32
    %mul3A_14 = arith.muli %arg1, %mul3A_13 : i32
    %multiple_of3A = tpu.assume_multiple %mul3A_14, 8 : i32
    %add3A_15 = arith.constant 0 : i32
    %add3A_16 = arith.addi %multiple_of3A, %add3A_15 : i32
    "tpu.region"() ({
      %run_scoped3A = tpu.sem_alloc : memref<!tpu.dma_semaphore, #tpu.memory_space<semaphore_mem>>
      %dma_start3A = arith.constant 0 : i32
      %dma_start3A_125 = tpu.memref_slice %arg21[%add3A_16, %dma_start3A] : memref<10000x128xf32, #tpu.memory_space<vmem_shared>> -> memref<64x128xf32, #tpu.memory_space<vmem_shared>>
      %dma_start3A_126 = arith.constant 0 : i32
      %dma_start3A_127 = tpu.memref_slice %arg21[%add3A_16, %dma_start3A_126] : memref<10000x128xf32, #tpu.memory_space<vmem_shared>> -> memref<64x128xf32, #tpu.memory_space<vmem_shared>>
      tpu.enqueue_dma source(%arg6 : memref<64x128xf32, #tpu.memory_space<vmem>>) target(%dma_start3A_127 : memref<64x128xf32, #tpu.memory_space<vmem_shared>>) target_semaphore(%run_scoped3A : memref<!tpu.dma_semaphore, #tpu.memory_space<semaphore_mem>>)
      %dma_wait3A = arith.constant 0 : i32
      %dma_wait3A_128 = tpu.memref_slice %arg21[%add3A_16, %dma_wait3A] : memref<10000x128xf32, #tpu.memory_space<vmem_shared>> -> memref<64x128xf32, #tpu.memory_space<vmem_shared>>
      %dma_wait3A_129 = arith.constant 0 : i32
      %dma_wait3A_130 = tpu.memref_slice %arg21[%add3A_16, %dma_wait3A_129] : memref<10000x128xf32, #tpu.memory_space<vmem_shared>> -> memref<64x128xf32, #tpu.memory_space<vmem_shared>>
      tpu.wait_dma2 semaphore(%run_scoped3A : memref<!tpu.dma_semaphore, #tpu.memory_space<semaphore_mem>>) src(%arg6 : memref<64x128xf32, #tpu.memory_space<vmem>>) dst(%dma_wait3A_130 : memref<64x128xf32, #tpu.memory_space<vmem_shared>>)
      tpu.yield
    }) : () -> ()
    %add3A_17 = arith.constant 64 : i32
    %add3A_18 = arith.addi %multiple_of3A, %add3A_17 : i32
    "tpu.region"() ({
      %run_scoped3A = tpu.sem_alloc : memref<!tpu.dma_semaphore, #tpu.memory_space<semaphore_mem>>
      %dma_start3A = arith.constant 0 : i32
      %dma_start3A_125 = tpu.memref_slice %arg21[%add3A_18, %dma_start3A] : memref<10000x128xf32, #tpu.memory_space<vmem_shared>> -> memref<64x128xf32, #tpu.memory_space<vmem_shared>>
      %dma_start3A_126 = arith.constant 0 : i32
      %dma_start3A_127 = tpu.memref_slice %arg21[%add3A_18, %dma_start3A_126] : memref<10000x128xf32, #tpu.memory_space<vmem_shared>> -> memref<64x128xf32, #tpu.memory_space<vmem_shared>>
      tpu.enqueue_dma source(%arg6 : memref<64x128xf32, #tpu.memory_space<vmem>>) target(%dma_start3A_127 : memref<64x128xf32, #tpu.memory_space<vmem_shared>>) target_semaphore(%run_scoped3A : memref<!tpu.dma_semaphore, #tpu.memory_space<semaphore_mem>>)
      %dma_wait3A = arith.constant 0 : i32
      %dma_wait3A_128 = tpu.memref_slice %arg21[%add3A_18, %dma_wait3A] : memref<10000x128xf32, #tpu.memory_space<vmem_shared>> -> memref<64x128xf32, #tpu.memory_space<vmem_shared>>
      %dma_wait3A_129 = arith.constant 0 : i32
      %dma_wait3A_130 = tpu.memref_slice %arg21[%add3A_18, %dma_wait3A_129] : memref<10000x128xf32, #tpu.memory_space<vmem_shared>> -> memref<64x128xf32, #tpu.memory_space<vmem_shared>>
      tpu.wait_dma2 semaphore(%run_scoped3A : memref<!tpu.dma_semaphore, #tpu.memory_space<semaphore_mem>>) src(%arg6 : memref<64x128xf32, #tpu.memory_space<vmem>>) dst(%dma_wait3A_130 : memref<64x128xf32, #tpu.memory_space<vmem_shared>>)
      tpu.yield
    }) : () -> ()
    %add3A_19 = arith.constant 128 : i32
    %add3A_20 = arith.addi %multiple_of3A, %add3A_19 : i32
    "tpu.region"() ({
      %run_scoped3A = tpu.sem_alloc : memref<!tpu.dma_semaphore, #tpu.memory_space<semaphore_mem>>
      %dma_start3A = arith.constant 0 : i32
      %dma_start3A_125 = tpu.memref_slice %arg21[%add3A_20, %dma_start3A] : memref<10000x128xf32, #tpu.memory_space<vmem_shared>> -> memref<64x128xf32, #tpu.memory_space<vmem_shared>>
      %dma_start3A_126 = arith.constant 0 : i32
      %dma_start3A_127 = tpu.memref_slice %arg21[%add3A_20, %dma_start3A_126] : memref<10000x128xf32, #tpu.memory_space<vmem_shared>> -> memref<64x128xf32, #tpu.memory_space<vmem_shared>>
      tpu.enqueue_dma source(%arg6 : memref<64x128xf32, #tpu.memory_space<vmem>>) target(%dma_start3A_127 : memref<64x128xf32, #tpu.memory_space<vmem_shared>>) target_semaphore(%run_scoped3A : memref<!tpu.dma_semaphore, #tpu.memory_space<semaphore_mem>>)
      %dma_wait3A = arith.constant 0 : i32
      %dma_wait3A_128 = tpu.memref_slice %arg21[%add3A_20, %dma_wait3A] : memref<10000x128xf32, #tpu.memory_space<vmem_shared>> -> memref<64x128xf32, #tpu.memory_space<vmem_shared>>
      %dma_wait3A_129 = arith.constant 0 : i32
      %dma_wait3A_130 = tpu.memref_slice %arg21[%add3A_20, %dma_wait3A_129] : memref<10000x128xf32, #tpu.memory_space<vmem_shared>> -> memref<64x128xf32, #tpu.memory_space<vmem_shared>>
      tpu.wait_dma2 semaphore(%run_scoped3A : memref<!tpu.dma_semaphore, #tpu.memory_space<semaphore_mem>>) src(%arg6 : memref<64x128xf32, #tpu.memory_space<vmem>>) dst(%dma_wait3A_130 : memref<64x128xf32, #tpu.memory_space<vmem_shared>>)
      tpu.yield
    }) : () -> ()
    %add3A_21 = arith.constant 192 : i32
    %add3A_22 = arith.addi %multiple_of3A, %add3A_21 : i32
    "tpu.region"() ({
      %run_scoped3A = tpu.sem_alloc : memref<!tpu.dma_semaphore, #tpu.memory_space<semaphore_mem>>
      %dma_start3A = arith.constant 0 : i32
      %dma_start3A_125 = tpu.memref_slice %arg21[%add3A_22, %dma_start3A] : memref<10000x128xf32, #tpu.memory_space<vmem_shared>> -> memref<64x128xf32, #tpu.memory_space<vmem_shared>>
      %dma_start3A_126 = arith.constant 0 : i32
      %dma_start3A_127 = tpu.memref_slice %arg21[%add3A_22, %dma_start3A_126] : memref<10000x128xf32, #tpu.memory_space<vmem_shared>> -> memref<64x128xf32, #tpu.memory_space<vmem_shared>>
      tpu.enqueue_dma source(%arg6 : memref<64x128xf32, #tpu.memory_space<vmem>>) target(%dma_start3A_127 : memref<64x128xf32, #tpu.memory_space<vmem_shared>>) target_semaphore(%run_scoped3A : memref<!tpu.dma_semaphore, #tpu.memory_space<semaphore_mem>>)
      %dma_wait3A = arith.constant 0 : i32
      %dma_wait3A_128 = tpu.memref_slice %arg21[%add3A_22, %dma_wait3A] : memref<10000x128xf32, #tpu.memory_space<vmem_shared>> -> memref<64x128xf32, #tpu.memory_space<vmem_shared>>
      %dma_wait3A_129 = arith.constant 0 : i32
      %dma_wait3A_130 = tpu.memref_slice %arg21[%add3A_22, %dma_wait3A_129] : memref<10000x128xf32, #tpu.memory_space<vmem_shared>> -> memref<64x128xf32, #tpu.memory_space<vmem_shared>>
      tpu.wait_dma2 semaphore(%run_scoped3A : memref<!tpu.dma_semaphore, #tpu.memory_space<semaphore_mem>>) src(%arg6 : memref<64x128xf32, #tpu.memory_space<vmem>>) dst(%dma_wait3A_130 : memref<64x128xf32, #tpu.memory_space<vmem_shared>>)
      tpu.yield
    }) : () -> ()
    %add3A_23 = arith.constant 256 : i32
    %add3A_24 = arith.addi %multiple_of3A, %add3A_23 : i32
    "tpu.region"() ({
      %run_scoped3A = tpu.sem_alloc : memref<!tpu.dma_semaphore, #tpu.memory_space<semaphore_mem>>
      %dma_start3A = arith.constant 0 : i32
      %dma_start3A_125 = tpu.memref_slice %arg21[%add3A_24, %dma_start3A] : memref<10000x128xf32, #tpu.memory_space<vmem_shared>> -> memref<64x128xf32, #tpu.memory_space<vmem_shared>>
      %dma_start3A_126 = arith.constant 0 : i32
      %dma_start3A_127 = tpu.memref_slice %arg21[%add3A_24, %dma_start3A_126] : memref<10000x128xf32, #tpu.memory_space<vmem_shared>> -> memref<64x128xf32, #tpu.memory_space<vmem_shared>>
      tpu.enqueue_dma source(%arg6 : memref<64x128xf32, #tpu.memory_space<vmem>>) target(%dma_start3A_127 : memref<64x128xf32, #tpu.memory_space<vmem_shared>>) target_semaphore(%run_scoped3A : memref<!tpu.dma_semaphore, #tpu.memory_space<semaphore_mem>>)
      %dma_wait3A = arith.constant 0 : i32
      %dma_wait3A_128 = tpu.memref_slice %arg21[%add3A_24, %dma_wait3A] : memref<10000x128xf32, #tpu.memory_space<vmem_shared>> -> memref<64x128xf32, #tpu.memory_space<vmem_shared>>
      %dma_wait3A_129 = arith.constant 0 : i32
      %dma_wait3A_130 = tpu.memref_slice %arg21[%add3A_24, %dma_wait3A_129] : memref<10000x128xf32, #tpu.memory_space<vmem_shared>> -> memref<64x128xf32, #tpu.memory_space<vmem_shared>>
      tpu.wait_dma2 semaphore(%run_scoped3A : memref<!tpu.dma_semaphore, #tpu.memory_space<semaphore_mem>>) src(%arg6 : memref<64x128xf32, #tpu.memory_space<vmem>>) dst(%dma_wait3A_130 : memref<64x128xf32, #tpu.memory_space<vmem_shared>>)
      tpu.yield
    }) : () -> ()
    %add3A_25 = arith.constant 320 : i32
    %add3A_26 = arith.addi %multiple_of3A, %add3A_25 : i32
    "tpu.region"() ({
      %run_scoped3A = tpu.sem_alloc : memref<!tpu.dma_semaphore, #tpu.memory_space<semaphore_mem>>
      %dma_start3A = arith.constant 0 : i32
      %dma_start3A_125 = tpu.memref_slice %arg21[%add3A_26, %dma_start3A] : memref<10000x128xf32, #tpu.memory_space<vmem_shared>> -> memref<64x128xf32, #tpu.memory_space<vmem_shared>>
      %dma_start3A_126 = arith.constant 0 : i32
      %dma_start3A_127 = tpu.memref_slice %arg21[%add3A_26, %dma_start3A_126] : memref<10000x128xf32, #tpu.memory_space<vmem_shared>> -> memref<64x128xf32, #tpu.memory_space<vmem_shared>>
      tpu.enqueue_dma source(%arg6 : memref<64x128xf32, #tpu.memory_space<vmem>>) target(%dma_start3A_127 : memref<64x128xf32, #tpu.memory_space<vmem_shared>>) target_semaphore(%run_scoped3A : memref<!tpu.dma_semaphore, #tpu.memory_space<semaphore_mem>>)
      %dma_wait3A = arith.constant 0 : i32
      %dma_wait3A_128 = tpu.memref_slice %arg21[%add3A_26, %dma_wait3A] : memref<10000x128xf32, #tpu.memory_space<vmem_shared>> -> memref<64x128xf32, #tpu.memory_space<vmem_shared>>
      %dma_wait3A_129 = arith.constant 0 : i32
      %dma_wait3A_130 = tpu.memref_slice %arg21[%add3A_26, %dma_wait3A_129] : memref<10000x128xf32, #tpu.memory_space<vmem_shared>> -> memref<64x128xf32, #tpu.memory_space<vmem_shared>>
      tpu.wait_dma2 semaphore(%run_scoped3A : memref<!tpu.dma_semaphore, #tpu.memory_space<semaphore_mem>>) src(%arg6 : memref<64x128xf32, #tpu.memory_space<vmem>>) dst(%dma_wait3A_130 : memref<64x128xf32, #tpu.memory_space<vmem_shared>>)
      tpu.yield
    }) : () -> ()
    %add3A_27 = arith.constant 384 : i32
    %add3A_28 = arith.addi %multiple_of3A, %add3A_27 : i32
    "tpu.region"() ({
      %run_scoped3A = tpu.sem_alloc : memref<!tpu.dma_semaphore, #tpu.memory_space<semaphore_mem>>
      %dma_start3A = arith.constant 0 : i32
      %dma_start3A_125 = tpu.memref_slice %arg21[%add3A_28, %dma_start3A] : memref<10000x128xf32, #tpu.memory_space<vmem_shared>> -> memref<64x128xf32, #tpu.memory_space<vmem_shared>>
      %dma_start3A_126 = arith.constant 0 : i32
      %dma_start3A_127 = tpu.memref_slice %arg21[%add3A_28, %dma_start3A_126] : memref<10000x128xf32, #tpu.memory_space<vmem_shared>> -> memref<64x128xf32, #tpu.memory_space<vmem_shared>>
      tpu.enqueue_dma source(%arg6 : memref<64x128xf32, #tpu.memory_space<vmem>>) target(%dma_start3A_127 : memref<64x128xf32, #tpu.memory_space<vmem_shared>>) target_semaphore(%run_scoped3A : memref<!tpu.dma_semaphore, #tpu.memory_space<semaphore_mem>>)
      %dma_wait3A = arith.constant 0 : i32
      %dma_wait3A_128 = tpu.memref_slice %arg21[%add3A_28, %dma_wait3A] : memref<10000x128xf32, #tpu.memory_space<vmem_shared>> -> memref<64x128xf32, #tpu.memory_space<vmem_shared>>
      %dma_wait3A_129 = arith.constant 0 : i32
      %dma_wait3A_130 = tpu.memref_slice %arg21[%add3A_28, %dma_wait3A_129] : memref<10000x128xf32, #tpu.memory_space<vmem_shared>> -> memref<64x128xf32, #tpu.memory_space<vmem_shared>>
      tpu.wait_dma2 semaphore(%run_scoped3A : memref<!tpu.dma_semaphore, #tpu.memory_space<semaphore_mem>>) src(%arg6 : memref<64x128xf32, #tpu.memory_space<vmem>>) dst(%dma_wait3A_130 : memref<64x128xf32, #tpu.memory_space<vmem_shared>>)
      tpu.yield
    }) : () -> ()
    %add3A_29 = arith.constant 448 : i32
    %add3A_30 = arith.addi %multiple_of3A, %add3A_29 : i32
    "tpu.region"() ({
      %run_scoped3A = tpu.sem_alloc : memref<!tpu.dma_semaphore, #tpu.memory_space<semaphore_mem>>
      %dma_start3A = arith.constant 0 : i32
      %dma_start3A_125 = tpu.memref_slice %arg21[%add3A_30, %dma_start3A] : memref<10000x128xf32, #tpu.memory_space<vmem_shared>> -> memref<64x128xf32, #tpu.memory_space<vmem_shared>>
      %dma_start3A_126 = arith.constant 0 : i32
      %dma_start3A_127 = tpu.memref_slice %arg21[%add3A_30, %dma_start3A_126] : memref<10000x128xf32, #tpu.memory_space<vmem_shared>> -> memref<64x128xf32, #tpu.memory_space<vmem_shared>>
      tpu.enqueue_dma source(%arg6 : memref<64x128xf32, #tpu.memory_space<vmem>>) target(%dma_start3A_127 : memref<64x128xf32, #tpu.memory_space<vmem_shared>>) target_semaphore(%run_scoped3A : memref<!tpu.dma_semaphore, #tpu.memory_space<semaphore_mem>>)
      %dma_wait3A = arith.constant 0 : i32
      %dma_wait3A_128 = tpu.memref_slice %arg21[%add3A_30, %dma_wait3A] : memref<10000x128xf32, #tpu.memory_space<vmem_shared>> -> memref<64x128xf32, #tpu.memory_space<vmem_shared>>
      %dma_wait3A_129 = arith.constant 0 : i32
      %dma_wait3A_130 = tpu.memref_slice %arg21[%add3A_30, %dma_wait3A_129] : memref<10000x128xf32, #tpu.memory_space<vmem_shared>> -> memref<64x128xf32, #tpu.memory_space<vmem_shared>>
      tpu.wait_dma2 semaphore(%run_scoped3A : memref<!tpu.dma_semaphore, #tpu.memory_space<semaphore_mem>>) src(%arg6 : memref<64x128xf32, #tpu.memory_space<vmem>>) dst(%dma_wait3A_130 : memref<64x128xf32, #tpu.memory_space<vmem_shared>>)
      tpu.yield
    }) : () -> ()
    %add3A_31 = arith.constant 512 : i32
    %add3A_32 = arith.addi %multiple_of3A, %add3A_31 : i32
    "tpu.region"() ({
      %run_scoped3A = tpu.sem_alloc : memref<!tpu.dma_semaphore, #tpu.memory_space<semaphore_mem>>
      %dma_start3A = arith.constant 0 : i32
      %dma_start3A_125 = tpu.memref_slice %arg21[%add3A_32, %dma_start3A] : memref<10000x128xf32, #tpu.memory_space<vmem_shared>> -> memref<64x128xf32, #tpu.memory_space<vmem_shared>>
      %dma_start3A_126 = arith.constant 0 : i32
      %dma_start3A_127 = tpu.memref_slice %arg21[%add3A_32, %dma_start3A_126] : memref<10000x128xf32, #tpu.memory_space<vmem_shared>> -> memref<64x128xf32, #tpu.memory_space<vmem_shared>>
      tpu.enqueue_dma source(%arg6 : memref<64x128xf32, #tpu.memory_space<vmem>>) target(%dma_start3A_127 : memref<64x128xf32, #tpu.memory_space<vmem_shared>>) target_semaphore(%run_scoped3A : memref<!tpu.dma_semaphore, #tpu.memory_space<semaphore_mem>>)
      %dma_wait3A = arith.constant 0 : i32
      %dma_wait3A_128 = tpu.memref_slice %arg21[%add3A_32, %dma_wait3A] : memref<10000x128xf32, #tpu.memory_space<vmem_shared>> -> memref<64x128xf32, #tpu.memory_space<vmem_shared>>
      %dma_wait3A_129 = arith.constant 0 : i32
      %dma_wait3A_130 = tpu.memref_slice %arg21[%add3A_32, %dma_wait3A_129] : memref<10000x128xf32, #tpu.memory_space<vmem_shared>> -> memref<64x128xf32, #tpu.memory_space<vmem_shared>>
      tpu.wait_dma2 semaphore(%run_scoped3A : memref<!tpu.dma_semaphore, #tpu.memory_space<semaphore_mem>>) src(%arg6 : memref<64x128xf32, #tpu.memory_space<vmem>>) dst(%dma_wait3A_130 : memref<64x128xf32, #tpu.memory_space<vmem_shared>>)
      tpu.yield
    }) : () -> ()
    %add3A_33 = arith.constant 576 : i32
    %add3A_34 = arith.addi %multiple_of3A, %add3A_33 : i32
    "tpu.region"() ({
      %run_scoped3A = tpu.sem_alloc : memref<!tpu.dma_semaphore, #tpu.memory_space<semaphore_mem>>
      %dma_start3A = arith.constant 0 : i32
      %dma_start3A_125 = arith.constant 0 : i32
      %dma_start3A_126 = tpu.memref_slice %arg6[%dma_start3A, %dma_start3A_125] : memref<64x128xf32, #tpu.memory_space<vmem>> -> memref<48x128xf32, #tpu.memory_space<vmem>>
      %dma_start3A_127 = arith.constant 0 : i32
      %dma_start3A_128 = tpu.memref_slice %arg21[%add3A_34, %dma_start3A_127] : memref<10000x128xf32, #tpu.memory_space<vmem_shared>> -> memref<48x128xf32, #tpu.memory_space<vmem_shared>>
      %dma_start3A_129 = arith.constant 0 : i32
      %dma_start3A_130 = tpu.memref_slice %arg21[%add3A_34, %dma_start3A_129] : memref<10000x128xf32, #tpu.memory_space<vmem_shared>> -> memref<48x128xf32, #tpu.memory_space<vmem_shared>>
      %dma_start3A_131 = arith.constant 0 : i32
      %dma_start3A_132 = arith.constant 0 : i32
      %dma_start3A_133 = tpu.memref_slice %arg6[%dma_start3A_131, %dma_start3A_132] : memref<64x128xf32, #tpu.memory_space<vmem>> -> memref<48x128xf32, #tpu.memory_space<vmem>>
      tpu.enqueue_dma source(%dma_start3A_133 : memref<48x128xf32, #tpu.memory_space<vmem>>) target(%dma_start3A_130 : memref<48x128xf32, #tpu.memory_space<vmem_shared>>) target_semaphore(%run_scoped3A : memref<!tpu.dma_semaphore, #tpu.memory_space<semaphore_mem>>)
      %dma_wait3A = arith.constant 0 : i32
      %dma_wait3A_134 = arith.constant 0 : i32
      %dma_wait3A_135 = tpu.memref_slice %arg6[%dma_wait3A, %dma_wait3A_134] : memref<64x128xf32, #tpu.memory_space<vmem>> -> memref<48x128xf32, #tpu.memory_space<vmem>>
      %dma_wait3A_136 = arith.constant 0 : i32
      %dma_wait3A_137 = tpu.memref_slice %arg21[%add3A_34, %dma_wait3A_136] : memref<10000x128xf32, #tpu.memory_space<vmem_shared>> -> memref<48x128xf32, #tpu.memory_space<vmem_shared>>
      %dma_wait3A_138 = arith.constant 0 : i32
      %dma_wait3A_139 = tpu.memref_slice %arg21[%add3A_34, %dma_wait3A_138] : memref<10000x128xf32, #tpu.memory_space<vmem_shared>> -> memref<48x128xf32, #tpu.memory_space<vmem_shared>>
      %dma_wait3A_140 = arith.constant 0 : i32
      %dma_wait3A_141 = arith.constant 0 : i32
      %dma_wait3A_142 = tpu.memref_slice %arg6[%dma_wait3A_140, %dma_wait3A_141] : memref<64x128xf32, #tpu.memory_space<vmem>> -> memref<48x128xf32, #tpu.memory_space<vmem>>
      tpu.wait_dma2 semaphore(%run_scoped3A : memref<!tpu.dma_semaphore, #tpu.memory_space<semaphore_mem>>) src(%dma_wait3A_142 : memref<48x128xf32, #tpu.memory_space<vmem>>) dst(%dma_wait3A_139 : memref<48x128xf32, #tpu.memory_space<vmem_shared>>)
      tpu.yield
    }) : () -> ()
    %eq3A = arith.constant 15 : i32
    %eq3A_35 = arith.cmpi eq, %arg1, %eq3A : i32
    %convert_element_type3A = arith.extui %eq3A_35 : i1 to i32
    %cond3A = arith.constant 0 : i32
    %cond3A_36 = arith.cmpi ne, %convert_element_type3A, %cond3A : i32
    scf.if %cond3A_36 {
      "tpu.region"() ({
        %run_scoped3A = tpu.sem_alloc : memref<!tpu.dma_semaphore, #tpu.memory_space<semaphore_mem>>
        %dma_start3A = arith.constant 0 : i32
        %dma_start3A_125 = arith.constant 0 : i32
        %dma_start3A_126 = tpu.memref_slice %arg6[%dma_start3A, %dma_start3A_125] : memref<64x128xf32, #tpu.memory_space<vmem>> -> memref<16x128xf32, #tpu.memory_space<vmem>>
        %dma_start3A_127 = arith.constant 9984 : i32
        %dma_start3A_128 = arith.constant 0 : i32
        %dma_start3A_129 = tpu.memref_slice %arg21[%dma_start3A_127, %dma_start3A_128] : memref<10000x128xf32, #tpu.memory_space<vmem_shared>> -> memref<16x128xf32, #tpu.memory_space<vmem_shared>>
        %dma_start3A_130 = arith.constant 9984 : i32
        %dma_start3A_131 = arith.constant 0 : i32
        %dma_start3A_132 = tpu.memref_slice %arg21[%dma_start3A_130, %dma_start3A_131] : memref<10000x128xf32, #tpu.memory_space<vmem_shared>> -> memref<16x128xf32, #tpu.memory_space<vmem_shared>>
        %dma_start3A_133 = arith.constant 0 : i32
        %dma_start3A_134 = arith.constant 0 : i32
        %dma_start3A_135 = tpu.memref_slice %arg6[%dma_start3A_133, %dma_start3A_134] : memref<64x128xf32, #tpu.memory_space<vmem>> -> memref<16x128xf32, #tpu.memory_space<vmem>>
        tpu.enqueue_dma source(%dma_start3A_135 : memref<16x128xf32, #tpu.memory_space<vmem>>) target(%dma_start3A_132 : memref<16x128xf32, #tpu.memory_space<vmem_shared>>) target_semaphore(%run_scoped3A : memref<!tpu.dma_semaphore, #tpu.memory_space<semaphore_mem>>)
        %dma_wait3A = arith.constant 0 : i32
        %dma_wait3A_136 = arith.constant 0 : i32
        %dma_wait3A_137 = tpu.memref_slice %arg6[%dma_wait3A, %dma_wait3A_136] : memref<64x128xf32, #tpu.memory_space<vmem>> -> memref<16x128xf32, #tpu.memory_space<vmem>>
        %dma_wait3A_138 = arith.constant 9984 : i32
        %dma_wait3A_139 = arith.constant 0 : i32
        %dma_wait3A_140 = tpu.memref_slice %arg21[%dma_wait3A_138, %dma_wait3A_139] : memref<10000x128xf32, #tpu.memory_space<vmem_shared>> -> memref<16x128xf32, #tpu.memory_space<vmem_shared>>
        %dma_wait3A_141 = arith.constant 9984 : i32
        %dma_wait3A_142 = arith.constant 0 : i32
        %dma_wait3A_143 = tpu.memref_slice %arg21[%dma_wait3A_141, %dma_wait3A_142] : memref<10000x128xf32, #tpu.memory_space<vmem_shared>> -> memref<16x128xf32, #tpu.memory_space<vmem_shared>>
        %dma_wait3A_144 = arith.constant 0 : i32
        %dma_wait3A_145 = arith.constant 0 : i32
        %dma_wait3A_146 = tpu.memref_slice %arg6[%dma_wait3A_144, %dma_wait3A_145] : memref<64x128xf32, #tpu.memory_space<vmem>> -> memref<16x128xf32, #tpu.memory_space<vmem>>
        tpu.wait_dma2 semaphore(%run_scoped3A : memref<!tpu.dma_semaphore, #tpu.memory_space<semaphore_mem>>) src(%dma_wait3A_146 : memref<16x128xf32, #tpu.memory_space<vmem>>) dst(%dma_wait3A_143 : memref<16x128xf32, #tpu.memory_space<vmem_shared>>)
        tpu.yield
      }) : () -> ()
    } else {
    }
    %barrier3A = arith.constant 0 : index
    tpu.barrier barrier_id(%barrier3A)
    %gt3A = arith.constant 0 : i32
    %gt3A_37 = arith.cmpi sgt, %add3A_4, %gt3A : i32
    %convert_element_type3A_38 = arith.extui %gt3A_37 : i1 to i32
    %cond3A_39 = arith.constant 0 : i32
    %cond3A_40 = arith.cmpi ne, %convert_element_type3A_38, %cond3A_39 : i32
    scf.if %cond3A_40 {
      %add3A_125 = arith.constant 0 : i32
      %add3A_126 = arith.addi %add3A_8, %add3A_125 : i32
      %mul3A_127 = arith.constant 64 : i32
      %mul3A_128 = arith.muli %add3A_126, %mul3A_127 : i32
      %multiple_of3A_129 = tpu.assume_multiple %mul3A_128, 64 : i32
      %add3A_130 = arith.constant 320000 : i32
      %add3A_131 = arith.addi %add3A_130, %multiple_of3A_129 : i32
      %dma_start3A = tpu.memref_slice %arg3[%add3A_131] : memref<640000xi32, #tpu.memory_space<hbm>> -> memref<64xi32, #tpu.memory_space<hbm>>
      %dma_start3A_132 = tpu.memref_slice %arg3[%add3A_131] : memref<640000xi32, #tpu.memory_space<hbm>> -> memref<64xi32, #tpu.memory_space<hbm>>
      tpu.enqueue_dma source(%dma_start3A_132 : memref<64xi32, #tpu.memory_space<hbm>>) target(%arg12 : memref<64xi32, #tpu.memory_space<vmem>>) target_semaphore(%arg31 : memref<!tpu.dma_semaphore, #tpu.memory_space<semaphore_mem>>)
      %dma_start3A_133 = tpu.memref_slice %arg3[%multiple_of3A_129] : memref<640000xi32, #tpu.memory_space<hbm>> -> memref<64xi32, #tpu.memory_space<hbm>>
      %dma_start3A_134 = tpu.memref_slice %arg3[%multiple_of3A_129] : memref<640000xi32, #tpu.memory_space<hbm>> -> memref<64xi32, #tpu.memory_space<hbm>>
      tpu.enqueue_dma source(%dma_start3A_134 : memref<64xi32, #tpu.memory_space<hbm>>) target(%arg15 : memref<64xi32, #tpu.memory_space<vmem>>) target_semaphore(%arg31 : memref<!tpu.dma_semaphore, #tpu.memory_space<semaphore_mem>>)
    } else {
    }
    %gt3A_41 = arith.constant 1 : i32
    %gt3A_42 = arith.cmpi sgt, %add3A_4, %gt3A_41 : i32
    %convert_element_type3A_43 = arith.extui %gt3A_42 : i1 to i32
    %cond3A_44 = arith.constant 0 : i32
    %cond3A_45 = arith.cmpi ne, %convert_element_type3A_43, %cond3A_44 : i32
    scf.if %cond3A_45 {
      %add3A_125 = arith.constant 1 : i32
      %add3A_126 = arith.addi %add3A_8, %add3A_125 : i32
      %mul3A_127 = arith.constant 64 : i32
      %mul3A_128 = arith.muli %add3A_126, %mul3A_127 : i32
      %multiple_of3A_129 = tpu.assume_multiple %mul3A_128, 64 : i32
      %add3A_130 = arith.constant 320000 : i32
      %add3A_131 = arith.addi %add3A_130, %multiple_of3A_129 : i32
      %dma_start3A = tpu.memref_slice %arg3[%add3A_131] : memref<640000xi32, #tpu.memory_space<hbm>> -> memref<64xi32, #tpu.memory_space<hbm>>
      %dma_start3A_132 = tpu.memref_slice %arg3[%add3A_131] : memref<640000xi32, #tpu.memory_space<hbm>> -> memref<64xi32, #tpu.memory_space<hbm>>
      tpu.enqueue_dma source(%dma_start3A_132 : memref<64xi32, #tpu.memory_space<hbm>>) target(%arg13 : memref<64xi32, #tpu.memory_space<vmem>>) target_semaphore(%arg32 : memref<!tpu.dma_semaphore, #tpu.memory_space<semaphore_mem>>)
      %dma_start3A_133 = tpu.memref_slice %arg3[%multiple_of3A_129] : memref<640000xi32, #tpu.memory_space<hbm>> -> memref<64xi32, #tpu.memory_space<hbm>>
      %dma_start3A_134 = tpu.memref_slice %arg3[%multiple_of3A_129] : memref<640000xi32, #tpu.memory_space<hbm>> -> memref<64xi32, #tpu.memory_space<hbm>>
      tpu.enqueue_dma source(%dma_start3A_134 : memref<64xi32, #tpu.memory_space<hbm>>) target(%arg16 : memref<64xi32, #tpu.memory_space<vmem>>) target_semaphore(%arg32 : memref<!tpu.dma_semaphore, #tpu.memory_space<semaphore_mem>>)
    } else {
    }
    %gt3A_46 = arith.constant 2 : i32
    %gt3A_47 = arith.cmpi sgt, %add3A_4, %gt3A_46 : i32
    %convert_element_type3A_48 = arith.extui %gt3A_47 : i1 to i32
    %cond3A_49 = arith.constant 0 : i32
    %cond3A_50 = arith.cmpi ne, %convert_element_type3A_48, %cond3A_49 : i32
    scf.if %cond3A_50 {
      %add3A_125 = arith.constant 2 : i32
      %add3A_126 = arith.addi %add3A_8, %add3A_125 : i32
      %mul3A_127 = arith.constant 64 : i32
      %mul3A_128 = arith.muli %add3A_126, %mul3A_127 : i32
      %multiple_of3A_129 = tpu.assume_multiple %mul3A_128, 64 : i32
      %add3A_130 = arith.constant 320000 : i32
      %add3A_131 = arith.addi %add3A_130, %multiple_of3A_129 : i32
      %dma_start3A = tpu.memref_slice %arg3[%add3A_131] : memref<640000xi32, #tpu.memory_space<hbm>> -> memref<64xi32, #tpu.memory_space<hbm>>
      %dma_start3A_132 = tpu.memref_slice %arg3[%add3A_131] : memref<640000xi32, #tpu.memory_space<hbm>> -> memref<64xi32, #tpu.memory_space<hbm>>
      tpu.enqueue_dma source(%dma_start3A_132 : memref<64xi32, #tpu.memory_space<hbm>>) target(%arg14 : memref<64xi32, #tpu.memory_space<vmem>>) target_semaphore(%arg33 : memref<!tpu.dma_semaphore, #tpu.memory_space<semaphore_mem>>)
      %dma_start3A_133 = tpu.memref_slice %arg3[%multiple_of3A_129] : memref<640000xi32, #tpu.memory_space<hbm>> -> memref<64xi32, #tpu.memory_space<hbm>>
      %dma_start3A_134 = tpu.memref_slice %arg3[%multiple_of3A_129] : memref<640000xi32, #tpu.memory_space<hbm>> -> memref<64xi32, #tpu.memory_space<hbm>>
      tpu.enqueue_dma source(%dma_start3A_134 : memref<64xi32, #tpu.memory_space<hbm>>) target(%arg17 : memref<64xi32, #tpu.memory_space<vmem>>) target_semaphore(%arg33 : memref<!tpu.dma_semaphore, #tpu.memory_space<semaphore_mem>>)
    } else {
    }
    %gt3A_51 = arith.constant 0 : i32
    %gt3A_52 = arith.cmpi sgt, %add3A_4, %gt3A_51 : i32
    %convert_element_type3A_53 = arith.extui %gt3A_52 : i1 to i32
    %cond3A_54 = arith.constant 0 : i32
    %cond3A_55 = arith.cmpi ne, %convert_element_type3A_53, %cond3A_54 : i32
    scf.if %cond3A_55 {
      %dma_wait3A = arith.constant 0 : i32
      %dma_wait3A_125 = tpu.memref_slice %arg3[%dma_wait3A] : memref<640000xi32, #tpu.memory_space<hbm>> -> memref<64xi32, #tpu.memory_space<hbm>>
      %dma_wait3A_126 = arith.constant 0 : i32
      %dma_wait3A_127 = tpu.memref_slice %arg3[%dma_wait3A_126] : memref<640000xi32, #tpu.memory_space<hbm>> -> memref<64xi32, #tpu.memory_space<hbm>>
      tpu.wait_dma2 semaphore(%arg31 : memref<!tpu.dma_semaphore, #tpu.memory_space<semaphore_mem>>) src(%dma_wait3A_127 : memref<64xi32, #tpu.memory_space<hbm>>) dst(%arg12 : memref<64xi32, #tpu.memory_space<vmem>>)
      %dma_wait3A_128 = arith.constant 0 : i32
      %dma_wait3A_129 = tpu.memref_slice %arg3[%dma_wait3A_128] : memref<640000xi32, #tpu.memory_space<hbm>> -> memref<64xi32, #tpu.memory_space<hbm>>
      %dma_wait3A_130 = arith.constant 0 : i32
      %dma_wait3A_131 = tpu.memref_slice %arg3[%dma_wait3A_130] : memref<640000xi32, #tpu.memory_space<hbm>> -> memref<64xi32, #tpu.memory_space<hbm>>
      tpu.wait_dma2 semaphore(%arg31 : memref<!tpu.dma_semaphore, #tpu.memory_space<semaphore_mem>>) src(%dma_wait3A_131 : memref<64xi32, #tpu.memory_space<hbm>>) dst(%arg15 : memref<64xi32, #tpu.memory_space<vmem>>)
      %dma_start3A = arith.constant 0 : i32
      %dma_start3A_132 = arith.constant 0 : i32
      %dma_start3A_133 = tpu.memref_slice %arg2[%dma_start3A, %dma_start3A_132] : memref<10000x128xf32, #tpu.memory_space<hbm>> -> memref<10000x128xf32, #tpu.memory_space<hbm>>
      tpu.enqueue_indirect_dma source(%dma_start3A_133 : memref<10000x128xf32, #tpu.memory_space<hbm>>) target(%arg6 : memref<64x128xf32, #tpu.memory_space<vmem>>) offsets(%arg12 : memref<64xi32, #tpu.memory_space<vmem>>) semaphore(%arg22 : memref<!tpu.dma_semaphore, #tpu.memory_space<semaphore_mem>>)
      %add3A_134 = arith.constant 0 : i32
      %add3A_135 = arith.addi %add3A_8, %add3A_134 : i32
      %mul3A_136 = arith.constant 64 : i32
      %mul3A_137 = arith.muli %add3A_135, %mul3A_136 : i32
      %multiple_of3A_138 = tpu.assume_multiple %mul3A_137, 64 : i32
      %dma_start3A_139 = arith.constant 0 : i32
      %dma_start3A_140 = tpu.memref_slice %arg4[%multiple_of3A_138, %dma_start3A_139] : memref<320000x128xf32, #tpu.memory_space<hbm>> -> memref<64x128xf32, #tpu.memory_space<hbm>>
      %dma_start3A_141 = arith.constant 0 : i32
      %dma_start3A_142 = tpu.memref_slice %arg4[%multiple_of3A_138, %dma_start3A_141] : memref<320000x128xf32, #tpu.memory_space<hbm>> -> memref<64x128xf32, #tpu.memory_space<hbm>>
      tpu.enqueue_dma source(%dma_start3A_142 : memref<64x128xf32, #tpu.memory_space<hbm>>) target(%arg9 : memref<64x128xf32, #tpu.memory_space<vmem>>) target_semaphore(%arg25 : memref<!tpu.dma_semaphore, #tpu.memory_space<semaphore_mem>>)
    } else {
    }
    %gt3A_56 = arith.constant 1 : i32
    %gt3A_57 = arith.cmpi sgt, %add3A_4, %gt3A_56 : i32
    %convert_element_type3A_58 = arith.extui %gt3A_57 : i1 to i32
    %cond3A_59 = arith.constant 0 : i32
    %cond3A_60 = arith.cmpi ne, %convert_element_type3A_58, %cond3A_59 : i32
    scf.if %cond3A_60 {
      %dma_wait3A = arith.constant 0 : i32
      %dma_wait3A_125 = tpu.memref_slice %arg3[%dma_wait3A] : memref<640000xi32, #tpu.memory_space<hbm>> -> memref<64xi32, #tpu.memory_space<hbm>>
      %dma_wait3A_126 = arith.constant 0 : i32
      %dma_wait3A_127 = tpu.memref_slice %arg3[%dma_wait3A_126] : memref<640000xi32, #tpu.memory_space<hbm>> -> memref<64xi32, #tpu.memory_space<hbm>>
      tpu.wait_dma2 semaphore(%arg32 : memref<!tpu.dma_semaphore, #tpu.memory_space<semaphore_mem>>) src(%dma_wait3A_127 : memref<64xi32, #tpu.memory_space<hbm>>) dst(%arg13 : memref<64xi32, #tpu.memory_space<vmem>>)
      %dma_wait3A_128 = arith.constant 0 : i32
      %dma_wait3A_129 = tpu.memref_slice %arg3[%dma_wait3A_128] : memref<640000xi32, #tpu.memory_space<hbm>> -> memref<64xi32, #tpu.memory_space<hbm>>
      %dma_wait3A_130 = arith.constant 0 : i32
      %dma_wait3A_131 = tpu.memref_slice %arg3[%dma_wait3A_130] : memref<640000xi32, #tpu.memory_space<hbm>> -> memref<64xi32, #tpu.memory_space<hbm>>
      tpu.wait_dma2 semaphore(%arg32 : memref<!tpu.dma_semaphore, #tpu.memory_space<semaphore_mem>>) src(%dma_wait3A_131 : memref<64xi32, #tpu.memory_space<hbm>>) dst(%arg16 : memref<64xi32, #tpu.memory_space<vmem>>)
      %dma_start3A = arith.constant 0 : i32
      %dma_start3A_132 = arith.constant 0 : i32
      %dma_start3A_133 = tpu.memref_slice %arg2[%dma_start3A, %dma_start3A_132] : memref<10000x128xf32, #tpu.memory_space<hbm>> -> memref<10000x128xf32, #tpu.memory_space<hbm>>
      tpu.enqueue_indirect_dma source(%dma_start3A_133 : memref<10000x128xf32, #tpu.memory_space<hbm>>) target(%arg7 : memref<64x128xf32, #tpu.memory_space<vmem>>) offsets(%arg13 : memref<64xi32, #tpu.memory_space<vmem>>) semaphore(%arg23 : memref<!tpu.dma_semaphore, #tpu.memory_space<semaphore_mem>>)
      %add3A_134 = arith.constant 1 : i32
      %add3A_135 = arith.addi %add3A_8, %add3A_134 : i32
      %mul3A_136 = arith.constant 64 : i32
      %mul3A_137 = arith.muli %add3A_135, %mul3A_136 : i32
      %multiple_of3A_138 = tpu.assume_multiple %mul3A_137, 64 : i32
      %dma_start3A_139 = arith.constant 0 : i32
      %dma_start3A_140 = tpu.memref_slice %arg4[%multiple_of3A_138, %dma_start3A_139] : memref<320000x128xf32, #tpu.memory_space<hbm>> -> memref<64x128xf32, #tpu.memory_space<hbm>>
      %dma_start3A_141 = arith.constant 0 : i32
      %dma_start3A_142 = tpu.memref_slice %arg4[%multiple_of3A_138, %dma_start3A_141] : memref<320000x128xf32, #tpu.memory_space<hbm>> -> memref<64x128xf32, #tpu.memory_space<hbm>>
      tpu.enqueue_dma source(%dma_start3A_142 : memref<64x128xf32, #tpu.memory_space<hbm>>) target(%arg10 : memref<64x128xf32, #tpu.memory_space<vmem>>) target_semaphore(%arg26 : memref<!tpu.dma_semaphore, #tpu.memory_space<semaphore_mem>>)
    } else {
    }
    %scan3A_61 = arith.constant 0 : i32
    %scan3A_62 = arith.constant 53 : i32
    %scan3A_63 = arith.addi %scan3A_61, %scan3A_62 : i32
    %scan3A_64 = arith.constant 1 : i32
    scf.for %scan3A_125 = %scan3A_61 to %scan3A_63 step %scan3A_64  : i32 {
      %mul3A_126 = arith.constant 3 : i32
      %mul3A_127 = arith.muli %scan3A_125, %mul3A_126 : i32
      %add3A_128 = arith.constant 0 : i32
      %add3A_129 = arith.addi %mul3A_127, %add3A_128 : i32
      %lt3A_130 = arith.cmpi slt, %add3A_129, %add3A_4 : i32
      %convert_element_type3A_131 = arith.extui %lt3A_130 : i1 to i32
      %cond3A_132 = arith.constant 0 : i32
      %cond3A_133 = arith.cmpi ne, %convert_element_type3A_131, %cond3A_132 : i32
      scf.if %cond3A_133 {
        %dma_wait3A = arith.constant 0 : i32
        %dma_wait3A_216 = arith.constant 0 : i32
        %dma_wait3A_217 = tpu.memref_slice %arg2[%dma_wait3A, %dma_wait3A_216] : memref<10000x128xf32, #tpu.memory_space<hbm>> -> memref<10000x128xf32, #tpu.memory_space<hbm>>
        tpu.wait_indirect_dma semaphore(%arg22 : memref<!tpu.dma_semaphore, #tpu.memory_space<semaphore_mem>>) src(%dma_wait3A_217 : memref<10000x128xf32, #tpu.memory_space<hbm>>) dst(%arg6 : memref<64x128xf32, #tpu.memory_space<vmem>>)
        %dma_wait3A_218 = arith.constant 0 : i32
        %dma_wait3A_219 = arith.constant 0 : i32
        %dma_wait3A_220 = tpu.memref_slice %arg4[%dma_wait3A_218, %dma_wait3A_219] : memref<320000x128xf32, #tpu.memory_space<hbm>> -> memref<64x128xf32, #tpu.memory_space<hbm>>
        %dma_wait3A_221 = arith.constant 0 : i32
        %dma_wait3A_222 = arith.constant 0 : i32
        %dma_wait3A_223 = tpu.memref_slice %arg4[%dma_wait3A_221, %dma_wait3A_222] : memref<320000x128xf32, #tpu.memory_space<hbm>> -> memref<64x128xf32, #tpu.memory_space<hbm>>
        tpu.wait_dma2 semaphore(%arg25 : memref<!tpu.dma_semaphore, #tpu.memory_space<semaphore_mem>>) src(%dma_wait3A_223 : memref<64x128xf32, #tpu.memory_space<hbm>>) dst(%arg9 : memref<64x128xf32, #tpu.memory_space<vmem>>)
        %parallel_loop3A = arith.constant 0 : i32
        %parallel_loop3A_224 = arith.constant 64 : i32
        %parallel_loop3A_225 = arith.constant 1 : i32
        scf.for %parallel_loop3A_254 = %parallel_loop3A to %parallel_loop3A_224 step %parallel_loop3A_225  : i32 {
          %parallel_loop3A_255 = arith.index_cast %parallel_loop3A_254 : i32 to index
          %parallel_loop3A_256 = arith.constant 0 : index
          %parallel_loop3A_257 = tpu.vector_load %arg6[%parallel_loop3A_255, %parallel_loop3A_256] {strides = array<i32>} : memref<64x128xf32, #tpu.memory_space<vmem>>, vector<1x16xf32>,
          %parallel_loop3A_258 = vector.shape_cast %parallel_loop3A_257 : vector<1x16xf32> to vector<16xf32>
          %parallel_loop3A_259 = arith.index_cast %parallel_loop3A_254 : i32 to index
          %parallel_loop3A_260 = arith.constant 0 : index
          %parallel_loop3A_261 = tpu.vector_load %arg9[%parallel_loop3A_259, %parallel_loop3A_260] {strides = array<i32>} : memref<64x128xf32, #tpu.memory_space<vmem>>, vector<1x16xf32>,
          %parallel_loop3A_262 = vector.shape_cast %parallel_loop3A_261 : vector<1x16xf32> to vector<16xf32>
          %parallel_loop3A_263 = arith.mulf %parallel_loop3A_258, %parallel_loop3A_262 : vector<16xf32>
          %parallel_loop3A_264 = arith.index_cast %parallel_loop3A_254 : i32 to index
          %parallel_loop3A_265 = arith.constant 0 : index
          %parallel_loop3A_266 = tpu.vector_load %arg6[%parallel_loop3A_264, %parallel_loop3A_265] {strides = array<i32>} : memref<64x128xf32, #tpu.memory_space<vmem>>, vector<1x16xf32>,
          %parallel_loop3A_267 = vector.shape_cast %parallel_loop3A_266 : vector<1x16xf32> to vector<16xf32>
          %parallel_loop3A_268 = vector.shape_cast %parallel_loop3A_263 : vector<16xf32> to vector<1x16xf32>
          tpu.vector_store %arg6[%parallel_loop3A_264, %parallel_loop3A_265], %parallel_loop3A_268 {strides = array<i32>} : memref<64x128xf32, #tpu.memory_space<vmem>>, vector<1x16xf32>,
          %parallel_loop3A_269 = arith.index_cast %parallel_loop3A_254 : i32 to index
          %parallel_loop3A_270 = arith.constant 16 : index
          %parallel_loop3A_271 = tpu.vector_load %arg6[%parallel_loop3A_269, %parallel_loop3A_270] {strides = array<i32>} : memref<64x128xf32, #tpu.memory_space<vmem>>, vector<1x16xf32>,
          %parallel_loop3A_272 = vector.shape_cast %parallel_loop3A_271 : vector<1x16xf32> to vector<16xf32>
          %parallel_loop3A_273 = arith.index_cast %parallel_loop3A_254 : i32 to index
          %parallel_loop3A_274 = arith.constant 16 : index
          %parallel_loop3A_275 = tpu.vector_load %arg9[%parallel_loop3A_273, %parallel_loop3A_274] {strides = array<i32>} : memref<64x128xf32, #tpu.memory_space<vmem>>, vector<1x16xf32>,
          %parallel_loop3A_276 = vector.shape_cast %parallel_loop3A_275 : vector<1x16xf32> to vector<16xf32>
          %parallel_loop3A_277 = arith.mulf %parallel_loop3A_272, %parallel_loop3A_276 : vector<16xf32>
          %parallel_loop3A_278 = arith.index_cast %parallel_loop3A_254 : i32 to index
          %parallel_loop3A_279 = arith.constant 16 : index
          %parallel_loop3A_280 = tpu.vector_load %arg6[%parallel_loop3A_278, %parallel_loop3A_279] {strides = array<i32>} : memref<64x128xf32, #tpu.memory_space<vmem>>, vector<1x16xf32>,
          %parallel_loop3A_281 = vector.shape_cast %parallel_loop3A_280 : vector<1x16xf32> to vector<16xf32>
          %parallel_loop3A_282 = vector.shape_cast %parallel_loop3A_277 : vector<16xf32> to vector<1x16xf32>
          tpu.vector_store %arg6[%parallel_loop3A_278, %parallel_loop3A_279], %parallel_loop3A_282 {strides = array<i32>} : memref<64x128xf32, #tpu.memory_space<vmem>>, vector<1x16xf32>,
          %parallel_loop3A_283 = arith.index_cast %parallel_loop3A_254 : i32 to index
          %parallel_loop3A_284 = arith.constant 32 : index
          %parallel_loop3A_285 = tpu.vector_load %arg6[%parallel_loop3A_283, %parallel_loop3A_284] {strides = array<i32>} : memref<64x128xf32, #tpu.memory_space<vmem>>, vector<1x16xf32>,
          %parallel_loop3A_286 = vector.shape_cast %parallel_loop3A_285 : vector<1x16xf32> to vector<16xf32>
          %parallel_loop3A_287 = arith.index_cast %parallel_loop3A_254 : i32 to index
          %parallel_loop3A_288 = arith.constant 32 : index
          %parallel_loop3A_289 = tpu.vector_load %arg9[%parallel_loop3A_287, %parallel_loop3A_288] {strides = array<i32>} : memref<64x128xf32, #tpu.memory_space<vmem>>, vector<1x16xf32>,
          %parallel_loop3A_290 = vector.shape_cast %parallel_loop3A_289 : vector<1x16xf32> to vector<16xf32>
          %parallel_loop3A_291 = arith.mulf %parallel_loop3A_286, %parallel_loop3A_290 : vector<16xf32>
          %parallel_loop3A_292 = arith.index_cast %parallel_loop3A_254 : i32 to index
          %parallel_loop3A_293 = arith.constant 32 : index
          %parallel_loop3A_294 = tpu.vector_load %arg6[%parallel_loop3A_292, %parallel_loop3A_293] {strides = array<i32>} : memref<64x128xf32, #tpu.memory_space<vmem>>, vector<1x16xf32>,
          %parallel_loop3A_295 = vector.shape_cast %parallel_loop3A_294 : vector<1x16xf32> to vector<16xf32>
          %parallel_loop3A_296 = vector.shape_cast %parallel_loop3A_291 : vector<16xf32> to vector<1x16xf32>
          tpu.vector_store %arg6[%parallel_loop3A_292, %parallel_loop3A_293], %parallel_loop3A_296 {strides = array<i32>} : memref<64x128xf32, #tpu.memory_space<vmem>>, vector<1x16xf32>,
          %parallel_loop3A_297 = arith.index_cast %parallel_loop3A_254 : i32 to index
          %parallel_loop3A_298 = arith.constant 48 : index
          %parallel_loop3A_299 = tpu.vector_load %arg6[%parallel_loop3A_297, %parallel_loop3A_298] {strides = array<i32>} : memref<64x128xf32, #tpu.memory_space<vmem>>, vector<1x16xf32>,
          %parallel_loop3A_300 = vector.shape_cast %parallel_loop3A_299 : vector<1x16xf32> to vector<16xf32>
          %parallel_loop3A_301 = arith.index_cast %parallel_loop3A_254 : i32 to index
          %parallel_loop3A_302 = arith.constant 48 : index
          %parallel_loop3A_303 = tpu.vector_load %arg9[%parallel_loop3A_301, %parallel_loop3A_302] {strides = array<i32>} : memref<64x128xf32, #tpu.memory_space<vmem>>, vector<1x16xf32>,
          %parallel_loop3A_304 = vector.shape_cast %parallel_loop3A_303 : vector<1x16xf32> to vector<16xf32>
          %parallel_loop3A_305 = arith.mulf %parallel_loop3A_300, %parallel_loop3A_304 : vector<16xf32>
          %parallel_loop3A_306 = arith.index_cast %parallel_loop3A_254 : i32 to index
          %parallel_loop3A_307 = arith.constant 48 : index
          %parallel_loop3A_308 = tpu.vector_load %arg6[%parallel_loop3A_306, %parallel_loop3A_307] {strides = array<i32>} : memref<64x128xf32, #tpu.memory_space<vmem>>, vector<1x16xf32>,
          %parallel_loop3A_309 = vector.shape_cast %parallel_loop3A_308 : vector<1x16xf32> to vector<16xf32>
          %parallel_loop3A_310 = vector.shape_cast %parallel_loop3A_305 : vector<16xf32> to vector<1x16xf32>
          tpu.vector_store %arg6[%parallel_loop3A_306, %parallel_loop3A_307], %parallel_loop3A_310 {strides = array<i32>} : memref<64x128xf32, #tpu.memory_space<vmem>>, vector<1x16xf32>,
          %parallel_loop3A_311 = arith.index_cast %parallel_loop3A_254 : i32 to index
          %parallel_loop3A_312 = arith.constant 64 : index
          %parallel_loop3A_313 = tpu.vector_load %arg6[%parallel_loop3A_311, %parallel_loop3A_312] {strides = array<i32>} : memref<64x128xf32, #tpu.memory_space<vmem>>, vector<1x16xf32>,
          %parallel_loop3A_314 = vector.shape_cast %parallel_loop3A_313 : vector<1x16xf32> to vector<16xf32>
          %parallel_loop3A_315 = arith.index_cast %parallel_loop3A_254 : i32 to index
          %parallel_loop3A_316 = arith.constant 64 : index
          %parallel_loop3A_317 = tpu.vector_load %arg9[%parallel_loop3A_315, %parallel_loop3A_316] {strides = array<i32>} : memref<64x128xf32, #tpu.memory_space<vmem>>, vector<1x16xf32>,
          %parallel_loop3A_318 = vector.shape_cast %parallel_loop3A_317 : vector<1x16xf32> to vector<16xf32>
          %parallel_loop3A_319 = arith.mulf %parallel_loop3A_314, %parallel_loop3A_318 : vector<16xf32>
          %parallel_loop3A_320 = arith.index_cast %parallel_loop3A_254 : i32 to index
          %parallel_loop3A_321 = arith.constant 64 : index
          %parallel_loop3A_322 = tpu.vector_load %arg6[%parallel_loop3A_320, %parallel_loop3A_321] {strides = array<i32>} : memref<64x128xf32, #tpu.memory_space<vmem>>, vector<1x16xf32>,
          %parallel_loop3A_323 = vector.shape_cast %parallel_loop3A_322 : vector<1x16xf32> to vector<16xf32>
          %parallel_loop3A_324 = vector.shape_cast %parallel_loop3A_319 : vector<16xf32> to vector<1x16xf32>
          tpu.vector_store %arg6[%parallel_loop3A_320, %parallel_loop3A_321], %parallel_loop3A_324 {strides = array<i32>} : memref<64x128xf32, #tpu.memory_space<vmem>>, vector<1x16xf32>,
          %parallel_loop3A_325 = arith.index_cast %parallel_loop3A_254 : i32 to index
          %parallel_loop3A_326 = arith.constant 80 : index
          %parallel_loop3A_327 = tpu.vector_load %arg6[%parallel_loop3A_325, %parallel_loop3A_326] {strides = array<i32>} : memref<64x128xf32, #tpu.memory_space<vmem>>, vector<1x16xf32>,
          %parallel_loop3A_328 = vector.shape_cast %parallel_loop3A_327 : vector<1x16xf32> to vector<16xf32>
          %parallel_loop3A_329 = arith.index_cast %parallel_loop3A_254 : i32 to index
          %parallel_loop3A_330 = arith.constant 80 : index
          %parallel_loop3A_331 = tpu.vector_load %arg9[%parallel_loop3A_329, %parallel_loop3A_330] {strides = array<i32>} : memref<64x128xf32, #tpu.memory_space<vmem>>, vector<1x16xf32>,
          %parallel_loop3A_332 = vector.shape_cast %parallel_loop3A_331 : vector<1x16xf32> to vector<16xf32>
          %parallel_loop3A_333 = arith.mulf %parallel_loop3A_328, %parallel_loop3A_332 : vector<16xf32>
          %parallel_loop3A_334 = arith.index_cast %parallel_loop3A_254 : i32 to index
          %parallel_loop3A_335 = arith.constant 80 : index
          %parallel_loop3A_336 = tpu.vector_load %arg6[%parallel_loop3A_334, %parallel_loop3A_335] {strides = array<i32>} : memref<64x128xf32, #tpu.memory_space<vmem>>, vector<1x16xf32>,
          %parallel_loop3A_337 = vector.shape_cast %parallel_loop3A_336 : vector<1x16xf32> to vector<16xf32>
          %parallel_loop3A_338 = vector.shape_cast %parallel_loop3A_333 : vector<16xf32> to vector<1x16xf32>
          tpu.vector_store %arg6[%parallel_loop3A_334, %parallel_loop3A_335], %parallel_loop3A_338 {strides = array<i32>} : memref<64x128xf32, #tpu.memory_space<vmem>>, vector<1x16xf32>,
          %parallel_loop3A_339 = arith.index_cast %parallel_loop3A_254 : i32 to index
          %parallel_loop3A_340 = arith.constant 96 : index
          %parallel_loop3A_341 = tpu.vector_load %arg6[%parallel_loop3A_339, %parallel_loop3A_340] {strides = array<i32>} : memref<64x128xf32, #tpu.memory_space<vmem>>, vector<1x16xf32>,
          %parallel_loop3A_342 = vector.shape_cast %parallel_loop3A_341 : vector<1x16xf32> to vector<16xf32>
          %parallel_loop3A_343 = arith.index_cast %parallel_loop3A_254 : i32 to index
          %parallel_loop3A_344 = arith.constant 96 : index
          %parallel_loop3A_345 = tpu.vector_load %arg9[%parallel_loop3A_343, %parallel_loop3A_344] {strides = array<i32>} : memref<64x128xf32, #tpu.memory_space<vmem>>, vector<1x16xf32>,
          %parallel_loop3A_346 = vector.shape_cast %parallel_loop3A_345 : vector<1x16xf32> to vector<16xf32>
          %parallel_loop3A_347 = arith.mulf %parallel_loop3A_342, %parallel_loop3A_346 : vector<16xf32>
          %parallel_loop3A_348 = arith.index_cast %parallel_loop3A_254 : i32 to index
          %parallel_loop3A_349 = arith.constant 96 : index
          %parallel_loop3A_350 = tpu.vector_load %arg6[%parallel_loop3A_348, %parallel_loop3A_349] {strides = array<i32>} : memref<64x128xf32, #tpu.memory_space<vmem>>, vector<1x16xf32>,
          %parallel_loop3A_351 = vector.shape_cast %parallel_loop3A_350 : vector<1x16xf32> to vector<16xf32>
          %parallel_loop3A_352 = vector.shape_cast %parallel_loop3A_347 : vector<16xf32> to vector<1x16xf32>
          tpu.vector_store %arg6[%parallel_loop3A_348, %parallel_loop3A_349], %parallel_loop3A_352 {strides = array<i32>} : memref<64x128xf32, #tpu.memory_space<vmem>>, vector<1x16xf32>,
          %parallel_loop3A_353 = arith.index_cast %parallel_loop3A_254 : i32 to index
          %parallel_loop3A_354 = arith.constant 112 : index
          %parallel_loop3A_355 = tpu.vector_load %arg6[%parallel_loop3A_353, %parallel_loop3A_354] {strides = array<i32>} : memref<64x128xf32, #tpu.memory_space<vmem>>, vector<1x16xf32>,
          %parallel_loop3A_356 = vector.shape_cast %parallel_loop3A_355 : vector<1x16xf32> to vector<16xf32>
          %parallel_loop3A_357 = arith.index_cast %parallel_loop3A_254 : i32 to index
          %parallel_loop3A_358 = arith.constant 112 : index
          %parallel_loop3A_359 = tpu.vector_load %arg9[%parallel_loop3A_357, %parallel_loop3A_358] {strides = array<i32>} : memref<64x128xf32, #tpu.memory_space<vmem>>, vector<1x16xf32>,
          %parallel_loop3A_360 = vector.shape_cast %parallel_loop3A_359 : vector<1x16xf32> to vector<16xf32>
          %parallel_loop3A_361 = arith.mulf %parallel_loop3A_356, %parallel_loop3A_360 : vector<16xf32>
          %parallel_loop3A_362 = arith.index_cast %parallel_loop3A_254 : i32 to index
          %parallel_loop3A_363 = arith.constant 112 : index
          %parallel_loop3A_364 = tpu.vector_load %arg6[%parallel_loop3A_362, %parallel_loop3A_363] {strides = array<i32>} : memref<64x128xf32, #tpu.memory_space<vmem>>, vector<1x16xf32>,
          %parallel_loop3A_365 = vector.shape_cast %parallel_loop3A_364 : vector<1x16xf32> to vector<16xf32>
          %parallel_loop3A_366 = vector.shape_cast %parallel_loop3A_361 : vector<16xf32> to vector<1x16xf32>
          tpu.vector_store %arg6[%parallel_loop3A_362, %parallel_loop3A_363], %parallel_loop3A_366 {strides = array<i32>} : memref<64x128xf32, #tpu.memory_space<vmem>>, vector<1x16xf32>,
        } {sc.loop_unroll_factor = 4 : i64, sc.parallel_access}
        %get3A = arith.constant 0 : index
        %get3A_226 = tpu.vector_load %arg15[%get3A] {strides = array<i32>} : memref<64xi32, #tpu.memory_space<vmem>>, vector<16xi32>,
        %get3A_227 = vector.shape_cast %get3A_226 : vector<16xi32> to vector<16xi32>
        %swap3A = arith.constant 0 : index
        %swap3A_228 = tpu.vector_load %arg18[%swap3A] {strides = array<i32>} : memref<64xi32, #tpu.memory_space<vmem>>, vector<16xi32>,
        %swap3A_229 = vector.shape_cast %swap3A_228 : vector<16xi32> to vector<16xi32>
        %swap3A_230 = vector.shape_cast %get3A_227 : vector<16xi32> to vector<16xi32>
        tpu.vector_store %arg18[%swap3A], %swap3A_230 {strides = array<i32>} : memref<64xi32, #tpu.memory_space<vmem>>, vector<16xi32>,
        %get3A_231 = arith.constant 16 : index
        %get3A_232 = tpu.vector_load %arg15[%get3A_231] {strides = array<i32>} : memref<64xi32, #tpu.memory_space<vmem>>, vector<16xi32>,
        %get3A_233 = vector.shape_cast %get3A_232 : vector<16xi32> to vector<16xi32>
        %swap3A_234 = arith.constant 16 : index
        %swap3A_235 = tpu.vector_load %arg18[%swap3A_234] {strides = array<i32>} : memref<64xi32, #tpu.memory_space<vmem>>, vector<16xi32>,
        %swap3A_236 = vector.shape_cast %swap3A_235 : vector<16xi32> to vector<16xi32>
        %swap3A_237 = vector.shape_cast %get3A_233 : vector<16xi32> to vector<16xi32>
        tpu.vector_store %arg18[%swap3A_234], %swap3A_237 {strides = array<i32>} : memref<64xi32, #tpu.memory_space<vmem>>, vector<16xi32>,
        %get3A_238 = arith.constant 32 : index
        %get3A_239 = tpu.vector_load %arg15[%get3A_238] {strides = array<i32>} : memref<64xi32, #tpu.memory_space<vmem>>, vector<16xi32>,
        %get3A_240 = vector.shape_cast %get3A_239 : vector<16xi32> to vector<16xi32>
        %swap3A_241 = arith.constant 32 : index
        %swap3A_242 = tpu.vector_load %arg18[%swap3A_241] {strides = array<i32>} : memref<64xi32, #tpu.memory_space<vmem>>, vector<16xi32>,
        %swap3A_243 = vector.shape_cast %swap3A_242 : vector<16xi32> to vector<16xi32>
        %swap3A_244 = vector.shape_cast %get3A_240 : vector<16xi32> to vector<16xi32>
        tpu.vector_store %arg18[%swap3A_241], %swap3A_244 {strides = array<i32>} : memref<64xi32, #tpu.memory_space<vmem>>, vector<16xi32>,
        %get3A_245 = arith.constant 48 : index
        %get3A_246 = tpu.vector_load %arg15[%get3A_245] {strides = array<i32>} : memref<64xi32, #tpu.memory_space<vmem>>, vector<16xi32>,
        %get3A_247 = vector.shape_cast %get3A_246 : vector<16xi32> to vector<16xi32>
        %swap3A_248 = arith.constant 48 : index
        %swap3A_249 = tpu.vector_load %arg18[%swap3A_248] {strides = array<i32>} : memref<64xi32, #tpu.memory_space<vmem>>, vector<16xi32>,
        %swap3A_250 = vector.shape_cast %swap3A_249 : vector<16xi32> to vector<16xi32>
        %swap3A_251 = vector.shape_cast %get3A_247 : vector<16xi32> to vector<16xi32>
        tpu.vector_store %arg18[%swap3A_248], %swap3A_251 {strides = array<i32>} : memref<64xi32, #tpu.memory_space<vmem>>, vector<16xi32>,
        %dma_start3A = arith.constant 0 : i32
        %dma_start3A_252 = arith.constant 0 : i32
        %dma_start3A_253 = tpu.memref_slice %arg21[%dma_start3A, %dma_start3A_252] : memref<10000x128xf32, #tpu.memory_space<vmem_shared>> -> memref<10000x128xf32, #tpu.memory_space<vmem_shared>>
        tpu.enqueue_indirect_dma source(%arg6 : memref<64x128xf32, #tpu.memory_space<vmem>>) target(%dma_start3A_253 : memref<10000x128xf32, #tpu.memory_space<vmem_shared>>) offsets(%arg18 : memref<64xi32, #tpu.memory_space<vmem>>) semaphore(%arg28 : memref<!tpu.dma_semaphore, #tpu.memory_space<semaphore_mem>>) {add = true}
      } else {
      }
      %ge3A = arith.constant 1 : i32
      %ge3A_134 = arith.cmpi sge, %add3A_129, %ge3A : i32
      %sub3A = arith.constant 1 : i32
      %sub3A_135 = arith.subi %add3A_129, %sub3A : i32
      %lt3A_136 = arith.cmpi slt, %sub3A_135, %add3A_4 : i32
      %and3A = arith.andi %ge3A_134, %lt3A_136 : i1
      %convert_element_type3A_137 = arith.extui %and3A : i1 to i32
      %cond3A_138 = arith.constant 0 : i32
      %cond3A_139 = arith.cmpi ne, %convert_element_type3A_137, %cond3A_138 : i32
      scf.if %cond3A_139 {
        %dma_wait3A = arith.constant 0 : i32
        %dma_wait3A_216 = arith.constant 0 : i32
        %dma_wait3A_217 = tpu.memref_slice %arg21[%dma_wait3A, %dma_wait3A_216] : memref<10000x128xf32, #tpu.memory_space<vmem_shared>> -> memref<10000x128xf32, #tpu.memory_space<vmem_shared>>
        tpu.wait_indirect_dma semaphore(%arg30 : memref<!tpu.dma_semaphore, #tpu.memory_space<semaphore_mem>>) src(%arg8 : memref<64x128xf32, #tpu.memory_space<vmem>>) dst(%dma_wait3A_217 : memref<10000x128xf32, #tpu.memory_space<vmem_shared>>)
      } else {
      }
      %add3A_140 = arith.constant 3 : i32
      %add3A_141 = arith.addi %add3A_129, %add3A_140 : i32
      %sub3A_142 = arith.constant 1 : i32
      %sub3A_143 = arith.subi %add3A_141, %sub3A_142 : i32
      %lt3A_144 = arith.cmpi slt, %sub3A_143, %add3A_4 : i32
      %convert_element_type3A_145 = arith.extui %lt3A_144 : i1 to i32
      %cond3A_146 = arith.constant 0 : i32
      %cond3A_147 = arith.cmpi ne, %convert_element_type3A_145, %cond3A_146 : i32
      scf.if %cond3A_147 {
        %dma_wait3A = arith.constant 0 : i32
        %dma_wait3A_216 = tpu.memref_slice %arg3[%dma_wait3A] : memref<640000xi32, #tpu.memory_space<hbm>> -> memref<64xi32, #tpu.memory_space<hbm>>
        %dma_wait3A_217 = arith.constant 0 : i32
        %dma_wait3A_218 = tpu.memref_slice %arg3[%dma_wait3A_217] : memref<640000xi32, #tpu.memory_space<hbm>> -> memref<64xi32, #tpu.memory_space<hbm>>
        tpu.wait_dma2 semaphore(%arg33 : memref<!tpu.dma_semaphore, #tpu.memory_space<semaphore_mem>>) src(%dma_wait3A_218 : memref<64xi32, #tpu.memory_space<hbm>>) dst(%arg14 : memref<64xi32, #tpu.memory_space<vmem>>)
        %dma_wait3A_219 = arith.constant 0 : i32
        %dma_wait3A_220 = tpu.memref_slice %arg3[%dma_wait3A_219] : memref<640000xi32, #tpu.memory_space<hbm>> -> memref<64xi32, #tpu.memory_space<hbm>>
        %dma_wait3A_221 = arith.constant 0 : i32
        %dma_wait3A_222 = tpu.memref_slice %arg3[%dma_wait3A_221] : memref<640000xi32, #tpu.memory_space<hbm>> -> memref<64xi32, #tpu.memory_space<hbm>>
        tpu.wait_dma2 semaphore(%arg33 : memref<!tpu.dma_semaphore, #tpu.memory_space<semaphore_mem>>) src(%dma_wait3A_222 : memref<64xi32, #tpu.memory_space<hbm>>) dst(%arg17 : memref<64xi32, #tpu.memory_space<vmem>>)
        %dma_start3A = arith.constant 0 : i32
        %dma_start3A_223 = arith.constant 0 : i32
        %dma_start3A_224 = tpu.memref_slice %arg2[%dma_start3A, %dma_start3A_223] : memref<10000x128xf32, #tpu.memory_space<hbm>> -> memref<10000x128xf32, #tpu.memory_space<hbm>>
        tpu.enqueue_indirect_dma source(%dma_start3A_224 : memref<10000x128xf32, #tpu.memory_space<hbm>>) target(%arg8 : memref<64x128xf32, #tpu.memory_space<vmem>>) offsets(%arg14 : memref<64xi32, #tpu.memory_space<vmem>>) semaphore(%arg24 : memref<!tpu.dma_semaphore, #tpu.memory_space<semaphore_mem>>)
        %add3A_225 = arith.addi %add3A_8, %sub3A_143 : i32
        %mul3A_226 = arith.constant 64 : i32
        %mul3A_227 = arith.muli %add3A_225, %mul3A_226 : i32
        %multiple_of3A_228 = tpu.assume_multiple %mul3A_227, 64 : i32
        %dma_start3A_229 = arith.constant 0 : i32
        %dma_start3A_230 = tpu.memref_slice %arg4[%multiple_of3A_228, %dma_start3A_229] : memref<320000x128xf32, #tpu.memory_space<hbm>> -> memref<64x128xf32, #tpu.memory_space<hbm>>
        %dma_start3A_231 = arith.constant 0 : i32
        %dma_start3A_232 = tpu.memref_slice %arg4[%multiple_of3A_228, %dma_start3A_231] : memref<320000x128xf32, #tpu.memory_space<hbm>> -> memref<64x128xf32, #tpu.memory_space<hbm>>
        tpu.enqueue_dma source(%dma_start3A_232 : memref<64x128xf32, #tpu.memory_space<hbm>>) target(%arg11 : memref<64x128xf32, #tpu.memory_space<vmem>>) target_semaphore(%arg27 : memref<!tpu.dma_semaphore, #tpu.memory_space<semaphore_mem>>)
      } else {
      }
      %add3A_148 = arith.constant 3 : i32
      %add3A_149 = arith.addi %add3A_129, %add3A_148 : i32
      %lt3A_150 = arith.cmpi slt, %add3A_149, %add3A_4 : i32
      %convert_element_type3A_151 = arith.extui %lt3A_150 : i1 to i32
      %cond3A_152 = arith.constant 0 : i32
      %cond3A_153 = arith.cmpi ne, %convert_element_type3A_151, %cond3A_152 : i32
      scf.if %cond3A_153 {
        %add3A_216 = arith.addi %add3A_8, %add3A_149 : i32
        %mul3A_217 = arith.constant 64 : i32
        %mul3A_218 = arith.muli %add3A_216, %mul3A_217 : i32
        %multiple_of3A_219 = tpu.assume_multiple %mul3A_218, 64 : i32
        %add3A_220 = arith.constant 320000 : i32
        %add3A_221 = arith.addi %add3A_220, %multiple_of3A_219 : i32
        %dma_start3A = tpu.memref_slice %arg3[%add3A_221] : memref<640000xi32, #tpu.memory_space<hbm>> -> memref<64xi32, #tpu.memory_space<hbm>>
        %dma_start3A_222 = tpu.memref_slice %arg3[%add3A_221] : memref<640000xi32, #tpu.memory_space<hbm>> -> memref<64xi32, #tpu.memory_space<hbm>>
        tpu.enqueue_dma source(%dma_start3A_222 : memref<64xi32, #tpu.memory_space<hbm>>) target(%arg12 : memref<64xi32, #tpu.memory_space<vmem>>) target_semaphore(%arg31 : memref<!tpu.dma_semaphore, #tpu.memory_space<semaphore_mem>>)
        %dma_start3A_223 = tpu.memref_slice %arg3[%multiple_of3A_219] : memref<640000xi32, #tpu.memory_space<hbm>> -> memref<64xi32, #tpu.memory_space<hbm>>
        %dma_start3A_224 = tpu.memref_slice %arg3[%multiple_of3A_219] : memref<640000xi32, #tpu.memory_space<hbm>> -> memref<64xi32, #tpu.memory_space<hbm>>
        tpu.enqueue_dma source(%dma_start3A_224 : memref<64xi32, #tpu.memory_space<hbm>>) target(%arg15 : memref<64xi32, #tpu.memory_space<vmem>>) target_semaphore(%arg31 : memref<!tpu.dma_semaphore, #tpu.memory_space<semaphore_mem>>)
      } else {
      }
      %mul3A_154 = arith.constant 3 : i32
      %mul3A_155 = arith.muli %scan3A_125, %mul3A_154 : i32
      %add3A_156 = arith.constant 1 : i32
      %add3A_157 = arith.addi %mul3A_155, %add3A_156 : i32
      %lt3A_158 = arith.cmpi slt, %add3A_157, %add3A_4 : i32
      %convert_element_type3A_159 = arith.extui %lt3A_158 : i1 to i32
      %cond3A_160 = arith.constant 0 : i32
      %cond3A_161 = arith.cmpi ne, %convert_element_type3A_159, %cond3A_160 : i32
      scf.if %cond3A_161 {
        %dma_wait3A = arith.constant 0 : i32
        %dma_wait3A_216 = arith.constant 0 : i32
        %dma_wait3A_217 = tpu.memref_slice %arg2[%dma_wait3A, %dma_wait3A_216] : memref<10000x128xf32, #tpu.memory_space<hbm>> -> memref<10000x128xf32, #tpu.memory_space<hbm>>
        tpu.wait_indirect_dma semaphore(%arg23 : memref<!tpu.dma_semaphore, #tpu.memory_space<semaphore_mem>>) src(%dma_wait3A_217 : memref<10000x128xf32, #tpu.memory_space<hbm>>) dst(%arg7 : memref<64x128xf32, #tpu.memory_space<vmem>>)
        %dma_wait3A_218 = arith.constant 0 : i32
        %dma_wait3A_219 = arith.constant 0 : i32
        %dma_wait3A_220 = tpu.memref_slice %arg4[%dma_wait3A_218, %dma_wait3A_219] : memref<320000x128xf32, #tpu.memory_space<hbm>> -> memref<64x128xf32, #tpu.memory_space<hbm>>
        %dma_wait3A_221 = arith.constant 0 : i32
        %dma_wait3A_222 = arith.constant 0 : i32
        %dma_wait3A_223 = tpu.memref_slice %arg4[%dma_wait3A_221, %dma_wait3A_222] : memref<320000x128xf32, #tpu.memory_space<hbm>> -> memref<64x128xf32, #tpu.memory_space<hbm>>
        tpu.wait_dma2 semaphore(%arg26 : memref<!tpu.dma_semaphore, #tpu.memory_space<semaphore_mem>>) src(%dma_wait3A_223 : memref<64x128xf32, #tpu.memory_space<hbm>>) dst(%arg10 : memref<64x128xf32, #tpu.memory_space<vmem>>)
        %parallel_loop3A = arith.constant 0 : i32
        %parallel_loop3A_224 = arith.constant 64 : i32
        %parallel_loop3A_225 = arith.constant 1 : i32
        scf.for %parallel_loop3A_254 = %parallel_loop3A to %parallel_loop3A_224 step %parallel_loop3A_225  : i32 {
          %parallel_loop3A_255 = arith.index_cast %parallel_loop3A_254 : i32 to index
          %parallel_loop3A_256 = arith.constant 0 : index
          %parallel_loop3A_257 = tpu.vector_load %arg7[%parallel_loop3A_255, %parallel_loop3A_256] {strides = array<i32>} : memref<64x128xf32, #tpu.memory_space<vmem>>, vector<1x16xf32>,
          %parallel_loop3A_258 = vector.shape_cast %parallel_loop3A_257 : vector<1x16xf32> to vector<16xf32>
          %parallel_loop3A_259 = arith.index_cast %parallel_loop3A_254 : i32 to index
          %parallel_loop3A_260 = arith.constant 0 : index
          %parallel_loop3A_261 = tpu.vector_load %arg10[%parallel_loop3A_259, %parallel_loop3A_260] {strides = array<i32>} : memref<64x128xf32, #tpu.memory_space<vmem>>, vector<1x16xf32>,
          %parallel_loop3A_262 = vector.shape_cast %parallel_loop3A_261 : vector<1x16xf32> to vector<16xf32>
          %parallel_loop3A_263 = arith.mulf %parallel_loop3A_258, %parallel_loop3A_262 : vector<16xf32>
          %parallel_loop3A_264 = arith.index_cast %parallel_loop3A_254 : i32 to index
          %parallel_loop3A_265 = arith.constant 0 : index
          %parallel_loop3A_266 = tpu.vector_load %arg7[%parallel_loop3A_264, %parallel_loop3A_265] {strides = array<i32>} : memref<64x128xf32, #tpu.memory_space<vmem>>, vector<1x16xf32>,
          %parallel_loop3A_267 = vector.shape_cast %parallel_loop3A_266 : vector<1x16xf32> to vector<16xf32>
          %parallel_loop3A_268 = vector.shape_cast %parallel_loop3A_263 : vector<16xf32> to vector<1x16xf32>
          tpu.vector_store %arg7[%parallel_loop3A_264, %parallel_loop3A_265], %parallel_loop3A_268 {strides = array<i32>} : memref<64x128xf32, #tpu.memory_space<vmem>>, vector<1x16xf32>,
          %parallel_loop3A_269 = arith.index_cast %parallel_loop3A_254 : i32 to index
          %parallel_loop3A_270 = arith.constant 16 : index
          %parallel_loop3A_271 = tpu.vector_load %arg7[%parallel_loop3A_269, %parallel_loop3A_270] {strides = array<i32>} : memref<64x128xf32, #tpu.memory_space<vmem>>, vector<1x16xf32>,
          %parallel_loop3A_272 = vector.shape_cast %parallel_loop3A_271 : vector<1x16xf32> to vector<16xf32>
          %parallel_loop3A_273 = arith.index_cast %parallel_loop3A_254 : i32 to index
          %parallel_loop3A_274 = arith.constant 16 : index
          %parallel_loop3A_275 = tpu.vector_load %arg10[%parallel_loop3A_273, %parallel_loop3A_274] {strides = array<i32>} : memref<64x128xf32, #tpu.memory_space<vmem>>, vector<1x16xf32>,
          %parallel_loop3A_276 = vector.shape_cast %parallel_loop3A_275 : vector<1x16xf32> to vector<16xf32>
          %parallel_loop3A_277 = arith.mulf %parallel_loop3A_272, %parallel_loop3A_276 : vector<16xf32>
          %parallel_loop3A_278 = arith.index_cast %parallel_loop3A_254 : i32 to index
          %parallel_loop3A_279 = arith.constant 16 : index
          %parallel_loop3A_280 = tpu.vector_load %arg7[%parallel_loop3A_278, %parallel_loop3A_279] {strides = array<i32>} : memref<64x128xf32, #tpu.memory_space<vmem>>, vector<1x16xf32>,
          %parallel_loop3A_281 = vector.shape_cast %parallel_loop3A_280 : vector<1x16xf32> to vector<16xf32>
          %parallel_loop3A_282 = vector.shape_cast %parallel_loop3A_277 : vector<16xf32> to vector<1x16xf32>
          tpu.vector_store %arg7[%parallel_loop3A_278, %parallel_loop3A_279], %parallel_loop3A_282 {strides = array<i32>} : memref<64x128xf32, #tpu.memory_space<vmem>>, vector<1x16xf32>,
          %parallel_loop3A_283 = arith.index_cast %parallel_loop3A_254 : i32 to index
          %parallel_loop3A_284 = arith.constant 32 : index
          %parallel_loop3A_285 = tpu.vector_load %arg7[%parallel_loop3A_283, %parallel_loop3A_284] {strides = array<i32>} : memref<64x128xf32, #tpu.memory_space<vmem>>, vector<1x16xf32>,
          %parallel_loop3A_286 = vector.shape_cast %parallel_loop3A_285 : vector<1x16xf32> to vector<16xf32>
          %parallel_loop3A_287 = arith.index_cast %parallel_loop3A_254 : i32 to index
          %parallel_loop3A_288 = arith.constant 32 : index
          %parallel_loop3A_289 = tpu.vector_load %arg10[%parallel_loop3A_287, %parallel_loop3A_288] {strides = array<i32>} : memref<64x128xf32, #tpu.memory_space<vmem>>, vector<1x16xf32>,
          %parallel_loop3A_290 = vector.shape_cast %parallel_loop3A_289 : vector<1x16xf32> to vector<16xf32>
          %parallel_loop3A_291 = arith.mulf %parallel_loop3A_286, %parallel_loop3A_290 : vector<16xf32>
          %parallel_loop3A_292 = arith.index_cast %parallel_loop3A_254 : i32 to index
          %parallel_loop3A_293 = arith.constant 32 : index
          %parallel_loop3A_294 = tpu.vector_load %arg7[%parallel_loop3A_292, %parallel_loop3A_293] {strides = array<i32>} : memref<64x128xf32, #tpu.memory_space<vmem>>, vector<1x16xf32>,
          %parallel_loop3A_295 = vector.shape_cast %parallel_loop3A_294 : vector<1x16xf32> to vector<16xf32>
          %parallel_loop3A_296 = vector.shape_cast %parallel_loop3A_291 : vector<16xf32> to vector<1x16xf32>
          tpu.vector_store %arg7[%parallel_loop3A_292, %parallel_loop3A_293], %parallel_loop3A_296 {strides = array<i32>} : memref<64x128xf32, #tpu.memory_space<vmem>>, vector<1x16xf32>,
          %parallel_loop3A_297 = arith.index_cast %parallel_loop3A_254 : i32 to index
          %parallel_loop3A_298 = arith.constant 48 : index
          %parallel_loop3A_299 = tpu.vector_load %arg7[%parallel_loop3A_297, %parallel_loop3A_298] {strides = array<i32>} : memref<64x128xf32, #tpu.memory_space<vmem>>, vector<1x16xf32>,
          %parallel_loop3A_300 = vector.shape_cast %parallel_loop3A_299 : vector<1x16xf32> to vector<16xf32>
          %parallel_loop3A_301 = arith.index_cast %parallel_loop3A_254 : i32 to index
          %parallel_loop3A_302 = arith.constant 48 : index
          %parallel_loop3A_303 = tpu.vector_load %arg10[%parallel_loop3A_301, %parallel_loop3A_302] {strides = array<i32>} : memref<64x128xf32, #tpu.memory_space<vmem>>, vector<1x16xf32>,
          %parallel_loop3A_304 = vector.shape_cast %parallel_loop3A_303 : vector<1x16xf32> to vector<16xf32>
          %parallel_loop3A_305 = arith.mulf %parallel_loop3A_300, %parallel_loop3A_304 : vector<16xf32>
          %parallel_loop3A_306 = arith.index_cast %parallel_loop3A_254 : i32 to index
          %parallel_loop3A_307 = arith.constant 48 : index
          %parallel_loop3A_308 = tpu.vector_load %arg7[%parallel_loop3A_306, %parallel_loop3A_307] {strides = array<i32>} : memref<64x128xf32, #tpu.memory_space<vmem>>, vector<1x16xf32>,
          %parallel_loop3A_309 = vector.shape_cast %parallel_loop3A_308 : vector<1x16xf32> to vector<16xf32>
          %parallel_loop3A_310 = vector.shape_cast %parallel_loop3A_305 : vector<16xf32> to vector<1x16xf32>
          tpu.vector_store %arg7[%parallel_loop3A_306, %parallel_loop3A_307], %parallel_loop3A_310 {strides = array<i32>} : memref<64x128xf32, #tpu.memory_space<vmem>>, vector<1x16xf32>,
          %parallel_loop3A_311 = arith.index_cast %parallel_loop3A_254 : i32 to index
          %parallel_loop3A_312 = arith.constant 64 : index
          %parallel_loop3A_313 = tpu.vector_load %arg7[%parallel_loop3A_311, %parallel_loop3A_312] {strides = array<i32>} : memref<64x128xf32, #tpu.memory_space<vmem>>, vector<1x16xf32>,
          %parallel_loop3A_314 = vector.shape_cast %parallel_loop3A_313 : vector<1x16xf32> to vector<16xf32>
          %parallel_loop3A_315 = arith.index_cast %parallel_loop3A_254 : i32 to index
          %parallel_loop3A_316 = arith.constant 64 : index
          %parallel_loop3A_317 = tpu.vector_load %arg10[%parallel_loop3A_315, %parallel_loop3A_316] {strides = array<i32>} : memref<64x128xf32, #tpu.memory_space<vmem>>, vector<1x16xf32>,
          %parallel_loop3A_318 = vector.shape_cast %parallel_loop3A_317 : vector<1x16xf32> to vector<16xf32>
          %parallel_loop3A_319 = arith.mulf %parallel_loop3A_314, %parallel_loop3A_318 : vector<16xf32>
          %parallel_loop3A_320 = arith.index_cast %parallel_loop3A_254 : i32 to index
          %parallel_loop3A_321 = arith.constant 64 : index
          %parallel_loop3A_322 = tpu.vector_load %arg7[%parallel_loop3A_320, %parallel_loop3A_321] {strides = array<i32>} : memref<64x128xf32, #tpu.memory_space<vmem>>, vector<1x16xf32>,
          %parallel_loop3A_323 = vector.shape_cast %parallel_loop3A_322 : vector<1x16xf32> to vector<16xf32>
          %parallel_loop3A_324 = vector.shape_cast %parallel_loop3A_319 : vector<16xf32> to vector<1x16xf32>
          tpu.vector_store %arg7[%parallel_loop3A_320, %parallel_loop3A_321], %parallel_loop3A_324 {strides = array<i32>} : memref<64x128xf32, #tpu.memory_space<vmem>>, vector<1x16xf32>,
          %parallel_loop3A_325 = arith.index_cast %parallel_loop3A_254 : i32 to index
          %parallel_loop3A_326 = arith.constant 80 : index
          %parallel_loop3A_327 = tpu.vector_load %arg7[%parallel_loop3A_325, %parallel_loop3A_326] {strides = array<i32>} : memref<64x128xf32, #tpu.memory_space<vmem>>, vector<1x16xf32>,
          %parallel_loop3A_328 = vector.shape_cast %parallel_loop3A_327 : vector<1x16xf32> to vector<16xf32>
          %parallel_loop3A_329 = arith.index_cast %parallel_loop3A_254 : i32 to index
          %parallel_loop3A_330 = arith.constant 80 : index
          %parallel_loop3A_331 = tpu.vector_load %arg10[%parallel_loop3A_329, %parallel_loop3A_330] {strides = array<i32>} : memref<64x128xf32, #tpu.memory_space<vmem>>, vector<1x16xf32>,
          %parallel_loop3A_332 = vector.shape_cast %parallel_loop3A_331 : vector<1x16xf32> to vector<16xf32>
          %parallel_loop3A_333 = arith.mulf %parallel_loop3A_328, %parallel_loop3A_332 : vector<16xf32>
          %parallel_loop3A_334 = arith.index_cast %parallel_loop3A_254 : i32 to index
          %parallel_loop3A_335 = arith.constant 80 : index
          %parallel_loop3A_336 = tpu.vector_load %arg7[%parallel_loop3A_334, %parallel_loop3A_335] {strides = array<i32>} : memref<64x128xf32, #tpu.memory_space<vmem>>, vector<1x16xf32>,
          %parallel_loop3A_337 = vector.shape_cast %parallel_loop3A_336 : vector<1x16xf32> to vector<16xf32>
          %parallel_loop3A_338 = vector.shape_cast %parallel_loop3A_333 : vector<16xf32> to vector<1x16xf32>
          tpu.vector_store %arg7[%parallel_loop3A_334, %parallel_loop3A_335], %parallel_loop3A_338 {strides = array<i32>} : memref<64x128xf32, #tpu.memory_space<vmem>>, vector<1x16xf32>,
          %parallel_loop3A_339 = arith.index_cast %parallel_loop3A_254 : i32 to index
          %parallel_loop3A_340 = arith.constant 96 : index
          %parallel_loop3A_341 = tpu.vector_load %arg7[%parallel_loop3A_339, %parallel_loop3A_340] {strides = array<i32>} : memref<64x128xf32, #tpu.memory_space<vmem>>, vector<1x16xf32>,
          %parallel_loop3A_342 = vector.shape_cast %parallel_loop3A_341 : vector<1x16xf32> to vector<16xf32>
          %parallel_loop3A_343 = arith.index_cast %parallel_loop3A_254 : i32 to index
          %parallel_loop3A_344 = arith.constant 96 : index
          %parallel_loop3A_345 = tpu.vector_load %arg10[%parallel_loop3A_343, %parallel_loop3A_344] {strides = array<i32>} : memref<64x128xf32, #tpu.memory_space<vmem>>, vector<1x16xf32>,
          %parallel_loop3A_346 = vector.shape_cast %parallel_loop3A_345 : vector<1x16xf32> to vector<16xf32>
          %parallel_loop3A_347 = arith.mulf %parallel_loop3A_342, %parallel_loop3A_346 : vector<16xf32>
          %parallel_loop3A_348 = arith.index_cast %parallel_loop3A_254 : i32 to index
          %parallel_loop3A_349 = arith.constant 96 : index
          %parallel_loop3A_350 = tpu.vector_load %arg7[%parallel_loop3A_348, %parallel_loop3A_349] {strides = array<i32>} : memref<64x128xf32, #tpu.memory_space<vmem>>, vector<1x16xf32>,
          %parallel_loop3A_351 = vector.shape_cast %parallel_loop3A_350 : vector<1x16xf32> to vector<16xf32>
          %parallel_loop3A_352 = vector.shape_cast %parallel_loop3A_347 : vector<16xf32> to vector<1x16xf32>
          tpu.vector_store %arg7[%parallel_loop3A_348, %parallel_loop3A_349], %parallel_loop3A_352 {strides = array<i32>} : memref<64x128xf32, #tpu.memory_space<vmem>>, vector<1x16xf32>,
          %parallel_loop3A_353 = arith.index_cast %parallel_loop3A_254 : i32 to index
          %parallel_loop3A_354 = arith.constant 112 : index
          %parallel_loop3A_355 = tpu.vector_load %arg7[%parallel_loop3A_353, %parallel_loop3A_354] {strides = array<i32>} : memref<64x128xf32, #tpu.memory_space<vmem>>, vector<1x16xf32>,
          %parallel_loop3A_356 = vector.shape_cast %parallel_loop3A_355 : vector<1x16xf32> to vector<16xf32>
          %parallel_loop3A_357 = arith.index_cast %parallel_loop3A_254 : i32 to index
          %parallel_loop3A_358 = arith.constant 112 : index
          %parallel_loop3A_359 = tpu.vector_load %arg10[%parallel_loop3A_357, %parallel_loop3A_358] {strides = array<i32>} : memref<64x128xf32, #tpu.memory_space<vmem>>, vector<1x16xf32>,
          %parallel_loop3A_360 = vector.shape_cast %parallel_loop3A_359 : vector<1x16xf32> to vector<16xf32>
          %parallel_loop3A_361 = arith.mulf %parallel_loop3A_356, %parallel_loop3A_360 : vector<16xf32>
          %parallel_loop3A_362 = arith.index_cast %parallel_loop3A_254 : i32 to index
          %parallel_loop3A_363 = arith.constant 112 : index
          %parallel_loop3A_364 = tpu.vector_load %arg7[%parallel_loop3A_362, %parallel_loop3A_363] {strides = array<i32>} : memref<64x128xf32, #tpu.memory_space<vmem>>, vector<1x16xf32>,
          %parallel_loop3A_365 = vector.shape_cast %parallel_loop3A_364 : vector<1x16xf32> to vector<16xf32>
          %parallel_loop3A_366 = vector.shape_cast %parallel_loop3A_361 : vector<16xf32> to vector<1x16xf32>
          tpu.vector_store %arg7[%parallel_loop3A_362, %parallel_loop3A_363], %parallel_loop3A_366 {strides = array<i32>} : memref<64x128xf32, #tpu.memory_space<vmem>>, vector<1x16xf32>,
        } {sc.loop_unroll_factor = 4 : i64, sc.parallel_access}
        %get3A = arith.constant 0 : index
        %get3A_226 = tpu.vector_load %arg16[%get3A] {strides = array<i32>} : memref<64xi32, #tpu.memory_space<vmem>>, vector<16xi32>,
        %get3A_227 = vector.shape_cast %get3A_226 : vector<16xi32> to vector<16xi32>
        %swap3A = arith.constant 0 : index
        %swap3A_228 = tpu.vector_load %arg19[%swap3A] {strides = array<i32>} : memref<64xi32, #tpu.memory_space<vmem>>, vector<16xi32>,
        %swap3A_229 = vector.shape_cast %swap3A_228 : vector<16xi32> to vector<16xi32>
        %swap3A_230 = vector.shape_cast %get3A_227 : vector<16xi32> to vector<16xi32>
        tpu.vector_store %arg19[%swap3A], %swap3A_230 {strides = array<i32>} : memref<64xi32, #tpu.memory_space<vmem>>, vector<16xi32>,
        %get3A_231 = arith.constant 16 : index
        %get3A_232 = tpu.vector_load %arg16[%get3A_231] {strides = array<i32>} : memref<64xi32, #tpu.memory_space<vmem>>, vector<16xi32>,
        %get3A_233 = vector.shape_cast %get3A_232 : vector<16xi32> to vector<16xi32>
        %swap3A_234 = arith.constant 16 : index
        %swap3A_235 = tpu.vector_load %arg19[%swap3A_234] {strides = array<i32>} : memref<64xi32, #tpu.memory_space<vmem>>, vector<16xi32>,
        %swap3A_236 = vector.shape_cast %swap3A_235 : vector<16xi32> to vector<16xi32>
        %swap3A_237 = vector.shape_cast %get3A_233 : vector<16xi32> to vector<16xi32>
        tpu.vector_store %arg19[%swap3A_234], %swap3A_237 {strides = array<i32>} : memref<64xi32, #tpu.memory_space<vmem>>, vector<16xi32>,
        %get3A_238 = arith.constant 32 : index
        %get3A_239 = tpu.vector_load %arg16[%get3A_238] {strides = array<i32>} : memref<64xi32, #tpu.memory_space<vmem>>, vector<16xi32>,
        %get3A_240 = vector.shape_cast %get3A_239 : vector<16xi32> to vector<16xi32>
        %swap3A_241 = arith.constant 32 : index
        %swap3A_242 = tpu.vector_load %arg19[%swap3A_241] {strides = array<i32>} : memref<64xi32, #tpu.memory_space<vmem>>, vector<16xi32>,
        %swap3A_243 = vector.shape_cast %swap3A_242 : vector<16xi32> to vector<16xi32>
        %swap3A_244 = vector.shape_cast %get3A_240 : vector<16xi32> to vector<16xi32>
        tpu.vector_store %arg19[%swap3A_241], %swap3A_244 {strides = array<i32>} : memref<64xi32, #tpu.memory_space<vmem>>, vector<16xi32>,
        %get3A_245 = arith.constant 48 : index
        %get3A_246 = tpu.vector_load %arg16[%get3A_245] {strides = array<i32>} : memref<64xi32, #tpu.memory_space<vmem>>, vector<16xi32>,
        %get3A_247 = vector.shape_cast %get3A_246 : vector<16xi32> to vector<16xi32>
        %swap3A_248 = arith.constant 48 : index
        %swap3A_249 = tpu.vector_load %arg19[%swap3A_248] {strides = array<i32>} : memref<64xi32, #tpu.memory_space<vmem>>, vector<16xi32>,
        %swap3A_250 = vector.shape_cast %swap3A_249 : vector<16xi32> to vector<16xi32>
        %swap3A_251 = vector.shape_cast %get3A_247 : vector<16xi32> to vector<16xi32>
        tpu.vector_store %arg19[%swap3A_248], %swap3A_251 {strides = array<i32>} : memref<64xi32, #tpu.memory_space<vmem>>, vector<16xi32>,
        %dma_start3A = arith.constant 0 : i32
        %dma_start3A_252 = arith.constant 0 : i32
        %dma_start3A_253 = tpu.memref_slice %arg21[%dma_start3A, %dma_start3A_252] : memref<10000x128xf32, #tpu.memory_space<vmem_shared>> -> memref<10000x128xf32, #tpu.memory_space<vmem_shared>>
        tpu.enqueue_indirect_dma source(%arg7 : memref<64x128xf32, #tpu.memory_space<vmem>>) target(%dma_start3A_253 : memref<10000x128xf32, #tpu.memory_space<vmem_shared>>) offsets(%arg19 : memref<64xi32, #tpu.memory_space<vmem>>) semaphore(%arg29 : memref<!tpu.dma_semaphore, #tpu.memory_space<semaphore_mem>>) {add = true}
      } else {
      }
      %ge3A_162 = arith.constant 1 : i32
      %ge3A_163 = arith.cmpi sge, %add3A_157, %ge3A_162 : i32
      %sub3A_164 = arith.constant 1 : i32
      %sub3A_165 = arith.subi %add3A_157, %sub3A_164 : i32
      %lt3A_166 = arith.cmpi slt, %sub3A_165, %add3A_4 : i32
      %and3A_167 = arith.andi %ge3A_163, %lt3A_166 : i1
      %convert_element_type3A_168 = arith.extui %and3A_167 : i1 to i32
      %cond3A_169 = arith.constant 0 : i32
      %cond3A_170 = arith.cmpi ne, %convert_element_type3A_168, %cond3A_169 : i32
      scf.if %cond3A_170 {
        %dma_wait3A = arith.constant 0 : i32
        %dma_wait3A_216 = arith.constant 0 : i32
        %dma_wait3A_217 = tpu.memref_slice %arg21[%dma_wait3A, %dma_wait3A_216] : memref<10000x128xf32, #tpu.memory_space<vmem_shared>> -> memref<10000x128xf32, #tpu.memory_space<vmem_shared>>
        tpu.wait_indirect_dma semaphore(%arg28 : memref<!tpu.dma_semaphore, #tpu.memory_space<semaphore_mem>>) src(%arg6 : memref<64x128xf32, #tpu.memory_space<vmem>>) dst(%dma_wait3A_217 : memref<10000x128xf32, #tpu.memory_space<vmem_shared>>)
      } else {
      }
      %add3A_171 = arith.constant 3 : i32
      %add3A_172 = arith.addi %add3A_157, %add3A_171 : i32
      %sub3A_173 = arith.constant 1 : i32
      %sub3A_174 = arith.subi %add3A_172, %sub3A_173 : i32
      %lt3A_175 = arith.cmpi slt, %sub3A_174, %add3A_4 : i32
      %convert_element_type3A_176 = arith.extui %lt3A_175 : i1 to i32
      %cond3A_177 = arith.constant 0 : i32
      %cond3A_178 = arith.cmpi ne, %convert_element_type3A_176, %cond3A_177 : i32
      scf.if %cond3A_178 {
        %dma_wait3A = arith.constant 0 : i32
        %dma_wait3A_216 = tpu.memref_slice %arg3[%dma_wait3A] : memref<640000xi32, #tpu.memory_space<hbm>> -> memref<64xi32, #tpu.memory_space<hbm>>
        %dma_wait3A_217 = arith.constant 0 : i32
        %dma_wait3A_218 = tpu.memref_slice %arg3[%dma_wait3A_217] : memref<640000xi32, #tpu.memory_space<hbm>> -> memref<64xi32, #tpu.memory_space<hbm>>
        tpu.wait_dma2 semaphore(%arg31 : memref<!tpu.dma_semaphore, #tpu.memory_space<semaphore_mem>>) src(%dma_wait3A_218 : memref<64xi32, #tpu.memory_space<hbm>>) dst(%arg12 : memref<64xi32, #tpu.memory_space<vmem>>)
        %dma_wait3A_219 = arith.constant 0 : i32
        %dma_wait3A_220 = tpu.memref_slice %arg3[%dma_wait3A_219] : memref<640000xi32, #tpu.memory_space<hbm>> -> memref<64xi32, #tpu.memory_space<hbm>>
        %dma_wait3A_221 = arith.constant 0 : i32
        %dma_wait3A_222 = tpu.memref_slice %arg3[%dma_wait3A_221] : memref<640000xi32, #tpu.memory_space<hbm>> -> memref<64xi32, #tpu.memory_space<hbm>>
        tpu.wait_dma2 semaphore(%arg31 : memref<!tpu.dma_semaphore, #tpu.memory_space<semaphore_mem>>) src(%dma_wait3A_222 : memref<64xi32, #tpu.memory_space<hbm>>) dst(%arg15 : memref<64xi32, #tpu.memory_space<vmem>>)
        %dma_start3A = arith.constant 0 : i32
        %dma_start3A_223 = arith.constant 0 : i32
        %dma_start3A_224 = tpu.memref_slice %arg2[%dma_start3A, %dma_start3A_223] : memref<10000x128xf32, #tpu.memory_space<hbm>> -> memref<10000x128xf32, #tpu.memory_space<hbm>>
        tpu.enqueue_indirect_dma source(%dma_start3A_224 : memref<10000x128xf32, #tpu.memory_space<hbm>>) target(%arg6 : memref<64x128xf32, #tpu.memory_space<vmem>>) offsets(%arg12 : memref<64xi32, #tpu.memory_space<vmem>>) semaphore(%arg22 : memref<!tpu.dma_semaphore, #tpu.memory_space<semaphore_mem>>)
        %add3A_225 = arith.addi %add3A_8, %sub3A_174 : i32
        %mul3A_226 = arith.constant 64 : i32
        %mul3A_227 = arith.muli %add3A_225, %mul3A_226 : i32
        %multiple_of3A_228 = tpu.assume_multiple %mul3A_227, 64 : i32
        %dma_start3A_229 = arith.constant 0 : i32
        %dma_start3A_230 = tpu.memref_slice %arg4[%multiple_of3A_228, %dma_start3A_229] : memref<320000x128xf32, #tpu.memory_space<hbm>> -> memref<64x128xf32, #tpu.memory_space<hbm>>
        %dma_start3A_231 = arith.constant 0 : i32
        %dma_start3A_232 = tpu.memref_slice %arg4[%multiple_of3A_228, %dma_start3A_231] : memref<320000x128xf32, #tpu.memory_space<hbm>> -> memref<64x128xf32, #tpu.memory_space<hbm>>
        tpu.enqueue_dma source(%dma_start3A_232 : memref<64x128xf32, #tpu.memory_space<hbm>>) target(%arg9 : memref<64x128xf32, #tpu.memory_space<vmem>>) target_semaphore(%arg25 : memref<!tpu.dma_semaphore, #tpu.memory_space<semaphore_mem>>)
      } else {
      }
      %add3A_179 = arith.constant 3 : i32
      %add3A_180 = arith.addi %add3A_157, %add3A_179 : i32
      %lt3A_181 = arith.cmpi slt, %add3A_180, %add3A_4 : i32
      %convert_element_type3A_182 = arith.extui %lt3A_181 : i1 to i32
      %cond3A_183 = arith.constant 0 : i32
      %cond3A_184 = arith.cmpi ne, %convert_element_type3A_182, %cond3A_183 : i32
      scf.if %cond3A_184 {
        %add3A_216 = arith.addi %add3A_8, %add3A_180 : i32
        %mul3A_217 = arith.constant 64 : i32
        %mul3A_218 = arith.muli %add3A_216, %mul3A_217 : i32
        %multiple_of3A_219 = tpu.assume_multiple %mul3A_218, 64 : i32
        %add3A_220 = arith.constant 320000 : i32
        %add3A_221 = arith.addi %add3A_220, %multiple_of3A_219 : i32
        %dma_start3A = tpu.memref_slice %arg3[%add3A_221] : memref<640000xi32, #tpu.memory_space<hbm>> -> memref<64xi32, #tpu.memory_space<hbm>>
        %dma_start3A_222 = tpu.memref_slice %arg3[%add3A_221] : memref<640000xi32, #tpu.memory_space<hbm>> -> memref<64xi32, #tpu.memory_space<hbm>>
        tpu.enqueue_dma source(%dma_start3A_222 : memref<64xi32, #tpu.memory_space<hbm>>) target(%arg13 : memref<64xi32, #tpu.memory_space<vmem>>) target_semaphore(%arg32 : memref<!tpu.dma_semaphore, #tpu.memory_space<semaphore_mem>>)
        %dma_start3A_223 = tpu.memref_slice %arg3[%multiple_of3A_219] : memref<640000xi32, #tpu.memory_space<hbm>> -> memref<64xi32, #tpu.memory_space<hbm>>
        %dma_start3A_224 = tpu.memref_slice %arg3[%multiple_of3A_219] : memref<640000xi32, #tpu.memory_space<hbm>> -> memref<64xi32, #tpu.memory_space<hbm>>
        tpu.enqueue_dma source(%dma_start3A_224 : memref<64xi32, #tpu.memory_space<hbm>>) target(%arg16 : memref<64xi32, #tpu.memory_space<vmem>>) target_semaphore(%arg32 : memref<!tpu.dma_semaphore, #tpu.memory_space<semaphore_mem>>)
      } else {
      }
      %mul3A_185 = arith.constant 3 : i32
      %mul3A_186 = arith.muli %scan3A_125, %mul3A_185 : i32
      %add3A_187 = arith.constant 2 : i32
      %add3A_188 = arith.addi %mul3A_186, %add3A_187 : i32
      %lt3A_189 = arith.cmpi slt, %add3A_188, %add3A_4 : i32
      %convert_element_type3A_190 = arith.extui %lt3A_189 : i1 to i32
      %cond3A_191 = arith.constant 0 : i32
      %cond3A_192 = arith.cmpi ne, %convert_element_type3A_190, %cond3A_191 : i32
      scf.if %cond3A_192 {
        %dma_wait3A = arith.constant 0 : i32
        %dma_wait3A_216 = arith.constant 0 : i32
        %dma_wait3A_217 = tpu.memref_slice %arg2[%dma_wait3A, %dma_wait3A_216] : memref<10000x128xf32, #tpu.memory_space<hbm>> -> memref<10000x128xf32, #tpu.memory_space<hbm>>
        tpu.wait_indirect_dma semaphore(%arg24 : memref<!tpu.dma_semaphore, #tpu.memory_space<semaphore_mem>>) src(%dma_wait3A_217 : memref<10000x128xf32, #tpu.memory_space<hbm>>) dst(%arg8 : memref<64x128xf32, #tpu.memory_space<vmem>>)
        %dma_wait3A_218 = arith.constant 0 : i32
        %dma_wait3A_219 = arith.constant 0 : i32
        %dma_wait3A_220 = tpu.memref_slice %arg4[%dma_wait3A_218, %dma_wait3A_219] : memref<320000x128xf32, #tpu.memory_space<hbm>> -> memref<64x128xf32, #tpu.memory_space<hbm>>
        %dma_wait3A_221 = arith.constant 0 : i32
        %dma_wait3A_222 = arith.constant 0 : i32
        %dma_wait3A_223 = tpu.memref_slice %arg4[%dma_wait3A_221, %dma_wait3A_222] : memref<320000x128xf32, #tpu.memory_space<hbm>> -> memref<64x128xf32, #tpu.memory_space<hbm>>
        tpu.wait_dma2 semaphore(%arg27 : memref<!tpu.dma_semaphore, #tpu.memory_space<semaphore_mem>>) src(%dma_wait3A_223 : memref<64x128xf32, #tpu.memory_space<hbm>>) dst(%arg11 : memref<64x128xf32, #tpu.memory_space<vmem>>)
        %parallel_loop3A = arith.constant 0 : i32
        %parallel_loop3A_224 = arith.constant 64 : i32
        %parallel_loop3A_225 = arith.constant 1 : i32
        scf.for %parallel_loop3A_254 = %parallel_loop3A to %parallel_loop3A_224 step %parallel_loop3A_225  : i32 {
          %parallel_loop3A_255 = arith.index_cast %parallel_loop3A_254 : i32 to index
          %parallel_loop3A_256 = arith.constant 0 : index
          %parallel_loop3A_257 = tpu.vector_load %arg8[%parallel_loop3A_255, %parallel_loop3A_256] {strides = array<i32>} : memref<64x128xf32, #tpu.memory_space<vmem>>, vector<1x16xf32>,
          %parallel_loop3A_258 = vector.shape_cast %parallel_loop3A_257 : vector<1x16xf32> to vector<16xf32>
          %parallel_loop3A_259 = arith.index_cast %parallel_loop3A_254 : i32 to index
          %parallel_loop3A_260 = arith.constant 0 : index
          %parallel_loop3A_261 = tpu.vector_load %arg11[%parallel_loop3A_259, %parallel_loop3A_260] {strides = array<i32>} : memref<64x128xf32, #tpu.memory_space<vmem>>, vector<1x16xf32>,
          %parallel_loop3A_262 = vector.shape_cast %parallel_loop3A_261 : vector<1x16xf32> to vector<16xf32>
          %parallel_loop3A_263 = arith.mulf %parallel_loop3A_258, %parallel_loop3A_262 : vector<16xf32>
          %parallel_loop3A_264 = arith.index_cast %parallel_loop3A_254 : i32 to index
          %parallel_loop3A_265 = arith.constant 0 : index
          %parallel_loop3A_266 = tpu.vector_load %arg8[%parallel_loop3A_264, %parallel_loop3A_265] {strides = array<i32>} : memref<64x128xf32, #tpu.memory_space<vmem>>, vector<1x16xf32>,
          %parallel_loop3A_267 = vector.shape_cast %parallel_loop3A_266 : vector<1x16xf32> to vector<16xf32>
          %parallel_loop3A_268 = vector.shape_cast %parallel_loop3A_263 : vector<16xf32> to vector<1x16xf32>
          tpu.vector_store %arg8[%parallel_loop3A_264, %parallel_loop3A_265], %parallel_loop3A_268 {strides = array<i32>} : memref<64x128xf32, #tpu.memory_space<vmem>>, vector<1x16xf32>,
          %parallel_loop3A_269 = arith.index_cast %parallel_loop3A_254 : i32 to index
          %parallel_loop3A_270 = arith.constant 16 : index
          %parallel_loop3A_271 = tpu.vector_load %arg8[%parallel_loop3A_269, %parallel_loop3A_270] {strides = array<i32>} : memref<64x128xf32, #tpu.memory_space<vmem>>, vector<1x16xf32>,
          %parallel_loop3A_272 = vector.shape_cast %parallel_loop3A_271 : vector<1x16xf32> to vector<16xf32>
          %parallel_loop3A_273 = arith.index_cast %parallel_loop3A_254 : i32 to index
          %parallel_loop3A_274 = arith.constant 16 : index
          %parallel_loop3A_275 = tpu.vector_load %arg11[%parallel_loop3A_273, %parallel_loop3A_274] {strides = array<i32>} : memref<64x128xf32, #tpu.memory_space<vmem>>, vector<1x16xf32>,
          %parallel_loop3A_276 = vector.shape_cast %parallel_loop3A_275 : vector<1x16xf32> to vector<16xf32>
          %parallel_loop3A_277 = arith.mulf %parallel_loop3A_272, %parallel_loop3A_276 : vector<16xf32>
          %parallel_loop3A_278 = arith.index_cast %parallel_loop3A_254 : i32 to index
          %parallel_loop3A_279 = arith.constant 16 : index
          %parallel_loop3A_280 = tpu.vector_load %arg8[%parallel_loop3A_278, %parallel_loop3A_279] {strides = array<i32>} : memref<64x128xf32, #tpu.memory_space<vmem>>, vector<1x16xf32>,
          %parallel_loop3A_281 = vector.shape_cast %parallel_loop3A_280 : vector<1x16xf32> to vector<16xf32>
          %parallel_loop3A_282 = vector.shape_cast %parallel_loop3A_277 : vector<16xf32> to vector<1x16xf32>
          tpu.vector_store %arg8[%parallel_loop3A_278, %parallel_loop3A_279], %parallel_loop3A_282 {strides = array<i32>} : memref<64x128xf32, #tpu.memory_space<vmem>>, vector<1x16xf32>,
          %parallel_loop3A_283 = arith.index_cast %parallel_loop3A_254 : i32 to index
          %parallel_loop3A_284 = arith.constant 32 : index
          %parallel_loop3A_285 = tpu.vector_load %arg8[%parallel_loop3A_283, %parallel_loop3A_284] {strides = array<i32>} : memref<64x128xf32, #tpu.memory_space<vmem>>, vector<1x16xf32>,
          %parallel_loop3A_286 = vector.shape_cast %parallel_loop3A_285 : vector<1x16xf32> to vector<16xf32>
          %parallel_loop3A_287 = arith.index_cast %parallel_loop3A_254 : i32 to index
          %parallel_loop3A_288 = arith.constant 32 : index
          %parallel_loop3A_289 = tpu.vector_load %arg11[%parallel_loop3A_287, %parallel_loop3A_288] {strides = array<i32>} : memref<64x128xf32, #tpu.memory_space<vmem>>, vector<1x16xf32>,
          %parallel_loop3A_290 = vector.shape_cast %parallel_loop3A_289 : vector<1x16xf32> to vector<16xf32>
          %parallel_loop3A_291 = arith.mulf %parallel_loop3A_286, %parallel_loop3A_290 : vector<16xf32>
          %parallel_loop3A_292 = arith.index_cast %parallel_loop3A_254 : i32 to index
          %parallel_loop3A_293 = arith.constant 32 : index
          %parallel_loop3A_294 = tpu.vector_load %arg8[%parallel_loop3A_292, %parallel_loop3A_293] {strides = array<i32>} : memref<64x128xf32, #tpu.memory_space<vmem>>, vector<1x16xf32>,
          %parallel_loop3A_295 = vector.shape_cast %parallel_loop3A_294 : vector<1x16xf32> to vector<16xf32>
          %parallel_loop3A_296 = vector.shape_cast %parallel_loop3A_291 : vector<16xf32> to vector<1x16xf32>
          tpu.vector_store %arg8[%parallel_loop3A_292, %parallel_loop3A_293], %parallel_loop3A_296 {strides = array<i32>} : memref<64x128xf32, #tpu.memory_space<vmem>>, vector<1x16xf32>,
          %parallel_loop3A_297 = arith.index_cast %parallel_loop3A_254 : i32 to index
          %parallel_loop3A_298 = arith.constant 48 : index
          %parallel_loop3A_299 = tpu.vector_load %arg8[%parallel_loop3A_297, %parallel_loop3A_298] {strides = array<i32>} : memref<64x128xf32, #tpu.memory_space<vmem>>, vector<1x16xf32>,
          %parallel_loop3A_300 = vector.shape_cast %parallel_loop3A_299 : vector<1x16xf32> to vector<16xf32>
          %parallel_loop3A_301 = arith.index_cast %parallel_loop3A_254 : i32 to index
          %parallel_loop3A_302 = arith.constant 48 : index
          %parallel_loop3A_303 = tpu.vector_load %arg11[%parallel_loop3A_301, %parallel_loop3A_302] {strides = array<i32>} : memref<64x128xf32, #tpu.memory_space<vmem>>, vector<1x16xf32>,
          %parallel_loop3A_304 = vector.shape_cast %parallel_loop3A_303 : vector<1x16xf32> to vector<16xf32>
          %parallel_loop3A_305 = arith.mulf %parallel_loop3A_300, %parallel_loop3A_304 : vector<16xf32>
          %parallel_loop3A_306 = arith.index_cast %parallel_loop3A_254 : i32 to index
          %parallel_loop3A_307 = arith.constant 48 : index
          %parallel_loop3A_308 = tpu.vector_load %arg8[%parallel_loop3A_306, %parallel_loop3A_307] {strides = array<i32>} : memref<64x128xf32, #tpu.memory_space<vmem>>, vector<1x16xf32>,
          %parallel_loop3A_309 = vector.shape_cast %parallel_loop3A_308 : vector<1x16xf32> to vector<16xf32>
          %parallel_loop3A_310 = vector.shape_cast %parallel_loop3A_305 : vector<16xf32> to vector<1x16xf32>
          tpu.vector_store %arg8[%parallel_loop3A_306, %parallel_loop3A_307], %parallel_loop3A_310 {strides = array<i32>} : memref<64x128xf32, #tpu.memory_space<vmem>>, vector<1x16xf32>,
          %parallel_loop3A_311 = arith.index_cast %parallel_loop3A_254 : i32 to index
          %parallel_loop3A_312 = arith.constant 64 : index
          %parallel_loop3A_313 = tpu.vector_load %arg8[%parallel_loop3A_311, %parallel_loop3A_312] {strides = array<i32>} : memref<64x128xf32, #tpu.memory_space<vmem>>, vector<1x16xf32>,
          %parallel_loop3A_314 = vector.shape_cast %parallel_loop3A_313 : vector<1x16xf32> to vector<16xf32>
          %parallel_loop3A_315 = arith.index_cast %parallel_loop3A_254 : i32 to index
          %parallel_loop3A_316 = arith.constant 64 : index
          %parallel_loop3A_317 = tpu.vector_load %arg11[%parallel_loop3A_315, %parallel_loop3A_316] {strides = array<i32>} : memref<64x128xf32, #tpu.memory_space<vmem>>, vector<1x16xf32>,
          %parallel_loop3A_318 = vector.shape_cast %parallel_loop3A_317 : vector<1x16xf32> to vector<16xf32>
          %parallel_loop3A_319 = arith.mulf %parallel_loop3A_314, %parallel_loop3A_318 : vector<16xf32>
          %parallel_loop3A_320 = arith.index_cast %parallel_loop3A_254 : i32 to index
          %parallel_loop3A_321 = arith.constant 64 : index
          %parallel_loop3A_322 = tpu.vector_load %arg8[%parallel_loop3A_320, %parallel_loop3A_321] {strides = array<i32>} : memref<64x128xf32, #tpu.memory_space<vmem>>, vector<1x16xf32>,
          %parallel_loop3A_323 = vector.shape_cast %parallel_loop3A_322 : vector<1x16xf32> to vector<16xf32>
          %parallel_loop3A_324 = vector.shape_cast %parallel_loop3A_319 : vector<16xf32> to vector<1x16xf32>
          tpu.vector_store %arg8[%parallel_loop3A_320, %parallel_loop3A_321], %parallel_loop3A_324 {strides = array<i32>} : memref<64x128xf32, #tpu.memory_space<vmem>>, vector<1x16xf32>,
          %parallel_loop3A_325 = arith.index_cast %parallel_loop3A_254 : i32 to index
          %parallel_loop3A_326 = arith.constant 80 : index
          %parallel_loop3A_327 = tpu.vector_load %arg8[%parallel_loop3A_325, %parallel_loop3A_326] {strides = array<i32>} : memref<64x128xf32, #tpu.memory_space<vmem>>, vector<1x16xf32>,
          %parallel_loop3A_328 = vector.shape_cast %parallel_loop3A_327 : vector<1x16xf32> to vector<16xf32>
          %parallel_loop3A_329 = arith.index_cast %parallel_loop3A_254 : i32 to index
          %parallel_loop3A_330 = arith.constant 80 : index
          %parallel_loop3A_331 = tpu.vector_load %arg11[%parallel_loop3A_329, %parallel_loop3A_330] {strides = array<i32>} : memref<64x128xf32, #tpu.memory_space<vmem>>, vector<1x16xf32>,
          %parallel_loop3A_332 = vector.shape_cast %parallel_loop3A_331 : vector<1x16xf32> to vector<16xf32>
          %parallel_loop3A_333 = arith.mulf %parallel_loop3A_328, %parallel_loop3A_332 : vector<16xf32>
          %parallel_loop3A_334 = arith.index_cast %parallel_loop3A_254 : i32 to index
          %parallel_loop3A_335 = arith.constant 80 : index
          %parallel_loop3A_336 = tpu.vector_load %arg8[%parallel_loop3A_334, %parallel_loop3A_335] {strides = array<i32>} : memref<64x128xf32, #tpu.memory_space<vmem>>, vector<1x16xf32>,
          %parallel_loop3A_337 = vector.shape_cast %parallel_loop3A_336 : vector<1x16xf32> to vector<16xf32>
          %parallel_loop3A_338 = vector.shape_cast %parallel_loop3A_333 : vector<16xf32> to vector<1x16xf32>
          tpu.vector_store %arg8[%parallel_loop3A_334, %parallel_loop3A_335], %parallel_loop3A_338 {strides = array<i32>} : memref<64x128xf32, #tpu.memory_space<vmem>>, vector<1x16xf32>,
          %parallel_loop3A_339 = arith.index_cast %parallel_loop3A_254 : i32 to index
          %parallel_loop3A_340 = arith.constant 96 : index
          %parallel_loop3A_341 = tpu.vector_load %arg8[%parallel_loop3A_339, %parallel_loop3A_340] {strides = array<i32>} : memref<64x128xf32, #tpu.memory_space<vmem>>, vector<1x16xf32>,
          %parallel_loop3A_342 = vector.shape_cast %parallel_loop3A_341 : vector<1x16xf32> to vector<16xf32>
          %parallel_loop3A_343 = arith.index_cast %parallel_loop3A_254 : i32 to index
          %parallel_loop3A_344 = arith.constant 96 : index
          %parallel_loop3A_345 = tpu.vector_load %arg11[%parallel_loop3A_343, %parallel_loop3A_344] {strides = array<i32>} : memref<64x128xf32, #tpu.memory_space<vmem>>, vector<1x16xf32>,
          %parallel_loop3A_346 = vector.shape_cast %parallel_loop3A_345 : vector<1x16xf32> to vector<16xf32>
          %parallel_loop3A_347 = arith.mulf %parallel_loop3A_342, %parallel_loop3A_346 : vector<16xf32>
          %parallel_loop3A_348 = arith.index_cast %parallel_loop3A_254 : i32 to index
          %parallel_loop3A_349 = arith.constant 96 : index
          %parallel_loop3A_350 = tpu.vector_load %arg8[%parallel_loop3A_348, %parallel_loop3A_349] {strides = array<i32>} : memref<64x128xf32, #tpu.memory_space<vmem>>, vector<1x16xf32>,
          %parallel_loop3A_351 = vector.shape_cast %parallel_loop3A_350 : vector<1x16xf32> to vector<16xf32>
          %parallel_loop3A_352 = vector.shape_cast %parallel_loop3A_347 : vector<16xf32> to vector<1x16xf32>
          tpu.vector_store %arg8[%parallel_loop3A_348, %parallel_loop3A_349], %parallel_loop3A_352 {strides = array<i32>} : memref<64x128xf32, #tpu.memory_space<vmem>>, vector<1x16xf32>,
          %parallel_loop3A_353 = arith.index_cast %parallel_loop3A_254 : i32 to index
          %parallel_loop3A_354 = arith.constant 112 : index
          %parallel_loop3A_355 = tpu.vector_load %arg8[%parallel_loop3A_353, %parallel_loop3A_354] {strides = array<i32>} : memref<64x128xf32, #tpu.memory_space<vmem>>, vector<1x16xf32>,
          %parallel_loop3A_356 = vector.shape_cast %parallel_loop3A_355 : vector<1x16xf32> to vector<16xf32>
          %parallel_loop3A_357 = arith.index_cast %parallel_loop3A_254 : i32 to index
          %parallel_loop3A_358 = arith.constant 112 : index
          %parallel_loop3A_359 = tpu.vector_load %arg11[%parallel_loop3A_357, %parallel_loop3A_358] {strides = array<i32>} : memref<64x128xf32, #tpu.memory_space<vmem>>, vector<1x16xf32>,
          %parallel_loop3A_360 = vector.shape_cast %parallel_loop3A_359 : vector<1x16xf32> to vector<16xf32>
          %parallel_loop3A_361 = arith.mulf %parallel_loop3A_356, %parallel_loop3A_360 : vector<16xf32>
          %parallel_loop3A_362 = arith.index_cast %parallel_loop3A_254 : i32 to index
          %parallel_loop3A_363 = arith.constant 112 : index
          %parallel_loop3A_364 = tpu.vector_load %arg8[%parallel_loop3A_362, %parallel_loop3A_363] {strides = array<i32>} : memref<64x128xf32, #tpu.memory_space<vmem>>, vector<1x16xf32>,
          %parallel_loop3A_365 = vector.shape_cast %parallel_loop3A_364 : vector<1x16xf32> to vector<16xf32>
          %parallel_loop3A_366 = vector.shape_cast %parallel_loop3A_361 : vector<16xf32> to vector<1x16xf32>
          tpu.vector_store %arg8[%parallel_loop3A_362, %parallel_loop3A_363], %parallel_loop3A_366 {strides = array<i32>} : memref<64x128xf32, #tpu.memory_space<vmem>>, vector<1x16xf32>,
        } {sc.loop_unroll_factor = 4 : i64, sc.parallel_access}
        %get3A = arith.constant 0 : index
        %get3A_226 = tpu.vector_load %arg17[%get3A] {strides = array<i32>} : memref<64xi32, #tpu.memory_space<vmem>>, vector<16xi32>,
        %get3A_227 = vector.shape_cast %get3A_226 : vector<16xi32> to vector<16xi32>
        %swap3A = arith.constant 0 : index
        %swap3A_228 = tpu.vector_load %arg20[%swap3A] {strides = array<i32>} : memref<64xi32, #tpu.memory_space<vmem>>, vector<16xi32>,
        %swap3A_229 = vector.shape_cast %swap3A_228 : vector<16xi32> to vector<16xi32>
        %swap3A_230 = vector.shape_cast %get3A_227 : vector<16xi32> to vector<16xi32>
        tpu.vector_store %arg20[%swap3A], %swap3A_230 {strides = array<i32>} : memref<64xi32, #tpu.memory_space<vmem>>, vector<16xi32>,
        %get3A_231 = arith.constant 16 : index
        %get3A_232 = tpu.vector_load %arg17[%get3A_231] {strides = array<i32>} : memref<64xi32, #tpu.memory_space<vmem>>, vector<16xi32>,
        %get3A_233 = vector.shape_cast %get3A_232 : vector<16xi32> to vector<16xi32>
        %swap3A_234 = arith.constant 16 : index
        %swap3A_235 = tpu.vector_load %arg20[%swap3A_234] {strides = array<i32>} : memref<64xi32, #tpu.memory_space<vmem>>, vector<16xi32>,
        %swap3A_236 = vector.shape_cast %swap3A_235 : vector<16xi32> to vector<16xi32>
        %swap3A_237 = vector.shape_cast %get3A_233 : vector<16xi32> to vector<16xi32>
        tpu.vector_store %arg20[%swap3A_234], %swap3A_237 {strides = array<i32>} : memref<64xi32, #tpu.memory_space<vmem>>, vector<16xi32>,
        %get3A_238 = arith.constant 32 : index
        %get3A_239 = tpu.vector_load %arg17[%get3A_238] {strides = array<i32>} : memref<64xi32, #tpu.memory_space<vmem>>, vector<16xi32>,
        %get3A_240 = vector.shape_cast %get3A_239 : vector<16xi32> to vector<16xi32>
        %swap3A_241 = arith.constant 32 : index
        %swap3A_242 = tpu.vector_load %arg20[%swap3A_241] {strides = array<i32>} : memref<64xi32, #tpu.memory_space<vmem>>, vector<16xi32>,
        %swap3A_243 = vector.shape_cast %swap3A_242 : vector<16xi32> to vector<16xi32>
        %swap3A_244 = vector.shape_cast %get3A_240 : vector<16xi32> to vector<16xi32>
        tpu.vector_store %arg20[%swap3A_241], %swap3A_244 {strides = array<i32>} : memref<64xi32, #tpu.memory_space<vmem>>, vector<16xi32>,
        %get3A_245 = arith.constant 48 : index
        %get3A_246 = tpu.vector_load %arg17[%get3A_245] {strides = array<i32>} : memref<64xi32, #tpu.memory_space<vmem>>, vector<16xi32>,
        %get3A_247 = vector.shape_cast %get3A_246 : vector<16xi32> to vector<16xi32>
        %swap3A_248 = arith.constant 48 : index
        %swap3A_249 = tpu.vector_load %arg20[%swap3A_248] {strides = array<i32>} : memref<64xi32, #tpu.memory_space<vmem>>, vector<16xi32>,
        %swap3A_250 = vector.shape_cast %swap3A_249 : vector<16xi32> to vector<16xi32>
        %swap3A_251 = vector.shape_cast %get3A_247 : vector<16xi32> to vector<16xi32>
        tpu.vector_store %arg20[%swap3A_248], %swap3A_251 {strides = array<i32>} : memref<64xi32, #tpu.memory_space<vmem>>, vector<16xi32>,
        %dma_start3A = arith.constant 0 : i32
        %dma_start3A_252 = arith.constant 0 : i32
        %dma_start3A_253 = tpu.memref_slice %arg21[%dma_start3A, %dma_start3A_252] : memref<10000x128xf32, #tpu.memory_space<vmem_shared>> -> memref<10000x128xf32, #tpu.memory_space<vmem_shared>>
        tpu.enqueue_indirect_dma source(%arg8 : memref<64x128xf32, #tpu.memory_space<vmem>>) target(%dma_start3A_253 : memref<10000x128xf32, #tpu.memory_space<vmem_shared>>) offsets(%arg20 : memref<64xi32, #tpu.memory_space<vmem>>) semaphore(%arg30 : memref<!tpu.dma_semaphore, #tpu.memory_space<semaphore_mem>>) {add = true}
      } else {
      }
      %ge3A_193 = arith.constant 1 : i32
      %ge3A_194 = arith.cmpi sge, %add3A_188, %ge3A_193 : i32
      %sub3A_195 = arith.constant 1 : i32
      %sub3A_196 = arith.subi %add3A_188, %sub3A_195 : i32
      %lt3A_197 = arith.cmpi slt, %sub3A_196, %add3A_4 : i32
      %and3A_198 = arith.andi %ge3A_194, %lt3A_197 : i1
      %convert_element_type3A_199 = arith.extui %and3A_198 : i1 to i32
      %cond3A_200 = arith.constant 0 : i32
      %cond3A_201 = arith.cmpi ne, %convert_element_type3A_199, %cond3A_200 : i32
      scf.if %cond3A_201 {
        %dma_wait3A = arith.constant 0 : i32
        %dma_wait3A_216 = arith.constant 0 : i32
        %dma_wait3A_217 = tpu.memref_slice %arg21[%dma_wait3A, %dma_wait3A_216] : memref<10000x128xf32, #tpu.memory_space<vmem_shared>> -> memref<10000x128xf32, #tpu.memory_space<vmem_shared>>
        tpu.wait_indirect_dma semaphore(%arg29 : memref<!tpu.dma_semaphore, #tpu.memory_space<semaphore_mem>>) src(%arg7 : memref<64x128xf32, #tpu.memory_space<vmem>>) dst(%dma_wait3A_217 : memref<10000x128xf32, #tpu.memory_space<vmem_shared>>)
      } else {
      }
      %add3A_202 = arith.constant 3 : i32
      %add3A_203 = arith.addi %add3A_188, %add3A_202 : i32
      %sub3A_204 = arith.constant 1 : i32
      %sub3A_205 = arith.subi %add3A_203, %sub3A_204 : i32
      %lt3A_206 = arith.cmpi slt, %sub3A_205, %add3A_4 : i32
      %convert_element_type3A_207 = arith.extui %lt3A_206 : i1 to i32
      %cond3A_208 = arith.constant 0 : i32
      %cond3A_209 = arith.cmpi ne, %convert_element_type3A_207, %cond3A_208 : i32
      scf.if %cond3A_209 {
        %dma_wait3A = arith.constant 0 : i32
        %dma_wait3A_216 = tpu.memref_slice %arg3[%dma_wait3A] : memref<640000xi32, #tpu.memory_space<hbm>> -> memref<64xi32, #tpu.memory_space<hbm>>
        %dma_wait3A_217 = arith.constant 0 : i32
        %dma_wait3A_218 = tpu.memref_slice %arg3[%dma_wait3A_217] : memref<640000xi32, #tpu.memory_space<hbm>> -> memref<64xi32, #tpu.memory_space<hbm>>
        tpu.wait_dma2 semaphore(%arg32 : memref<!tpu.dma_semaphore, #tpu.memory_space<semaphore_mem>>) src(%dma_wait3A_218 : memref<64xi32, #tpu.memory_space<hbm>>) dst(%arg13 : memref<64xi32, #tpu.memory_space<vmem>>)
        %dma_wait3A_219 = arith.constant 0 : i32
        %dma_wait3A_220 = tpu.memref_slice %arg3[%dma_wait3A_219] : memref<640000xi32, #tpu.memory_space<hbm>> -> memref<64xi32, #tpu.memory_space<hbm>>
        %dma_wait3A_221 = arith.constant 0 : i32
        %dma_wait3A_222 = tpu.memref_slice %arg3[%dma_wait3A_221] : memref<640000xi32, #tpu.memory_space<hbm>> -> memref<64xi32, #tpu.memory_space<hbm>>
        tpu.wait_dma2 semaphore(%arg32 : memref<!tpu.dma_semaphore, #tpu.memory_space<semaphore_mem>>) src(%dma_wait3A_222 : memref<64xi32, #tpu.memory_space<hbm>>) dst(%arg16 : memref<64xi32, #tpu.memory_space<vmem>>)
        %dma_start3A = arith.constant 0 : i32
        %dma_start3A_223 = arith.constant 0 : i32
        %dma_start3A_224 = tpu.memref_slice %arg2[%dma_start3A, %dma_start3A_223] : memref<10000x128xf32, #tpu.memory_space<hbm>> -> memref<10000x128xf32, #tpu.memory_space<hbm>>
        tpu.enqueue_indirect_dma source(%dma_start3A_224 : memref<10000x128xf32, #tpu.memory_space<hbm>>) target(%arg7 : memref<64x128xf32, #tpu.memory_space<vmem>>) offsets(%arg13 : memref<64xi32, #tpu.memory_space<vmem>>) semaphore(%arg23 : memref<!tpu.dma_semaphore, #tpu.memory_space<semaphore_mem>>)
        %add3A_225 = arith.addi %add3A_8, %sub3A_205 : i32
        %mul3A_226 = arith.constant 64 : i32
        %mul3A_227 = arith.muli %add3A_225, %mul3A_226 : i32
        %multiple_of3A_228 = tpu.assume_multiple %mul3A_227, 64 : i32
        %dma_start3A_229 = arith.constant 0 : i32
        %dma_start3A_230 = tpu.memref_slice %arg4[%multiple_of3A_228, %dma_start3A_229] : memref<320000x128xf32, #tpu.memory_space<hbm>> -> memref<64x128xf32, #tpu.memory_space<hbm>>
        %dma_start3A_231 = arith.constant 0 : i32
        %dma_start3A_232 = tpu.memref_slice %arg4[%multiple_of3A_228, %dma_start3A_231] : memref<320000x128xf32, #tpu.memory_space<hbm>> -> memref<64x128xf32, #tpu.memory_space<hbm>>
        tpu.enqueue_dma source(%dma_start3A_232 : memref<64x128xf32, #tpu.memory_space<hbm>>) target(%arg10 : memref<64x128xf32, #tpu.memory_space<vmem>>) target_semaphore(%arg26 : memref<!tpu.dma_semaphore, #tpu.memory_space<semaphore_mem>>)
      } else {
      }
      %add3A_210 = arith.constant 3 : i32
      %add3A_211 = arith.addi %add3A_188, %add3A_210 : i32
      %lt3A_212 = arith.cmpi slt, %add3A_211, %add3A_4 : i32
      %convert_element_type3A_213 = arith.extui %lt3A_212 : i1 to i32
      %cond3A_214 = arith.constant 0 : i32
      %cond3A_215 = arith.cmpi ne, %convert_element_type3A_213, %cond3A_214 : i32
      scf.if %cond3A_215 {
        %add3A_216 = arith.addi %add3A_8, %add3A_211 : i32
        %mul3A_217 = arith.constant 64 : i32
        %mul3A_218 = arith.muli %add3A_216, %mul3A_217 : i32
        %multiple_of3A_219 = tpu.assume_multiple %mul3A_218, 64 : i32
        %add3A_220 = arith.constant 320000 : i32
        %add3A_221 = arith.addi %add3A_220, %multiple_of3A_219 : i32
        %dma_start3A = tpu.memref_slice %arg3[%add3A_221] : memref<640000xi32, #tpu.memory_space<hbm>> -> memref<64xi32, #tpu.memory_space<hbm>>
        %dma_start3A_222 = tpu.memref_slice %arg3[%add3A_221] : memref<640000xi32, #tpu.memory_space<hbm>> -> memref<64xi32, #tpu.memory_space<hbm>>
        tpu.enqueue_dma source(%dma_start3A_222 : memref<64xi32, #tpu.memory_space<hbm>>) target(%arg14 : memref<64xi32, #tpu.memory_space<vmem>>) target_semaphore(%arg33 : memref<!tpu.dma_semaphore, #tpu.memory_space<semaphore_mem>>)
        %dma_start3A_223 = tpu.memref_slice %arg3[%multiple_of3A_219] : memref<640000xi32, #tpu.memory_space<hbm>> -> memref<64xi32, #tpu.memory_space<hbm>>
        %dma_start3A_224 = tpu.memref_slice %arg3[%multiple_of3A_219] : memref<640000xi32, #tpu.memory_space<hbm>> -> memref<64xi32, #tpu.memory_space<hbm>>
        tpu.enqueue_dma source(%dma_start3A_224 : memref<64xi32, #tpu.memory_space<hbm>>) target(%arg17 : memref<64xi32, #tpu.memory_space<vmem>>) target_semaphore(%arg33 : memref<!tpu.dma_semaphore, #tpu.memory_space<semaphore_mem>>)
      } else {
      }
    }
    %scan3A_65 = arith.constant 53 : i32
    %barrier3A_66 = arith.constant 0 : index
    tpu.barrier barrier_id(%barrier3A_66)
    %mul3A_67 = arith.constant 10000 : i32
    %mul3A_68 = arith.muli %arg0, %mul3A_67 : i32
    %multiple_of3A_69 = tpu.assume_multiple %mul3A_68, 8 : i32
    %add3A_70 = arith.constant 0 : i32
    %add3A_71 = arith.addi %multiple_of3A, %add3A_70 : i32
    %add3A_72 = arith.addi %multiple_of3A_69, %multiple_of3A : i32
    %add3A_73 = arith.constant 0 : i32
    %add3A_74 = arith.addi %add3A_72, %add3A_73 : i32
    "tpu.region"() ({
      %run_scoped3A = tpu.sem_alloc : memref<!tpu.dma_semaphore, #tpu.memory_space<semaphore_mem>>
      %dma_start3A = arith.constant 0 : i32
      %dma_start3A_125 = tpu.memref_slice %arg5[%add3A_74, %dma_start3A] : memref<20000x128xf32, #tpu.memory_space<hbm>> -> memref<64x128xf32, #tpu.memory_space<hbm>>
      %dma_start3A_126 = arith.constant 0 : i32
      %dma_start3A_127 = tpu.memref_slice %arg21[%add3A_71, %dma_start3A_126] : memref<10000x128xf32, #tpu.memory_space<vmem_shared>> -> memref<64x128xf32, #tpu.memory_space<vmem_shared>>
      tpu.enqueue_dma source(%dma_start3A_127 : memref<64x128xf32, #tpu.memory_space<vmem_shared>>) target(%dma_start3A_125 : memref<64x128xf32, #tpu.memory_space<hbm>>) target_semaphore(%run_scoped3A : memref<!tpu.dma_semaphore, #tpu.memory_space<semaphore_mem>>)
      %dma_wait3A = arith.constant 0 : i32
      %dma_wait3A_128 = tpu.memref_slice %arg5[%add3A_74, %dma_wait3A] : memref<20000x128xf32, #tpu.memory_space<hbm>> -> memref<64x128xf32, #tpu.memory_space<hbm>>
      %dma_wait3A_129 = arith.constant 0 : i32
      %dma_wait3A_130 = tpu.memref_slice %arg21[%add3A_71, %dma_wait3A_129] : memref<10000x128xf32, #tpu.memory_space<vmem_shared>> -> memref<64x128xf32, #tpu.memory_space<vmem_shared>>
      tpu.wait_dma2 semaphore(%run_scoped3A : memref<!tpu.dma_semaphore, #tpu.memory_space<semaphore_mem>>) src(%dma_wait3A_130 : memref<64x128xf32, #tpu.memory_space<vmem_shared>>) dst(%dma_wait3A_128 : memref<64x128xf32, #tpu.memory_space<hbm>>)
      tpu.yield
    }) : () -> ()
    %add3A_75 = arith.constant 64 : i32
    %add3A_76 = arith.addi %multiple_of3A, %add3A_75 : i32
    %add3A_77 = arith.addi %multiple_of3A_69, %multiple_of3A : i32
    %add3A_78 = arith.constant 64 : i32
    %add3A_79 = arith.addi %add3A_77, %add3A_78 : i32
    "tpu.region"() ({
      %run_scoped3A = tpu.sem_alloc : memref<!tpu.dma_semaphore, #tpu.memory_space<semaphore_mem>>
      %dma_start3A = arith.constant 0 : i32
      %dma_start3A_125 = tpu.memref_slice %arg5[%add3A_79, %dma_start3A] : memref<20000x128xf32, #tpu.memory_space<hbm>> -> memref<64x128xf32, #tpu.memory_space<hbm>>
      %dma_start3A_126 = arith.constant 0 : i32
      %dma_start3A_127 = tpu.memref_slice %arg21[%add3A_76, %dma_start3A_126] : memref<10000x128xf32, #tpu.memory_space<vmem_shared>> -> memref<64x128xf32, #tpu.memory_space<vmem_shared>>
      tpu.enqueue_dma source(%dma_start3A_127 : memref<64x128xf32, #tpu.memory_space<vmem_shared>>) target(%dma_start3A_125 : memref<64x128xf32, #tpu.memory_space<hbm>>) target_semaphore(%run_scoped3A : memref<!tpu.dma_semaphore, #tpu.memory_space<semaphore_mem>>)
      %dma_wait3A = arith.constant 0 : i32
      %dma_wait3A_128 = tpu.memref_slice %arg5[%add3A_79, %dma_wait3A] : memref<20000x128xf32, #tpu.memory_space<hbm>> -> memref<64x128xf32, #tpu.memory_space<hbm>>
      %dma_wait3A_129 = arith.constant 0 : i32
      %dma_wait3A_130 = tpu.memref_slice %arg21[%add3A_76, %dma_wait3A_129] : memref<10000x128xf32, #tpu.memory_space<vmem_shared>> -> memref<64x128xf32, #tpu.memory_space<vmem_shared>>
      tpu.wait_dma2 semaphore(%run_scoped3A : memref<!tpu.dma_semaphore, #tpu.memory_space<semaphore_mem>>) src(%dma_wait3A_130 : memref<64x128xf32, #tpu.memory_space<vmem_shared>>) dst(%dma_wait3A_128 : memref<64x128xf32, #tpu.memory_space<hbm>>)
      tpu.yield
    }) : () -> ()
    %add3A_80 = arith.constant 128 : i32
    %add3A_81 = arith.addi %multiple_of3A, %add3A_80 : i32
    %add3A_82 = arith.addi %multiple_of3A_69, %multiple_of3A : i32
    %add3A_83 = arith.constant 128 : i32
    %add3A_84 = arith.addi %add3A_82, %add3A_83 : i32
    "tpu.region"() ({
      %run_scoped3A = tpu.sem_alloc : memref<!tpu.dma_semaphore, #tpu.memory_space<semaphore_mem>>
      %dma_start3A = arith.constant 0 : i32
      %dma_start3A_125 = tpu.memref_slice %arg5[%add3A_84, %dma_start3A] : memref<20000x128xf32, #tpu.memory_space<hbm>> -> memref<64x128xf32, #tpu.memory_space<hbm>>
      %dma_start3A_126 = arith.constant 0 : i32
      %dma_start3A_127 = tpu.memref_slice %arg21[%add3A_81, %dma_start3A_126] : memref<10000x128xf32, #tpu.memory_space<vmem_shared>> -> memref<64x128xf32, #tpu.memory_space<vmem_shared>>
      tpu.enqueue_dma source(%dma_start3A_127 : memref<64x128xf32, #tpu.memory_space<vmem_shared>>) target(%dma_start3A_125 : memref<64x128xf32, #tpu.memory_space<hbm>>) target_semaphore(%run_scoped3A : memref<!tpu.dma_semaphore, #tpu.memory_space<semaphore_mem>>)
      %dma_wait3A = arith.constant 0 : i32
      %dma_wait3A_128 = tpu.memref_slice %arg5[%add3A_84, %dma_wait3A] : memref<20000x128xf32, #tpu.memory_space<hbm>> -> memref<64x128xf32, #tpu.memory_space<hbm>>
      %dma_wait3A_129 = arith.constant 0 : i32
      %dma_wait3A_130 = tpu.memref_slice %arg21[%add3A_81, %dma_wait3A_129] : memref<10000x128xf32, #tpu.memory_space<vmem_shared>> -> memref<64x128xf32, #tpu.memory_space<vmem_shared>>
      tpu.wait_dma2 semaphore(%run_scoped3A : memref<!tpu.dma_semaphore, #tpu.memory_space<semaphore_mem>>) src(%dma_wait3A_130 : memref<64x128xf32, #tpu.memory_space<vmem_shared>>) dst(%dma_wait3A_128 : memref<64x128xf32, #tpu.memory_space<hbm>>)
      tpu.yield
    }) : () -> ()
    %add3A_85 = arith.constant 192 : i32
    %add3A_86 = arith.addi %multiple_of3A, %add3A_85 : i32
    %add3A_87 = arith.addi %multiple_of3A_69, %multiple_of3A : i32
    %add3A_88 = arith.constant 192 : i32
    %add3A_89 = arith.addi %add3A_87, %add3A_88 : i32
    "tpu.region"() ({
      %run_scoped3A = tpu.sem_alloc : memref<!tpu.dma_semaphore, #tpu.memory_space<semaphore_mem>>
      %dma_start3A = arith.constant 0 : i32
      %dma_start3A_125 = tpu.memref_slice %arg5[%add3A_89, %dma_start3A] : memref<20000x128xf32, #tpu.memory_space<hbm>> -> memref<64x128xf32, #tpu.memory_space<hbm>>
      %dma_start3A_126 = arith.constant 0 : i32
      %dma_start3A_127 = tpu.memref_slice %arg21[%add3A_86, %dma_start3A_126] : memref<10000x128xf32, #tpu.memory_space<vmem_shared>> -> memref<64x128xf32, #tpu.memory_space<vmem_shared>>
      tpu.enqueue_dma source(%dma_start3A_127 : memref<64x128xf32, #tpu.memory_space<vmem_shared>>) target(%dma_start3A_125 : memref<64x128xf32, #tpu.memory_space<hbm>>) target_semaphore(%run_scoped3A : memref<!tpu.dma_semaphore, #tpu.memory_space<semaphore_mem>>)
      %dma_wait3A = arith.constant 0 : i32
      %dma_wait3A_128 = tpu.memref_slice %arg5[%add3A_89, %dma_wait3A] : memref<20000x128xf32, #tpu.memory_space<hbm>> -> memref<64x128xf32, #tpu.memory_space<hbm>>
      %dma_wait3A_129 = arith.constant 0 : i32
      %dma_wait3A_130 = tpu.memref_slice %arg21[%add3A_86, %dma_wait3A_129] : memref<10000x128xf32, #tpu.memory_space<vmem_shared>> -> memref<64x128xf32, #tpu.memory_space<vmem_shared>>
      tpu.wait_dma2 semaphore(%run_scoped3A : memref<!tpu.dma_semaphore, #tpu.memory_space<semaphore_mem>>) src(%dma_wait3A_130 : memref<64x128xf32, #tpu.memory_space<vmem_shared>>) dst(%dma_wait3A_128 : memref<64x128xf32, #tpu.memory_space<hbm>>)
      tpu.yield
    }) : () -> ()
    %add3A_90 = arith.constant 256 : i32
    %add3A_91 = arith.addi %multiple_of3A, %add3A_90 : i32
    %add3A_92 = arith.addi %multiple_of3A_69, %multiple_of3A : i32
    %add3A_93 = arith.constant 256 : i32
    %add3A_94 = arith.addi %add3A_92, %add3A_93 : i32
    "tpu.region"() ({
      %run_scoped3A = tpu.sem_alloc : memref<!tpu.dma_semaphore, #tpu.memory_space<semaphore_mem>>
      %dma_start3A = arith.constant 0 : i32
      %dma_start3A_125 = tpu.memref_slice %arg5[%add3A_94, %dma_start3A] : memref<20000x128xf32, #tpu.memory_space<hbm>> -> memref<64x128xf32, #tpu.memory_space<hbm>>
      %dma_start3A_126 = arith.constant 0 : i32
      %dma_start3A_127 = tpu.memref_slice %arg21[%add3A_91, %dma_start3A_126] : memref<10000x128xf32, #tpu.memory_space<vmem_shared>> -> memref<64x128xf32, #tpu.memory_space<vmem_shared>>
      tpu.enqueue_dma source(%dma_start3A_127 : memref<64x128xf32, #tpu.memory_space<vmem_shared>>) target(%dma_start3A_125 : memref<64x128xf32, #tpu.memory_space<hbm>>) target_semaphore(%run_scoped3A : memref<!tpu.dma_semaphore, #tpu.memory_space<semaphore_mem>>)
      %dma_wait3A = arith.constant 0 : i32
      %dma_wait3A_128 = tpu.memref_slice %arg5[%add3A_94, %dma_wait3A] : memref<20000x128xf32, #tpu.memory_space<hbm>> -> memref<64x128xf32, #tpu.memory_space<hbm>>
      %dma_wait3A_129 = arith.constant 0 : i32
      %dma_wait3A_130 = tpu.memref_slice %arg21[%add3A_91, %dma_wait3A_129] : memref<10000x128xf32, #tpu.memory_space<vmem_shared>> -> memref<64x128xf32, #tpu.memory_space<vmem_shared>>
      tpu.wait_dma2 semaphore(%run_scoped3A : memref<!tpu.dma_semaphore, #tpu.memory_space<semaphore_mem>>) src(%dma_wait3A_130 : memref<64x128xf32, #tpu.memory_space<vmem_shared>>) dst(%dma_wait3A_128 : memref<64x128xf32, #tpu.memory_space<hbm>>)
      tpu.yield
    }) : () -> ()
    %add3A_95 = arith.constant 320 : i32
    %add3A_96 = arith.addi %multiple_of3A, %add3A_95 : i32
    %add3A_97 = arith.addi %multiple_of3A_69, %multiple_of3A : i32
    %add3A_98 = arith.constant 320 : i32
    %add3A_99 = arith.addi %add3A_97, %add3A_98 : i32
    "tpu.region"() ({
      %run_scoped3A = tpu.sem_alloc : memref<!tpu.dma_semaphore, #tpu.memory_space<semaphore_mem>>
      %dma_start3A = arith.constant 0 : i32
      %dma_start3A_125 = tpu.memref_slice %arg5[%add3A_99, %dma_start3A] : memref<20000x128xf32, #tpu.memory_space<hbm>> -> memref<64x128xf32, #tpu.memory_space<hbm>>
      %dma_start3A_126 = arith.constant 0 : i32
      %dma_start3A_127 = tpu.memref_slice %arg21[%add3A_96, %dma_start3A_126] : memref<10000x128xf32, #tpu.memory_space<vmem_shared>> -> memref<64x128xf32, #tpu.memory_space<vmem_shared>>
      tpu.enqueue_dma source(%dma_start3A_127 : memref<64x128xf32, #tpu.memory_space<vmem_shared>>) target(%dma_start3A_125 : memref<64x128xf32, #tpu.memory_space<hbm>>) target_semaphore(%run_scoped3A : memref<!tpu.dma_semaphore, #tpu.memory_space<semaphore_mem>>)
      %dma_wait3A = arith.constant 0 : i32
      %dma_wait3A_128 = tpu.memref_slice %arg5[%add3A_99, %dma_wait3A] : memref<20000x128xf32, #tpu.memory_space<hbm>> -> memref<64x128xf32, #tpu.memory_space<hbm>>
      %dma_wait3A_129 = arith.constant 0 : i32
      %dma_wait3A_130 = tpu.memref_slice %arg21[%add3A_96, %dma_wait3A_129] : memref<10000x128xf32, #tpu.memory_space<vmem_shared>> -> memref<64x128xf32, #tpu.memory_space<vmem_shared>>
      tpu.wait_dma2 semaphore(%run_scoped3A : memref<!tpu.dma_semaphore, #tpu.memory_space<semaphore_mem>>) src(%dma_wait3A_130 : memref<64x128xf32, #tpu.memory_space<vmem_shared>>) dst(%dma_wait3A_128 : memref<64x128xf32, #tpu.memory_space<hbm>>)
      tpu.yield
    }) : () -> ()
    %add3A_100 = arith.constant 384 : i32
    %add3A_101 = arith.addi %multiple_of3A, %add3A_100 : i32
    %add3A_102 = arith.addi %multiple_of3A_69, %multiple_of3A : i32
    %add3A_103 = arith.constant 384 : i32
    %add3A_104 = arith.addi %add3A_102, %add3A_103 : i32
    "tpu.region"() ({
      %run_scoped3A = tpu.sem_alloc : memref<!tpu.dma_semaphore, #tpu.memory_space<semaphore_mem>>
      %dma_start3A = arith.constant 0 : i32
      %dma_start3A_125 = tpu.memref_slice %arg5[%add3A_104, %dma_start3A] : memref<20000x128xf32, #tpu.memory_space<hbm>> -> memref<64x128xf32, #tpu.memory_space<hbm>>
      %dma_start3A_126 = arith.constant 0 : i32
      %dma_start3A_127 = tpu.memref_slice %arg21[%add3A_101, %dma_start3A_126] : memref<10000x128xf32, #tpu.memory_space<vmem_shared>> -> memref<64x128xf32, #tpu.memory_space<vmem_shared>>
      tpu.enqueue_dma source(%dma_start3A_127 : memref<64x128xf32, #tpu.memory_space<vmem_shared>>) target(%dma_start3A_125 : memref<64x128xf32, #tpu.memory_space<hbm>>) target_semaphore(%run_scoped3A : memref<!tpu.dma_semaphore, #tpu.memory_space<semaphore_mem>>)
      %dma_wait3A = arith.constant 0 : i32
      %dma_wait3A_128 = tpu.memref_slice %arg5[%add3A_104, %dma_wait3A] : memref<20000x128xf32, #tpu.memory_space<hbm>> -> memref<64x128xf32, #tpu.memory_space<hbm>>
      %dma_wait3A_129 = arith.constant 0 : i32
      %dma_wait3A_130 = tpu.memref_slice %arg21[%add3A_101, %dma_wait3A_129] : memref<10000x128xf32, #tpu.memory_space<vmem_shared>> -> memref<64x128xf32, #tpu.memory_space<vmem_shared>>
      tpu.wait_dma2 semaphore(%run_scoped3A : memref<!tpu.dma_semaphore, #tpu.memory_space<semaphore_mem>>) src(%dma_wait3A_130 : memref<64x128xf32, #tpu.memory_space<vmem_shared>>) dst(%dma_wait3A_128 : memref<64x128xf32, #tpu.memory_space<hbm>>)
      tpu.yield
    }) : () -> ()
    %add3A_105 = arith.constant 448 : i32
    %add3A_106 = arith.addi %multiple_of3A, %add3A_105 : i32
    %add3A_107 = arith.addi %multiple_of3A_69, %multiple_of3A : i32
    %add3A_108 = arith.constant 448 : i32
    %add3A_109 = arith.addi %add3A_107, %add3A_108 : i32
    "tpu.region"() ({
      %run_scoped3A = tpu.sem_alloc : memref<!tpu.dma_semaphore, #tpu.memory_space<semaphore_mem>>
      %dma_start3A = arith.constant 0 : i32
      %dma_start3A_125 = tpu.memref_slice %arg5[%add3A_109, %dma_start3A] : memref<20000x128xf32, #tpu.memory_space<hbm>> -> memref<64x128xf32, #tpu.memory_space<hbm>>
      %dma_start3A_126 = arith.constant 0 : i32
      %dma_start3A_127 = tpu.memref_slice %arg21[%add3A_106, %dma_start3A_126] : memref<10000x128xf32, #tpu.memory_space<vmem_shared>> -> memref<64x128xf32, #tpu.memory_space<vmem_shared>>
      tpu.enqueue_dma source(%dma_start3A_127 : memref<64x128xf32, #tpu.memory_space<vmem_shared>>) target(%dma_start3A_125 : memref<64x128xf32, #tpu.memory_space<hbm>>) target_semaphore(%run_scoped3A : memref<!tpu.dma_semaphore, #tpu.memory_space<semaphore_mem>>)
      %dma_wait3A = arith.constant 0 : i32
      %dma_wait3A_128 = tpu.memref_slice %arg5[%add3A_109, %dma_wait3A] : memref<20000x128xf32, #tpu.memory_space<hbm>> -> memref<64x128xf32, #tpu.memory_space<hbm>>
      %dma_wait3A_129 = arith.constant 0 : i32
      %dma_wait3A_130 = tpu.memref_slice %arg21[%add3A_106, %dma_wait3A_129] : memref<10000x128xf32, #tpu.memory_space<vmem_shared>> -> memref<64x128xf32, #tpu.memory_space<vmem_shared>>
      tpu.wait_dma2 semaphore(%run_scoped3A : memref<!tpu.dma_semaphore, #tpu.memory_space<semaphore_mem>>) src(%dma_wait3A_130 : memref<64x128xf32, #tpu.memory_space<vmem_shared>>) dst(%dma_wait3A_128 : memref<64x128xf32, #tpu.memory_space<hbm>>)
      tpu.yield
    }) : () -> ()
    %add3A_110 = arith.constant 512 : i32
    %add3A_111 = arith.addi %multiple_of3A, %add3A_110 : i32
    %add3A_112 = arith.addi %multiple_of3A_69, %multiple_of3A : i32
    %add3A_113 = arith.constant 512 : i32
    %add3A_114 = arith.addi %add3A_112, %add3A_113 : i32
    "tpu.region"() ({
      %run_scoped3A = tpu.sem_alloc : memref<!tpu.dma_semaphore, #tpu.memory_space<semaphore_mem>>
      %dma_start3A = arith.constant 0 : i32
      %dma_start3A_125 = tpu.memref_slice %arg5[%add3A_114, %dma_start3A] : memref<20000x128xf32, #tpu.memory_space<hbm>> -> memref<64x128xf32, #tpu.memory_space<hbm>>
      %dma_start3A_126 = arith.constant 0 : i32
      %dma_start3A_127 = tpu.memref_slice %arg21[%add3A_111, %dma_start3A_126] : memref<10000x128xf32, #tpu.memory_space<vmem_shared>> -> memref<64x128xf32, #tpu.memory_space<vmem_shared>>
      tpu.enqueue_dma source(%dma_start3A_127 : memref<64x128xf32, #tpu.memory_space<vmem_shared>>) target(%dma_start3A_125 : memref<64x128xf32, #tpu.memory_space<hbm>>) target_semaphore(%run_scoped3A : memref<!tpu.dma_semaphore, #tpu.memory_space<semaphore_mem>>)
      %dma_wait3A = arith.constant 0 : i32
      %dma_wait3A_128 = tpu.memref_slice %arg5[%add3A_114, %dma_wait3A] : memref<20000x128xf32, #tpu.memory_space<hbm>> -> memref<64x128xf32, #tpu.memory_space<hbm>>
      %dma_wait3A_129 = arith.constant 0 : i32
      %dma_wait3A_130 = tpu.memref_slice %arg21[%add3A_111, %dma_wait3A_129] : memref<10000x128xf32, #tpu.memory_space<vmem_shared>> -> memref<64x128xf32, #tpu.memory_space<vmem_shared>>
      tpu.wait_dma2 semaphore(%run_scoped3A : memref<!tpu.dma_semaphore, #tpu.memory_space<semaphore_mem>>) src(%dma_wait3A_130 : memref<64x128xf32, #tpu.memory_space<vmem_shared>>) dst(%dma_wait3A_128 : memref<64x128xf32, #tpu.memory_space<hbm>>)
      tpu.yield
    }) : () -> ()
    %add3A_115 = arith.constant 576 : i32
    %add3A_116 = arith.addi %multiple_of3A, %add3A_115 : i32
    %add3A_117 = arith.addi %multiple_of3A_69, %multiple_of3A : i32
    %add3A_118 = arith.constant 576 : i32
    %add3A_119 = arith.addi %add3A_117, %add3A_118 : i32
    "tpu.region"() ({
      %run_scoped3A = tpu.sem_alloc : memref<!tpu.dma_semaphore, #tpu.memory_space<semaphore_mem>>
      %dma_start3A = arith.constant 0 : i32
      %dma_start3A_125 = tpu.memref_slice %arg5[%add3A_119, %dma_start3A] : memref<20000x128xf32, #tpu.memory_space<hbm>> -> memref<48x128xf32, #tpu.memory_space<hbm>>
      %dma_start3A_126 = arith.constant 0 : i32
      %dma_start3A_127 = tpu.memref_slice %arg21[%add3A_116, %dma_start3A_126] : memref<10000x128xf32, #tpu.memory_space<vmem_shared>> -> memref<48x128xf32, #tpu.memory_space<vmem_shared>>
      tpu.enqueue_dma source(%dma_start3A_127 : memref<48x128xf32, #tpu.memory_space<vmem_shared>>) target(%dma_start3A_125 : memref<48x128xf32, #tpu.memory_space<hbm>>) target_semaphore(%run_scoped3A : memref<!tpu.dma_semaphore, #tpu.memory_space<semaphore_mem>>)
      %dma_wait3A = arith.constant 0 : i32
      %dma_wait3A_128 = tpu.memref_slice %arg5[%add3A_119, %dma_wait3A] : memref<20000x128xf32, #tpu.memory_space<hbm>> -> memref<48x128xf32, #tpu.memory_space<hbm>>
      %dma_wait3A_129 = arith.constant 0 : i32
      %dma_wait3A_130 = tpu.memref_slice %arg21[%add3A_116, %dma_wait3A_129] : memref<10000x128xf32, #tpu.memory_space<vmem_shared>> -> memref<48x128xf32, #tpu.memory_space<vmem_shared>>
      tpu.wait_dma2 semaphore(%run_scoped3A : memref<!tpu.dma_semaphore, #tpu.memory_space<semaphore_mem>>) src(%dma_wait3A_130 : memref<48x128xf32, #tpu.memory_space<vmem_shared>>) dst(%dma_wait3A_128 : memref<48x128xf32, #tpu.memory_space<hbm>>)
      tpu.yield
    }) : () -> ()
    %eq3A_120 = arith.constant 15 : i32
    %eq3A_121 = arith.cmpi eq, %arg1, %eq3A_120 : i32
    %convert_element_type3A_122 = arith.extui %eq3A_121 : i1 to i32
    %cond3A_123 = arith.constant 0 : i32
    %cond3A_124 = arith.cmpi ne, %convert_element_type3A_122, %cond3A_123 : i32
    scf.if %cond3A_124 {
      %add3A_125 = arith.constant 9984 : i32
      %add3A_126 = arith.addi %multiple_of3A_69, %add3A_125 : i32
      "tpu.region"() ({
        %run_scoped3A = tpu.sem_alloc : memref<!tpu.dma_semaphore, #tpu.memory_space<semaphore_mem>>
        %dma_start3A = arith.constant 0 : i32
        %dma_start3A_127 = tpu.memref_slice %arg5[%add3A_126, %dma_start3A] : memref<20000x128xf32, #tpu.memory_space<hbm>> -> memref<16x128xf32, #tpu.memory_space<hbm>>
        %dma_start3A_128 = arith.constant 9984 : i32
        %dma_start3A_129 = arith.constant 0 : i32
        %dma_start3A_130 = tpu.memref_slice %arg21[%dma_start3A_128, %dma_start3A_129] : memref<10000x128xf32, #tpu.memory_space<vmem_shared>> -> memref<16x128xf32, #tpu.memory_space<vmem_shared>>
        tpu.enqueue_dma source(%dma_start3A_130 : memref<16x128xf32, #tpu.memory_space<vmem_shared>>) target(%dma_start3A_127 : memref<16x128xf32, #tpu.memory_space<hbm>>) target_semaphore(%run_scoped3A : memref<!tpu.dma_semaphore, #tpu.memory_space<semaphore_mem>>)
        %dma_wait3A = arith.constant 0 : i32
        %dma_wait3A_131 = tpu.memref_slice %arg5[%add3A_126, %dma_wait3A] : memref<20000x128xf32, #tpu.memory_space<hbm>> -> memref<16x128xf32, #tpu.memory_space<hbm>>
        %dma_wait3A_132 = arith.constant 9984 : i32
        %dma_wait3A_133 = arith.constant 0 : i32
        %dma_wait3A_134 = tpu.memref_slice %arg21[%dma_wait3A_132, %dma_wait3A_133] : memref<10000x128xf32, #tpu.memory_space<vmem_shared>> -> memref<16x128xf32, #tpu.memory_space<vmem_shared>>
        tpu.wait_dma2 semaphore(%run_scoped3A : memref<!tpu.dma_semaphore, #tpu.memory_space<semaphore_mem>>) src(%dma_wait3A_134 : memref<16x128xf32, #tpu.memory_space<vmem_shared>>) dst(%dma_wait3A_131 : memref<16x128xf32, #tpu.memory_space<hbm>>)
        tpu.yield
      }) : () -> ()
    } else {
    }
    return
  }
}

</mosaic_0001>

<sc_bundles>
// kernel: _econv_sc.3.cloned.1.call-start
scs
__scs_entry_jumppad:
0x0: {  	(pc) =	sbr.rel $0x88, $3  }
0x1: {  	(tag) =	ssettag $0x0;
	lr =	simm.s32 $0x1  }
0x2: {  	[smem:$0x3F9E] =	sst lr;
	_ =	strace $0xD0000000  }
0x3: {  	_ = 	snop  }
0x4: {  	_ = 	snop  }
0x5: {  	_ = 	snop  }
0x6: {  	_ = 	snop  }
0x7: {  	_ = 	snop  }
__scs_overlays_trampoline_lowered:
0x8: {  	[smem:$0x3FAD] =	sst s0  }
0x9: {  	[smem:$0x3FAE] =	sst s1  }
0xa: {  	[smem:$0x3FAF] =	sst s2  }
0xb: {  	[smem:$0x3FB0] =	sst s3  }
0xc: {  	[smem:$0x3FB1] =	sst s4  }
0xd: {  	[smem:$0x3FB2] =	sst s5  }
0xe: {  	[smem:$0x3FB3] =	sst s6  }
0xf: {  	[smem:$0x3FB4] =	sst s7  }
0x10: {  	[smem:$0x3FB5] =	sst s8  }
0x11: {  	[smem:$0x3FB6] =	sst s9;
	s0 =	simm.s32 @!p0 $0x0  }
0x12: {  	s1 =	sld [smem:$0x3F9C];
	s0 =	simm.s32 @p0 $0x1  }
0x13: {  	[smem:$0x3FB7] =	sst s0;
	s0 =	simm.s32 @!p1 $0x0  }
0x14: {  	s2 =	sld [smem:$0x3F9B];
	s0 =	simm.s32 @p1 $0x1  }
0x15: {  	[smem:$0x3FB8] =	sst s0;
	s0 =	simm.s32 @!p2 $0x0  }
0x16: {  	s3 =	sld [smem:$0x3FDB];
	s0 =	simm.s32 @p2 $0x1  }
0x17: {  	s4 =	simm.s32 $0x1BF5;
	[smem:$0x3FBA] =	sst s0  }
0x18: {  	s0 =	sld [smem:$0x3F9D];
	_ =	swait.ge [sflag:s4], $0x0  }
0x19: {  	s7 =	sld [smem:$0x3F9E]  }
0x1a: {  	s8 =	sadd.s32 $0xFFFFE003, lr  }
0x1b: {  	s9 =	sadd.s32 $0xFFFFFEF7, lr;
	s5 =	simm.s32 $0xFFFFFFFF;
	p2 =	slt.u32 s8, $0xFFFFF086  }
0x1c: {  	p1 =	slt.u32 s9, $0xF7A;
	s5 =	simm.s32 @!p2 $0x0  }
0x1d: {  	s5 =	simm.s32 @p1 $0x1;
	p0 =	seq.s32 s7, s2  }
0x1e: {  	s7 =	smul.u32 @!p0 $0xF7A, s2;
	p2 =	seq.s32 @!p0 s5, $0x0  }
0x1f: {  	s9 =	smul.u32 $0xF7A, s1;
	s8 =	simm.s32 @!p0 $0x1BF5;
	p2 =	por !p2, p0  }
0x20: {  	[sflag:s8] =	ssyncset.s32 @!p0 $0xFFFFF086;
	s6 =	sadd.s32 @!p0 s3, s7;
	s7 =	simm.s32 @!p0 $0x108  }
0x21: {  	s3 =	sadd.s32 s3, s9;
	s6 =	sadd.s32 @!p0 $0x88, s6;
	s7 =	simm.s32 @p2 $0x1082  }
0x22: {  	[simem:s7], [sflag:s8] =	dma.local @!p0 [hbm:s6], $0xF7A  }
0x23: {  	s9 =	sor.u32 $0xD0000000, s2;
	s6 =	simm.s32 $0x108;
	_ =	swait.ge @!p0 [sflag:s8], $0x0  }
0x24: {  	s3 =	sadd.s32 $0x88, s3;
	s6 =	simm.s32 @!p1 $0x1082;
	[sflag:s4] =	ssyncset.s32 $0xFFFFF086  }
0x25: {  	[simem:s6], [sflag:s4] =	dma.local [hbm:s3], $0xF7A  }
0x26: {  	[smem:$0x3F9E] =	sst s1;
	(tag) =	ssettag s2;
	_ =	strace s9  }
0x27: {  	s1 =	sld [smem:$0x3FAE]  }
0x28: {  	s2 =	sld [smem:$0x3FAF]  }
0x29: {  	s4 =	sld [smem:$0x3FB1]  }
0x2a: {  	p0 =	seq.s32 s5, $0x0;
	s5 =	sld [smem:$0x3FB2]  }
0x2b: {  	s6 =	sld [smem:$0x3FB3]  }
0x2c: {  	s7 =	sld [smem:$0x3FB4]  }
0x2d: {  	s3 =	simm.s32 $0x108;
	s8 =	sld [smem:$0x3FB5]  }
0x2e: {  	s3 =	simm.s32 @!p0 $0x1082;
	s9 =	sld [smem:$0x3FB6]  }
0x2f: {  	lr =	sadd.s32 s0, s3;
	s0 =	sld [smem:$0x3FAD]  }
0x30: {  	s3 =	sld [smem:$0x3FB0]  }
0x31: {  	[smem:$0x3FB9] =	sst s10  }
0x32: {  	s10 =	sld [smem:$0x3FB7];
	_ =	sdelay $0x3  }
0x33: {  	p0 =	seq.s32 s10, $0x1;
	s10 =	sld [smem:$0x3FB9];
	_ =	sdelay $0x3  }
0x34: {  	[smem:$0x3FB9] =	sst s10  }
0x35: {  	s10 =	sld [smem:$0x3FB8];
	_ =	sdelay $0x3  }
0x36: {  	p1 =	seq.s32 s10, $0x1;
	s10 =	sld [smem:$0x3FB9];
	_ =	sdelay $0x3  }
0x37: {  	[smem:$0x3FB9] =	sst s10  }
0x38: {  	s10 =	sld [smem:$0x3FBA]  }
0x39: {  	_ = 	snop;
	(pc) =	sbr.ind lr, $3  }
0x3a: {  	_ = 	snop  }
0x3b: {  	_ = 	snop  }
0x3c: {  	p2 =	seq.s32 s10, $0x1;
	s10 =	sld [smem:$0x3FB9]  }
0x3d: {  	_ =	shalt  }
0x3e: {  	_ =	shalt  }
0x3f: {  	_ =	shalt  }
0x40: {  	_ =	shalt  }
0x41: {  	_ =	shalt  }
0x42: {  	_ =	shalt  }
0x43: {  	_ =	shalt  }
0x44: {  	_ =	shalt  }
0x45: {  	_ =	shalt  }
0x46: {  	_ =	shalt  }
0x47: {  	_ =	shalt  }
0x48: {  	_ =	shalt  }
0x49: {  	_ =	shalt  }
0x4a: {  	_ =	shalt  }
0x4b: {  	_ =	shalt  }
0x4c: {  	_ =	shalt  }
0x4d: {  	_ =	shalt  }
0x4e: {  	_ =	shalt  }
0x4f: {  	_ =	shalt  }
0x50: {  	_ =	shalt  }
0x51: {  	_ =	shalt  }
0x52: {  	_ =	shalt  }
0x53: {  	_ =	shalt  }
0x54: {  	_ =	shalt  }
0x55: {  	_ =	shalt  }
0x56: {  	_ =	shalt  }
0x57: {  	_ =	shalt  }
0x58: {  	_ =	shalt  }
0x59: {  	_ =	shalt  }
0x5a: {  	_ =	shalt  }
0x5b: {  	_ =	shalt  }
0x5c: {  	_ =	shalt  }
0x5d: {  	_ =	shalt  }
0x5e: {  	_ =	shalt  }
0x5f: {  	_ =	shalt  }
0x60: {  	_ =	shalt  }
0x61: {  	_ =	shalt  }
0x62: {  	_ =	shalt  }
0x63: {  	_ =	shalt  }
0x64: {  	_ =	shalt  }
0x65: {  	_ =	shalt  }
0x66: {  	_ =	shalt  }
0x67: {  	_ =	shalt  }
0x68: {  	_ =	shalt  }
0x69: {  	_ =	shalt  }
0x6a: {  	_ =	shalt  }
0x6b: {  	_ =	shalt  }
0x6c: {  	_ =	shalt  }
0x6d: {  	_ =	shalt  }
0x6e: {  	_ =	shalt  }
0x6f: {  	_ =	shalt  }
0x70: {  	_ =	shalt  }
0x71: {  	_ =	shalt  }
0x72: {  	_ =	shalt  }
0x73: {  	_ =	shalt  }
0x74: {  	_ =	shalt  }
0x75: {  	_ =	shalt  }
0x76: {  	_ =	shalt  }
0x77: {  	_ =	shalt  }
0x78: {  	_ =	shalt  }
0x79: {  	_ =	shalt  }
0x7a: {  	_ =	shalt  }
0x7b: {  	_ =	shalt  }
0x7c: {  	_ =	shalt  }
0x7d: {  	_ =	shalt  }
0x7e: {  	_ =	shalt  }
0x7f: {  	_ =	shalt  }
0x80: {  	_ =	shalt  }
0x81: {  	_ =	shalt  }
0x82: {  	_ =	shalt  }
0x83: {  	_ =	shalt  }
0x84: {  	_ =	shalt  }
0x85: {  	_ =	shalt  }
0x86: {  	_ =	shalt  }
0x87: {  	_ =	shalt  }
.Lfunc_end0:
.L_simem_size_0:
called_computation_lowered:
.L_overlay_start_0:
0x88: {  	s2 =	sld [smem:$0x3FD9]  }
0x89: {  	s3 =	sld [smem:$0x3FFE];
	_ =	sdelay $0x1  }
0x8a: {  	s1 =	srdreg.scid  }
0x8b: {  	s0 =	sand.u32 $0x1, s1  }
0x8c: {  	s18 =	sshll.u32 s0, $0xA;
	s2 =	sadd.s32 s3, s2  }
0x8d: {  	s2 =	sadd.s32 s2, s18  }
0x8e: {  	[smem:$0x3FC5] =	sst s2  }
0x8f: {  	_ = 	snop  }
0x90: {  	s2 =	sld [smem:$0x3FC9]  }
0x91: {  	s19 =	sld [smem:$0x3FC8]  }
0x92: {  	s4 =	sld [smem:$0x3FC7]  }
0x93: {  	s5 =	sld [smem:$0x3FD0];
	(tm) =	ssettm $0x1  }
0x94: {  	s6 =	sld [smem:$0x3FFB];
	_ =	sdelay $0x3  }
0x95: {  	_ =	strace s6  }
0x96: {  	s6 =	sld [smem:$0x3FFC];
	_ =	sdelay $0x3  }
0x97: {  	_ =	strace s6  }
0x98: {  	s6 =	sld [smem:$0x3FFD];
	_ =	sdelay $0x3  }
0x99: {  	_ =	strace s6  }
0x9a: {  	_ =	strace $0x8FFFFFFF  }
0x9b: {  	s20 =	sld [smem:$0x3FDB];
	_ =	sdelay $0x1  }
0x9c: {  	s7 =	simm.s32 $_scs_section_size  }
0x9d: {  	s8 =	simm.s32 $_size__tile_overlayer_lowered;
	s9 =	simm.s32 $_tile_overlayer_lowered  }
0x9e: {  	s23 =	simm.s32 $0x1BFF;
	s22 =	sshll.u32 s9, $0x1;
	s6 =	sadd.s32 s7, s20  }
0x9f: {  	s10 =	simm.s32 $0x0;
	s21 =	sshll.u32 s8, $0x1;
	s8 =	sadd.s32 s22, s6  }
0xa0: {  	[timem:s10], [sflag:s23] =	dma.local [hbm:s8], s21  }
0xa1: {  	_ =	swait.ge [sflag:s23], s21  }
0xa2: {  	s7 =	ssub.s32 $0x0, s21;
	[sflag:s23] =	ssyncset.done $0x0  }
0xa3: {  	[sflag:s23] =	ssyncadd.s32 s7;
	_ =	sdelay $0x1  }
0xa4: {  	s24 =	simm.s32 $0x1B8B  }
0xa5: {  	_ =	swait.ge [sflag:s24], $0x1  }
0xa6: {  	[sflag:s24] =	ssyncset.done $0x0  }
0xa7: {  	s25 =	simm.s32 $0x1B8E;
	[sflag:s24] =	ssyncadd.s32 $0xFFFFFFFF  }
0xa8: {  	s26 =	simm.s32 $execute0_lowered;
	[smem:$0x3FD2] =	sst s25  }
0xa9: {  	s7 =	sshll.u32 s26, $0x1;
	_ =	strace $0x80000046;
	[dreg:$0x1] =	wrdreg $0xFFFFFFFF  }
0xaa: {  	s28 =	simm.s32 $_size_execute0_lowered;
	s6 =	sadd.s32 s6, s7;
	[dreg:$0x0] =	wrdreg $0x0  }
0xab: {  	s7 =	sshll.u32 s28, $0x1;
	[dreg:$0x2] =	wrdreg s6  }
0xac: {  	[dreg:$0x3] =	wrdreg s7  }
0xad: {  	[dreg:$0x4] =	wrdreg $0xC0  }
0xae: {  	_ =	task [dreg:s10], $0x5FFFF  }
0xaf: {  	[dreg:$0x1] =	wrdreg $0xFFFFFFFF  }
0xb0: {  	[dreg:$0x0] =	wrdreg $0x60  }
0xb1: {  	[dreg:$0x2] =	wrdreg s2  }
0xb2: {  	[dreg:$0x3] =	wrdreg s19  }
0xb3: {  	[dreg:$0x4] =	wrdreg s4  }
0xb4: {  	[dreg:$0x5] =	wrdreg s5  }
0xb5: {  	[dreg:$0x6] =	wrdreg $0xC4800  }
0xb6: {  	[dreg:$0x7] =	wrdreg $0x9  }
0xb7: {  	_ =	task.clear_ibuf [dreg:s10], $0x8FFFF;
	_ =	strace $0x90000046  }
0xb8: {  	s29 =	simm.s32 $0x9;
	_ =	strace $0x80000048  }
0xb9: {  	_ =	swait.ge [sflag:s29], $0x1  }
0xba: {  	[sflag:s29] =	ssyncadd.s32 $0xFFFFFFFF  }
0xbb: {  	_ =	strace $0x90000048  }
0xbc: {  	_ =	sfence  }
0xbd: {  	s30 =	sld [smem:$0x0];
	_ =	sdelay $0x2  }
0xbe: {  	s31 =	sshll.u32 s1, $0xD;
	s1 =	sshrl.u32 s1, $0x2  }
0xbf: {  	s3 =	sand.u32 $0x4000, s31;
	s1 =	sadd.s32 s1, s30  }
0xc0: {  	s0 =	sor.u32 s3, s0;
	s1 =	sshll.u32 s1, $0x11  }
0xc1: {  	s0 =	sor.u32 s1, s0  }
0xc2: {  	s0 =	sadd.s32 $0x8F2B, s0  }
0xc3: {  	[sflag:s0] =	ssyncadd.remote.s32 $0x1  }
0xc4: {  	_ =	sfence.sel $0xFFFF  }
0xc5: {  	[dreg:$0x0] =	wrdreg $0xFFFFFFFF;
	(pc) =	sbr.abs _section_cstart, $3  }
0xc6: {  	[dreg:$0x1] =	wrdreg $0xFFFFFFFF  }
0xc7: {  	_ =	task.clear_ibuf [dreg:s10], $0x2FFFF;
	_ =	strace $0x9FFFFFFF  }
0xc8: {  	(tm) =	ssettm $0x7FFFFFFF  }
0xc9: {  	_ =	shalt  }
tec
execute0_lowered:
.L_overlay_start_1:
0x0: {  	(tag) =	ssettag $0x1  }
0x1: {  	s1 =	rddreg [dreg:$0x0]  }
0x2: {  	s2 =	rddreg [dreg:$0x1]  }
0x3: {  	s3 =	rddreg [dreg:$0x2]  }
0x4: {  	s0 =	rddreg [dreg:$0x3]  }
0x5: {  	s4 =	rddreg [dreg:$0x4]  }
0x6: {  	s5 =	simm.s32 $0x0;
	s6 =	srdreg.scid;
	s13 =	stileid.u32  }
0x7: {  	s29 =	simm.s32 $0x2000;
	s30 =	simm.s32 $0x1;
	s10 =	smul.u32 $0x4E000, s13  }
0x8: {  	s31 =	simm.s32 $0x4;
	[smem:$0x7FF] =	sst s5;
	s6 =	sand.u32 $0x1, s6  }
0x9: {  	s25 =	smul.u32 $0x270, s13;
	s21 =	sadd.s32 $0x138000, s4;
	s10 =	sshrl.u32 s10, $0x2  }
0xa: {  	_ =	strace $0x80000047;
	[dreg:$0x10] =	wrdreg s21;
	s15 =	sadd.s32 s10, s4  }
0xb: {  	s7 =	ssub.s32 $0x2, s6;
	s26 =	sadd.s32 $0xA000, s15;
	[dreg:$0x6] =	wrdreg s15  }
0xc: {  	s8 =	sshll.u32 s6, $0x4;
	s28 =	sadd.s32 $0xC000, s15;
	[dreg:$0xb] =	wrdreg s26  }
0xd: {  	s14 =	smul.u32 $0x2710, s6;
	s12 =	sadd.s32 $0xE000, s15;
	[dreg:$0xc] =	wrdreg s28  }
0xe: {  	s6 =	smul.u32 $0x138800, s6;
	s20 =	sadd.s32 $0x12000, s15;
	[dreg:$0xd] =	wrdreg s12  }
0xf: {  	s9 =	sshrl.u32 s7, $0x1;
	s16 =	sadd.s32 $0x2000, s15;
	[dreg:$0xf] =	wrdreg s20  }
0x10: {  	s8 =	sor.u32 s13, s8;
	s17 =	sadd.s32 $0x4000, s15;
	[dreg:$0x7] =	wrdreg s16  }
0x11: {  	s9 =	ssub.s32 s7, s9;
	s18 =	sadd.s32 $0x6000, s15;
	[dreg:$0x8] =	wrdreg s17  }
0x12: {  	s10 =	sadd.s32 s25, s14;
	s19 =	sadd.s32 $0x8000, s15;
	[dreg:$0x9] =	wrdreg s18  }
0x13: {  	s6 =	sshrl.u32 s6, $0x3;
	s12 =	sadd.s32 $0x10000, s15;
	[dreg:$0xa] =	wrdreg s19  }
0x14: {  	s10 =	sshll.u32 s10, $0x4;
	s26 =	smax.u32 s9, $0x1;
	[dreg:$0xe] =	wrdreg s12  }
0x15: {  	s10 =	sadd.s32 s0, s10;
	s0 =	sadd.s32 s0, s6;
	[dreg:$0x16] =	wrdreg s26  }
0x16: {  	p0 =	slt.u32 s8, $0x8;
	s0 =	sadd.s32 $0x27000, s0;
	[dreg:$0x12] =	wrdreg s10  }
0x17: {  	s11 =	smul.u32 $0x9C, s8;
	s14 =	sadd.s32 $0x400, s10;
	[dreg:$0x15] =	wrdreg s0  }
0x18: {  	s8 =	smin.u32 s8, $0x8;
	s20 =	sadd.s32 $0x800, s10;
	[dreg:$0x1c] =	wrdreg s14  }
0x19: {  	s8 =	sadd.s32 s8, s11;
	s21 =	sadd.s32 $0xC00, s10;
	[dreg:$0x1d] =	wrdreg s20  }
0x1a: {  	s22 =	sshll.u32 s8, $0x3;
	s26 =	sadd.s32 $0x2000, s10;
	[dreg:$0x1e] =	wrdreg s21  }
0x1b: {  	s23 =	sshll.u32 s8, $0xA;
	s12 =	sadd.s32 s2, s22;
	[smem:$0x7FC] =	sst s26  }
0x1c: {  	s7 =	simm.s32 $0x9D;
	s25 =	sadd.s32 s3, s23;
	[dreg:$0x11] =	wrdreg s12  }
0x1d: {  	s7 =	simm.s32 @!p0 $0x9C;
	s22 =	sadd.s32 $0x1000, s10;
	[dreg:$0x14] =	wrdreg s25  }
0x1e: {  	p0 =	sne.s32 s13, $0xF;
	s23 =	sadd.s32 $0x1400, s10;
	[dreg:$0x1f] =	wrdreg s22  }
0x1f: {  	s6 =	sadd.s32 $0x9C40, s2;
	s24 =	sadd.s32 $0x9C40, s12;
	[smem:$0x7F9] =	sst s23  }
0x20: {  	s0 =	sadd.s32 $0xFFFFFFFF, s7;
	s28 =	sadd.s32 $0x9C48, s12;
	[dreg:$0x13] =	wrdreg s24  }
0x21: {  	s26 =	simm.s32 $0x40;
	s9 =	sadd.s32 $0x8, s12;
	[dreg:$0x17] =	wrdreg s28  }
0x22: {  	s20 =	simm.s32 $0x5;
	s11 =	sadd.s32 $0x9C50, s12;
	[dreg:$0x18] =	wrdreg s9  }
0x23: {  	s21 =	simm.s32 $0xC380;
	s12 =	sadd.s32 $0x10, s12;
	[dreg:$0x19] =	wrdreg s11  }
0x24: {  	s13 =	sadd.s32 $0x400, s25;
	s25 =	sadd.s32 $0x1C00, s10;
	[dreg:$0x1a] =	wrdreg s12  }
.Ltmp0:
0x25: {  	s22 =	simm.s32 $0xC300;
	[dreg:$0x1b] =	wrdreg s13;
	(pc) =	sbr.rel .LBB2_1-.Ltmp0, $4  }
0x26: {  	s23 =	simm.s32 $0x2;
	s24 =	sadd.s32 $0x1800, s10;
	[smem:$0x7FB] =	sst s25  }
0x27: {  	s28 =	sadd.s32 $0x2400, s10;
	s10 =	simm.s32 $0x3;
	s11 =	simm.s32 $0x6  }
0x28: {  	s12 =	simm.s32 $0xC400;
	s13 =	simm.s32 $0x4000;
	[smem:$0x7FA] =	sst s24  }
0x29: {  	v0 =	vimm.f32 $0.0e+00;
	s25 =	simm.s32 $0x0;
	[smem:$0x7FD] =	sst s28;
	s24 =	simm.s32 $0xD  }
.LBB2_17:
0x2a: {  	s9 =	stileid.u32;
	[bflag:$0x0] =	sbarrier.arrive $0xFFFF  }
0x2b: {  	s9 =	sshll.u32 s9, $0x6;
	s15 =	rddreg [dreg:$0x6]  }
0x2c: {  	s16 =	rddreg [dreg:$0x12];
	s9 =	sor.u32 $0x1C0D, s9;
	s14 =	sshrl.u32 s15, $0x3  }
0x2d: {  	[hbm:s16], [sflag:s9] =	dma.local [spmem:s14], $0x400  }
0x2e: {  	_ =	swait.ge [sflag:s24], $0x400  }
0x2f: {  	[sflag:s24] =	ssyncset.done $0x0;
	s16 =	rddreg [dreg:$0x7]  }
0x30: {  	s17 =	rddreg [dreg:$0x1c];
	[sflag:s24] =	ssyncadd.s32 $0xFFFFFC00;
	s18 =	sshrl.u32 s16, $0x3  }
0x31: {  	[hbm:s17], [sflag:s9] =	dma.local [spmem:s18], $0x400  }
0x32: {  	_ =	swait.ge [sflag:s24], $0x400  }
0x33: {  	[sflag:s24] =	ssyncset.done $0x0;
	s17 =	rddreg [dreg:$0x8]  }
0x34: {  	s18 =	rddreg [dreg:$0x1d];
	[sflag:s24] =	ssyncadd.s32 $0xFFFFFC00;
	s19 =	sshrl.u32 s17, $0x3  }
0x35: {  	[hbm:s18], [sflag:s9] =	dma.local [spmem:s19], $0x400  }
0x36: {  	_ =	swait.ge [sflag:s24], $0x400  }
0x37: {  	[sflag:s24] =	ssyncset.done $0x0;
	s18 =	rddreg [dreg:$0x9]  }
0x38: {  	s19 =	rddreg [dreg:$0x1e];
	[sflag:s24] =	ssyncadd.s32 $0xFFFFFC00;
	s25 =	sshrl.u32 s18, $0x3  }
0x39: {  	[hbm:s19], [sflag:s9] =	dma.local [spmem:s25], $0x400  }
0x3a: {  	_ =	swait.ge [sflag:s24], $0x400  }
0x3b: {  	[sflag:s24] =	ssyncset.done $0x0;
	s19 =	rddreg [dreg:$0xa]  }
0x3c: {  	s25 =	rddreg [dreg:$0x1f];
	[sflag:s24] =	ssyncadd.s32 $0xFFFFFC00;
	s28 =	sshrl.u32 s19, $0x3  }
0x3d: {  	[hbm:s25], [sflag:s9] =	dma.local [spmem:s28], $0x400  }
0x3e: {  	_ =	swait.ge [sflag:s24], $0x400  }
0x3f: {  	s28 =	sld [smem:$0x7F9]  }
0x40: {  	[sflag:s24] =	ssyncset.done $0x0;
	s25 =	rddreg [dreg:$0xb]  }
0x41: {  	[sflag:s24] =	ssyncadd.s32 $0xFFFFFC00;
	s14 =	sshrl.u32 s25, $0x3  }
0x42: {  	[hbm:s28], [sflag:s9] =	dma.local [spmem:s14], $0x400  }
0x43: {  	_ =	swait.ge [sflag:s24], $0x400  }
0x44: {  	s28 =	sld [smem:$0x7FA]  }
0x45: {  	[sflag:s24] =	ssyncset.done $0x0;
	s25 =	rddreg [dreg:$0xc]  }
0x46: {  	[sflag:s24] =	ssyncadd.s32 $0xFFFFFC00;
	s14 =	sshrl.u32 s25, $0x3  }
0x47: {  	[hbm:s28], [sflag:s9] =	dma.local [spmem:s14], $0x400  }
0x48: {  	_ =	swait.ge [sflag:s24], $0x400  }
0x49: {  	s28 =	sld [smem:$0x7FB]  }
0x4a: {  	[sflag:s24] =	ssyncset.done $0x0;
	s25 =	rddreg [dreg:$0xd]  }
0x4b: {  	[sflag:s24] =	ssyncadd.s32 $0xFFFFFC00;
	s14 =	sshrl.u32 s25, $0x3  }
0x4c: {  	[hbm:s28], [sflag:s9] =	dma.local [spmem:s14], $0x400  }
0x4d: {  	_ =	swait.ge [sflag:s24], $0x400  }
0x4e: {  	s28 =	sld [smem:$0x7FC]  }
0x4f: {  	[sflag:s24] =	ssyncset.done $0x0;
	s25 =	rddreg [dreg:$0xe]  }
0x50: {  	[sflag:s24] =	ssyncadd.s32 $0xFFFFFC00;
	s14 =	sshrl.u32 s25, $0x3  }
0x51: {  	[hbm:s28], [sflag:s9] =	dma.local [spmem:s14], $0x400  }
0x52: {  	_ =	swait.ge [sflag:s24], $0x400  }
0x53: {  	s28 =	sld [smem:$0x7FD]  }
0x54: {  	[sflag:s24] =	ssyncset.done $0x0;
	s25 =	rddreg [dreg:$0xf]  }
0x55: {  	[sflag:s24] =	ssyncadd.s32 $0xFFFFFC00;
	s14 =	sshrl.u32 s25, $0x3  }
0x56: {  	[hbm:s28], [sflag:s9] =	dma.local [spmem:s14], $0x300  }
0x57: {  	_ =	swait.ge [sflag:s24], $0x300  }
0x58: {  	[sflag:s24] =	ssyncset.done $0x0;
	s14 =	rddreg [dreg:$0x10]  }
0x59: {  	s25 =	rddreg [dreg:$0x15];
	[sflag:s24] =	ssyncadd.s32 $0xFFFFFD00;
	s14 =	sshrl.u32 @!p0 s14, $0x3  }
0x5a: {  	[hbm:s25], [sflag:s9] =	dma.local @!p0 [spmem:s14], $0x100  }
0x5b: {  	s9 =	simm.s32 @!p0 $0xD  }
0x5c: {  	_ =	swait.ge @!p0 [sflag:s9], $0x100  }
0x5d: {  	s14 =	sld [smem:$0x7F8];
	_ =	sdelay $0x2  }
0x5e: {  	s28 =	rddreg [dreg:$0x16];
	s25 =	sadd.s32 $0x1, s14  }
0x5f: {  	p1 =	sne.s32 s25, s28  }
.Ltmp1:
0x60: {  	_ = 	snop;
	(pc) =	sbr.rel @!p1 .LBB2_18-.Ltmp1, $3  }
0x61: {  	_ =	sdelay $0x1  }
0x62: {  	[sflag:s9] =	ssyncset.done @!p0 $0x0  }
0x63: {  	[sflag:s9] =	ssyncadd.s32 @!p0 $0xFFFFFF00  }
.LBB2_1:
0x64: {  	s9 =	simm.s32 $0x0;
	s14 =	simm.s32 $0x200  }
.LBB2_2:
0x65: {  	p1 =	sne.s32 s14, $0x7E00;
	[tilespmem:s9+$0x70] =	vst v0  }
0x66: {  	[tilespmem:s9+$0x0] =	vst v0  }
0x67: {  	[tilespmem:s9+$0x10] =	vst v0  }
.Ltmp2:
0x68: {  	[tilespmem:s9+$0x20] =	vst v0;
	(pc) =	sbr.rel @p1 .LBB2_2-.Ltmp2, $4  }
0x69: {  	[tilespmem:s9+$0x30] =	vst v0  }
0x6a: {  	[tilespmem:s9+$0x40] =	vst v0  }
0x6b: {  	[tilespmem:s9+$0x50] =	vst v0  }
0x6c: {  	[tilespmem:s9+$0x60] =	vst v0;
	s9 =	sshra.s32 s14, $0x2;
	s14 =	sadd.s32 $0x200, s14  }
0x6d: {  	[tilespmem:s9+$0x70] =	vst v0  }
0x6e: {  	[tilespmem:s9+$0x0] =	vst v0  }
0x6f: {  	[tilespmem:s9+$0x10] =	vst v0  }
0x70: {  	[tilespmem:s9+$0x20] =	vst v0  }
0x71: {  	[tilespmem:s9+$0x30] =	vst v0  }
0x72: {  	[tilespmem:s9+$0x40] =	vst v0  }
0x73: {  	[tilespmem:s9+$0x50] =	vst v0  }
0x74: {  	[smem:$0x7F8] =	sst s25;
	[tilespmem:s9+$0x60] =	vst v0  }
0x75: {  	[spmem:s15] =	stream.linear.scatter [tilespmem:s5], [sflag:$0xD], $0x2000, $0x38;
	[tilespmem:$0x1FD00] =	vst v63  }
0x76: {  	_ =	swait.ge [sflag:s24], $0x2000  }
0x77: {  	[sflag:s24] =	ssyncset.done $0x0  }
0x78: {  	[sflag:s24] =	ssyncadd.s32 $0xFFFFE000  }
0x79: {  	[spmem:s16] =	stream.linear.scatter [tilespmem:s5], [sflag:$0xD], $0x2000, $0x38;
	[tilespmem:$0x1FD00] =	vst v63  }
0x7a: {  	_ =	swait.ge [sflag:s24], $0x2000  }
0x7b: {  	[sflag:s24] =	ssyncset.done $0x0  }
0x7c: {  	[sflag:s24] =	ssyncadd.s32 $0xFFFFE000  }
0x7d: {  	[spmem:s17] =	stream.linear.scatter [tilespmem:s5], [sflag:$0xD], $0x2000, $0x38;
	[tilespmem:$0x1FD00] =	vst v63  }
0x7e: {  	_ =	swait.ge [sflag:s24], $0x2000  }
0x7f: {  	[sflag:s24] =	ssyncset.done $0x0  }
0x80: {  	[sflag:s24] =	ssyncadd.s32 $0xFFFFE000  }
0x81: {  	[spmem:s18] =	stream.linear.scatter [tilespmem:s5], [sflag:$0xD], $0x2000, $0x38;
	[tilespmem:$0x1FD00] =	vst v63  }
0x82: {  	_ =	swait.ge [sflag:s24], $0x2000  }
0x83: {  	[sflag:s24] =	ssyncset.done $0x0  }
0x84: {  	[sflag:s24] =	ssyncadd.s32 $0xFFFFE000  }
0x85: {  	[spmem:s19] =	stream.linear.scatter [tilespmem:s5], [sflag:$0xD], $0x2000, $0x38;
	[tilespmem:$0x1FD00] =	vst v63  }
0x86: {  	_ =	swait.ge [sflag:s24], $0x2000  }
0x87: {  	[sflag:s24] =	ssyncset.done $0x0  }
0x88: {  	s19 =	rddreg [dreg:$0xb];
	[sflag:s24] =	ssyncadd.s32 $0xFFFFE000  }
0x89: {  	[spmem:s19] =	stream.linear.scatter [tilespmem:s5], [sflag:$0xD], $0x2000, $0x38;
	[tilespmem:$0x1FD00] =	vst v63  }
0x8a: {  	_ =	swait.ge [sflag:s24], $0x2000  }
0x8b: {  	[sflag:s24] =	ssyncset.done $0x0  }
0x8c: {  	s25 =	rddreg [dreg:$0xc];
	[sflag:s24] =	ssyncadd.s32 $0xFFFFE000  }
0x8d: {  	[spmem:s25] =	stream.linear.scatter [tilespmem:s5], [sflag:$0xD], $0x2000, $0x38;
	[tilespmem:$0x1FD00] =	vst v63  }
0x8e: {  	_ =	swait.ge [sflag:s24], $0x2000  }
0x8f: {  	[sflag:s24] =	ssyncset.done $0x0  }
0x90: {  	s28 =	rddreg [dreg:$0xd];
	[sflag:s24] =	ssyncadd.s32 $0xFFFFE000  }
0x91: {  	[spmem:s28] =	stream.linear.scatter [tilespmem:s5], [sflag:$0xD], $0x2000, $0x38;
	[tilespmem:$0x1FD00] =	vst v63  }
0x92: {  	_ =	swait.ge [sflag:s24], $0x2000  }
0x93: {  	[sflag:s24] =	ssyncset.done $0x0  }
0x94: {  	s14 =	rddreg [dreg:$0xe];
	[sflag:s24] =	ssyncadd.s32 $0xFFFFE000  }
0x95: {  	[spmem:s14] =	stream.linear.scatter [tilespmem:s5], [sflag:$0xD], $0x2000, $0x38;
	[tilespmem:$0x1FD00] =	vst v63  }
0x96: {  	_ =	swait.ge [sflag:s24], $0x2000  }
0x97: {  	[sflag:s24] =	ssyncset.done $0x0  }
0x98: {  	s15 =	rddreg [dreg:$0xf];
	[sflag:s24] =	ssyncadd.s32 $0xFFFFE000  }
0x99: {  	[spmem:s15] =	stream.linear.scatter [tilespmem:s5], [sflag:$0xD], $0x1800, $0x38;
	[tilespmem:$0x1FD00] =	vst v63  }
0x9a: {  	_ =	swait.ge [sflag:s24], $0x1800  }
0x9b: {  	[sflag:s24] =	ssyncset.done $0x0  }
0x9c: {  	s9 =	simm.s32 @!p0 $0x0;
	s14 =	rddreg [dreg:$0x10];
	[sflag:s24] =	ssyncadd.s32 $0xFFFFE800  }
0x9d: {  	[spmem:s14] =	stream.linear.scatter @!p0 [tilespmem:s9], [sflag:$0xD], $0x800, $0x38;
	[tilespmem:$0x1FD00] =	vst v63  }
0x9e: {  	s9 =	simm.s32 @!p0 $0xD  }
0x9f: {  	_ =	swait.ge @!p0 [sflag:s9], $0x800  }
0xa0: {  	[sflag:s9] =	ssyncset.done @!p0 $0x0  }
0xa1: {  	[sflag:s9] =	ssyncadd.s32 @!p0 $0xFFFFF800  }
0xa2: {  	[bflag:$0x0] =	sbarrier.arrive $0xFFFF  }
0xa3: {  	s15 =	simm.s32 $0x0;
	s14 =	simm.s32 $0xC000;
	s16 =	rddreg [dreg:$0x13]  }
0xa4: {  	[tilespmem:s14], [sflag:$0xA] =	stream.linear.gather [hbm4b:s16+s15], $0x40, $0x38;
	[tilespmem:$0x1FD00] =	vst v63  }
0xa5: {  	s18 =	simm.s32 $0xC180;
	s17 =	rddreg [dreg:$0x11]  }
0xa6: {  	[tilespmem:s18], [sflag:$0xA] =	stream.linear.gather [hbm4b:s17+s15], $0x40, $0x38;
	[tilespmem:$0x1FD00] =	vst v63  }
0xa7: {  	s19 =	rddreg [dreg:$0x17];
	s16 =	simm.s32 $0xC080  }
0xa8: {  	[tilespmem:s16], [sflag:$0xB] =	stream.linear.gather [hbm4b:s19+s15], $0x40, $0x38;
	[tilespmem:$0x1FD00] =	vst v63  }
0xa9: {  	s28 =	simm.s32 $0xC200;
	s25 =	rddreg [dreg:$0x18]  }
0xaa: {  	[tilespmem:s28], [sflag:$0xB] =	stream.linear.gather [hbm4b:s25+s15], $0x40, $0x38;
	[tilespmem:$0x1FD00] =	vst v63  }
0xab: {  	s17 =	rddreg [dreg:$0x19];
	s18 =	simm.s32 $0xC100  }
0xac: {  	[tilespmem:s18], [sflag:$0xC] =	stream.linear.gather [hbm4b:s17+s15], $0x40, $0x38;
	[tilespmem:$0x1FD00] =	vst v63  }
0xad: {  	s19 =	rddreg [dreg:$0x1a];
	s25 =	simm.s32 $0xC280;
	s28 =	simm.s32 $0xA  }
0xae: {  	[tilespmem:s25], [sflag:$0xC] =	stream.linear.gather [hbm4b:s19+s15], $0x40, $0x38;
	[tilespmem:$0x1FD00] =	vst v63  }
0xaf: {  	_ =	swait.ge [sflag:s28], $0x40  }
0xb0: {  	[sflag:s28] =	ssyncset.done $0x0  }
0xb1: {  	[sflag:s28] =	ssyncadd.s32 $0xFFFFFFC0  }
0xb2: {  	_ =	swait.ge [sflag:s28], $0x40  }
0xb3: {  	[sflag:s28] =	ssyncset.done $0x0  }
0xb4: {  	[sflag:s28] =	ssyncadd.s32 $0xFFFFFFC0  }
0xb5: {  	[tilespmem:s15], [sflag:$0x1] =	stream.indirect.gather [hbm4b:s1+s26], $0x80, s14, s26, $0xb8;
	[tilespmem:$0x1FD00] =	vst v63  }
0xb6: {  	s18 =	simm.s32 $0x6000;
	s19 =	simm.s32 $0xB;
	s17 =	rddreg [dreg:$0x14]  }
0xb7: {  	[tilespmem:s18], [sflag:$0x4] =	stream.linear.gather [hbm4b:s17+s15], $0x2000, $0x38;
	[tilespmem:$0x1FD00] =	vst v63  }
0xb8: {  	_ =	swait.ge [sflag:s19], $0x40  }
0xb9: {  	[sflag:s19] =	ssyncset.done $0x0  }
0xba: {  	[sflag:s19] =	ssyncadd.s32 $0xFFFFFFC0  }
0xbb: {  	_ =	swait.ge [sflag:s19], $0x40  }
.Ltmp3:
0xbc: {  	[sflag:s19] =	ssyncset.done $0x0;
	(pc) =	sbr.rel .LBB2_4-.Ltmp3, $4  }
0xbd: {  	[sflag:s19] =	ssyncadd.s32 $0xFFFFFFC0  }
0xbe: {  	[tilespmem:s29], [sflag:$0x2] =	stream.indirect.gather [hbm4b:s1+s26], $0x80, s16, s26, $0xb8;
	[tilespmem:$0x1FD00] =	vst v63  }
0xbf: {  	s28 =	simm.s32 $0x8000;
	s25 =	rddreg [dreg:$0x1b]  }
0xc0: {  	[tilespmem:s28], [sflag:$0x5] =	stream.linear.gather [hbm4b:s25+s15], $0x2000, $0x38;
	[tilespmem:$0x1FD00] =	vst v63  }
.LBB2_16:
0xc1: {  	s9 =	simm.s32 @!p2 $0x8  }
0xc2: {  	_ =	swait.ge @!p2 [sflag:s9], $0x2000  }
0xc3: {  	[sflag:s9] =	ssyncset.done @!p2 $0x0  }
0xc4: {  	[sflag:s9] =	ssyncadd.s32 @!p2 $0xFFFFE000;
	s9 =	simm.s32 @!p1 $0xB  }
0xc5: {  	_ =	swait.ge @!p1 [sflag:s9], $0x40  }
0xc6: {  	[sflag:s9] =	ssyncset.done @!p1 $0x0  }
0xc7: {  	[sflag:s9] =	ssyncadd.s32 @!p1 $0xFFFFFFC0  }
0xc8: {  	_ =	swait.ge @!p1 [sflag:s9], $0x40  }
0xc9: {  	[sflag:s9] =	ssyncset.done @!p1 $0x0  }
0xca: {  	s14 =	simm.s32 @!p1 $0x2000;
	[sflag:s9] =	ssyncadd.s32 @!p1 $0xFFFFFFC0;
	s9 =	simm.s32 @!p1 $0x40  }
0xcb: {  	[tilespmem:s14], [sflag:$0x2] =	stream.indirect.gather @!p1 [hbm4b:s1+s9], $0x80, s19, s9, $0xb8;
	[tilespmem:$0x1FD00] =	vst v63  }
0xcc: {  	s9 =	sshll.u32 @!p1 s18, $0xA  }
0xcd: {  	s9 =	sand.u32 @!p1 $0x1FFFFC00, s9  }
0xce: {  	s14 =	simm.s32 @!p1 $0x8000;
	s9 =	sadd.s32 @!p1 s3, s9  }
0xcf: {  	[tilespmem:s14], [sflag:$0x5] =	stream.linear.gather @!p1 [hbm4b:s9+s17], $0x2000, $0x38;
	[tilespmem:$0x1FD00] =	vst v63  }
0xd0: {  	s9 =	sadd.s32 $0x5, s16  }
0xd1: {  	p1 =	sge.u32 s9, s7  }
0xd2: {  	s9 =	sadd.s32 @!p1 s8, s9  }
0xd3: {  	s9 =	sshll.u32 @!p1 s9, $0x3  }
0xd4: {  	s16 =	simm.s32 @!p1 $0x0;
	s17 =	simm.s32 @!p1 $0xC100;
	s14 =	sadd.s32 @!p1 s9, s6  }
0xd5: {  	[tilespmem:s17], [sflag:$0xC] =	stream.linear.gather @!p1 [hbm4b:s14+s16], $0x40, $0x38;
	[tilespmem:$0x1FD00] =	vst v63  }
0xd6: {  	s15 =	sadd.s32 $0x1, s15;
	s9 =	sadd.s32 @!p1 s2, s9;
	s14 =	simm.s32 @!p1 $0xC280  }
0xd7: {  	[tilespmem:s14], [sflag:$0xC] =	stream.linear.gather @!p1 [hbm4b:s9+s16], $0x40, $0x38;
	[tilespmem:$0x1FD00] =	vst v63  }
0xd8: {  	p1 =	sne.s32 s15, $0x35  }
.Ltmp4:
0xd9: {  	_ = 	snop;
	(pc) =	sbr.rel @!p1 .LBB2_17-.Ltmp4, $1  }
0xda: {  	_ =	sdelay $0x3  }
.LBB2_4:
0xdb: {  	s16 =	smul.u32 $0x3, s15;
	_ =	sdelay $0x1  }
0xdc: {  	p1 =	sge.u32 s16, s7  }
.Ltmp5:
0xdd: {  	_ = 	snop;
	(pc) =	sbr.rel @p1 .LBB2_8-.Ltmp5, $1  }
0xde: {  	_ =	sdelay $0x3  }
0xdf: {  	_ =	swait.ge [sflag:s30], $0x2000  }
0xe0: {  	[sflag:s30] =	ssyncset.done $0x0  }
0xe1: {  	[sflag:s30] =	ssyncadd.s32 $0xFFFFE000  }
0xe2: {  	_ =	swait.ge [sflag:s31], $0x2000  }
0xe3: {  	[sflag:s31] =	ssyncset.done $0x0  }
0xe4: {  	s17 =	simm.s32 $0x100;
	[sflag:s31] =	ssyncadd.s32 $0xFFFFE000  }
0xe5: {  	s9 =	simm.s32 $0x6100;
	v1 =	vld [tilespmem:s17+$0x80]  }
0xe6: {  	v2 =	vld [tilespmem:s9+$0x80]  }
0xe7: {  	v3 =	vld [tilespmem:s17+$0xFFFFFF80]  }
0xe8: {  	v4 =	vld [tilespmem:s9+$0xFFFFFF80]  }
0xe9: {  	v5 =	vld [tilespmem:s17+$0x0]  }
0xea: {  	v6 =	vld [tilespmem:s9+$0x0]  }
0xeb: {  	v7 =	vld [tilespmem:s17+$0xFFFFFF00];
	v1 =	vmul.f32 v2, v1  }
0xec: {  	v2 =	vld [tilespmem:s9+$0xFFFFFF00]  }
0xed: {  	[tilespmem:s17+$0x80] =	vst v1;
	v1 =	vld [tilespmem:s17+$0x90]  }
0xee: {  	v3 =	vmul.f32 v4, v3;
	v4 =	vld [tilespmem:s9+$0x90]  }
0xef: {  	v8 =	vld [tilespmem:s17+$0xFFFFFF10]  }
0xf0: {  	[tilespmem:s17+$0xFFFFFF80] =	vst v3;
	v3 =	vmul.f32 v6, v5;
	v5 =	vld [tilespmem:s17+$0xFFFFFF90]  }
0xf1: {  	v6 =	vld [tilespmem:s9+$0xFFFFFF90];
	v2 =	vmul.f32 v2, v7  }
0xf2: {  	[tilespmem:s17+$0x0] =	vst v3;
	v3 =	vld [tilespmem:s17+$0x10]  }
0xf3: {  	v7 =	vld [tilespmem:s9+$0x10];
	[tilespmem:s17+$0xFFFFFF00] =	vst v2;
	v1 =	vmul.f32 v4, v1  }
0xf4: {  	v2 =	vld [tilespmem:s9+$0xFFFFFF10]  }
0xf5: {  	[tilespmem:s17+$0x90] =	vst v1;
	v1 =	vld [tilespmem:s17+$0xA0]  }
0xf6: {  	v4 =	vmul.f32 v6, v5;
	v5 =	vld [tilespmem:s9+$0xA0]  }
0xf7: {  	v6 =	vld [tilespmem:s17+$0xFFFFFF20]  }
0xf8: {  	[tilespmem:s17+$0xFFFFFF90] =	vst v4;
	v3 =	vmul.f32 v7, v3;
	v4 =	vld [tilespmem:s17+$0xFFFFFFA0]  }
0xf9: {  	v7 =	vld [tilespmem:s9+$0xFFFFFFA0];
	v2 =	vmul.f32 v2, v8  }
0xfa: {  	[tilespmem:s17+$0x10] =	vst v3;
	v3 =	vld [tilespmem:s17+$0x20]  }
0xfb: {  	v8 =	vld [tilespmem:s9+$0x20];
	[tilespmem:s17+$0xFFFFFF10] =	vst v2;
	v1 =	vmul.f32 v5, v1  }
0xfc: {  	v2 =	vld [tilespmem:s9+$0xFFFFFF20]  }
0xfd: {  	[tilespmem:s17+$0xA0] =	vst v1;
	v1 =	vld [tilespmem:s17+$0xB0]  }
0xfe: {  	v4 =	vmul.f32 v7, v4;
	v5 =	vld [tilespmem:s9+$0xB0]  }
0xff: {  	v7 =	vld [tilespmem:s17+$0xFFFFFF30]  }
0x100: {  	[tilespmem:s17+$0xFFFFFFA0] =	vst v4;
	v3 =	vmul.f32 v8, v3;
	v4 =	vld [tilespmem:s17+$0xFFFFFFB0]  }
0x101: {  	v8 =	vld [tilespmem:s9+$0xFFFFFFB0];
	v2 =	vmul.f32 v2, v6  }
0x102: {  	[tilespmem:s17+$0x20] =	vst v3;
	v3 =	vld [tilespmem:s17+$0x30]  }
0x103: {  	v6 =	vld [tilespmem:s9+$0x30];
	[tilespmem:s17+$0xFFFFFF20] =	vst v2;
	v1 =	vmul.f32 v5, v1  }
0x104: {  	v2 =	vld [tilespmem:s9+$0xFFFFFF30]  }
0x105: {  	[tilespmem:s17+$0xB0] =	vst v1;
	v1 =	vld [tilespmem:s17+$0xC0]  }
0x106: {  	v4 =	vmul.f32 v8, v4;
	v5 =	vld [tilespmem:s9+$0xC0]  }
0x107: {  	v8 =	vld [tilespmem:s17+$0xFFFFFF40]  }
0x108: {  	[tilespmem:s17+$0xFFFFFFB0] =	vst v4;
	v3 =	vmul.f32 v6, v3;
	v4 =	vld [tilespmem:s17+$0xFFFFFFC0]  }
0x109: {  	v6 =	vld [tilespmem:s9+$0xFFFFFFC0];
	v2 =	vmul.f32 v2, v7  }
0x10a: {  	[tilespmem:s17+$0x30] =	vst v3;
	v3 =	vld [tilespmem:s17+$0x40]  }
0x10b: {  	v7 =	vld [tilespmem:s9+$0x40];
	[tilespmem:s17+$0xFFFFFF30] =	vst v2;
	v1 =	vmul.f32 v5, v1  }
0x10c: {  	v2 =	vld [tilespmem:s9+$0xFFFFFF40]  }
0x10d: {  	[tilespmem:s17+$0xC0] =	vst v1;
	v1 =	vld [tilespmem:s17+$0xD0]  }
0x10e: {  	v4 =	vmul.f32 v6, v4;
	v5 =	vld [tilespmem:s9+$0xD0]  }
0x10f: {  	v6 =	vld [tilespmem:s17+$0xFFFFFF50]  }
0x110: {  	[tilespmem:s17+$0xFFFFFFC0] =	vst v4;
	v3 =	vmul.f32 v7, v3;
	v4 =	vld [tilespmem:s17+$0xFFFFFFD0]  }
0x111: {  	v7 =	vld [tilespmem:s9+$0xFFFFFFD0];
	v2 =	vmul.f32 v2, v8  }
0x112: {  	[tilespmem:s17+$0x40] =	vst v3;
	v3 =	vld [tilespmem:s17+$0x50]  }
0x113: {  	v8 =	vld [tilespmem:s9+$0x50];
	[tilespmem:s17+$0xFFFFFF40] =	vst v2;
	v1 =	vmul.f32 v5, v1  }
0x114: {  	v2 =	vld [tilespmem:s9+$0xFFFFFF50]  }
0x115: {  	[tilespmem:s17+$0xD0] =	vst v1;
	v1 =	vld [tilespmem:s17+$0xE0]  }
0x116: {  	v4 =	vmul.f32 v7, v4;
	v5 =	vld [tilespmem:s9+$0xE0]  }
0x117: {  	v7 =	vld [tilespmem:s17+$0xFFFFFF60]  }
0x118: {  	[tilespmem:s17+$0xFFFFFFD0] =	vst v4;
	v3 =	vmul.f32 v8, v3;
	v4 =	vld [tilespmem:s17+$0xFFFFFFE0]  }
0x119: {  	v8 =	vld [tilespmem:s9+$0xFFFFFFE0];
	v2 =	vmul.f32 v2, v6  }
0x11a: {  	[tilespmem:s17+$0x50] =	vst v3;
	v3 =	vld [tilespmem:s17+$0x60]  }
0x11b: {  	v6 =	vld [tilespmem:s9+$0x60];
	[tilespmem:s17+$0xFFFFFF50] =	vst v2;
	v1 =	vmul.f32 v5, v1  }
0x11c: {  	v5 =	vld [tilespmem:s9+$0xFFFFFF60]  }
0x11d: {  	v9 =	vld [tilespmem:s17+$0xF0];
	[tilespmem:s17+$0xE0] =	vst v1  }
0x11e: {  	v2 =	vmul.f32 v8, v4;
	v8 =	vld [tilespmem:s9+$0xF0]  }
0x11f: {  	v1 =	vld [tilespmem:s17+$0xFFFFFF70]  }
0x120: {  	[tilespmem:s17+$0xFFFFFFE0] =	vst v2;
	v3 =	vmul.f32 v6, v3;
	v2 =	vld [tilespmem:s17+$0xFFFFFFF0]  }
0x121: {  	v4 =	vld [tilespmem:s9+$0xFFFFFFF0];
	v5 =	vmul.f32 v5, v7  }
0x122: {  	[tilespmem:s17+$0x60] =	vst v3;
	v3 =	vld [tilespmem:s17+$0x70]  }
0x123: {  	[tilespmem:s17+$0xFFFFFF60] =	vst v5;
	v5 =	vld [tilespmem:s9+$0x70];
	v7 =	vmul.f32 v8, v9  }
0x124: {  	s18 =	simm.s32 $0x0;
	s19 =	simm.s32 $0x300;
	v6 =	vld [tilespmem:s9+$0xFFFFFF70]  }
.LBB2_6:
0x125: {  	v8 =	vld [tilespmem:s19+$0x80];
	[tilespmem:s17+$0xF0] =	vst v7;
	s9 =	sadd.s32 $0x200, s9  }
0x126: {  	s18 =	sadd.s32 $0x4, s18;
	v7 =	vld [tilespmem:s9+$0x80];
	v2 =	vmul.f32 v4, v2  }
0x127: {  	p2 =	slt.u32 s18, $0x3C;
	v4 =	vld [tilespmem:s9+$0xFFFFFF00]  }
0x128: {  	v9 =	vld [tilespmem:s19+$0xFFFFFF80];
	[tilespmem:s17+$0xFFFFFFF0] =	vst v2;
	v2 =	vmul.f32 v5, v3  }
0x129: {  	v3 =	vld [tilespmem:s9+$0xFFFFFF80];
	v1 =	vmul.f32 v6, v1  }
0x12a: {  	v5 =	vld [tilespmem:s19+$0x0];
	[tilespmem:s17+$0x70] =	vst v2  }
0x12b: {  	v2 =	vld [tilespmem:s9+$0x0];
	v6 =	vmul.f32 v7, v8;
	[tilespmem:s17+$0xFFFFFF70] =	vst v1;
	s17 =	smov.u32 s19  }
0x12c: {  	v1 =	vld [tilespmem:s19+$0xFFFFFF00]  }
0x12d: {  	[tilespmem:s19+$0x80] =	vst v6;
	v6 =	vld [tilespmem:s19+$0x90]  }
0x12e: {  	v3 =	vmul.f32 v3, v9;
	v7 =	vld [tilespmem:s9+$0x90]  }
0x12f: {  	v8 =	vld [tilespmem:s19+$0xFFFFFF10]  }
0x130: {  	[tilespmem:s19+$0xFFFFFF80] =	vst v3;
	v3 =	vld [tilespmem:s19+$0xFFFFFF90];
	v2 =	vmul.f32 v2, v5  }
0x131: {  	v1 =	vmul.f32 v4, v1;
	v4 =	vld [tilespmem:s9+$0xFFFFFF90]  }
0x132: {  	[tilespmem:s19+$0x0] =	vst v2;
	v2 =	vld [tilespmem:s19+$0x10]  }
0x133: {  	[tilespmem:s19+$0xFFFFFF00] =	vst v1;
	v1 =	vld [tilespmem:s9+$0x10];
	v5 =	vmul.f32 v7, v6  }
0x134: {  	v6 =	vld [tilespmem:s9+$0xFFFFFF10]  }
0x135: {  	[tilespmem:s19+$0x90] =	vst v5;
	v5 =	vld [tilespmem:s19+$0xA0]  }
0x136: {  	v3 =	vmul.f32 v4, v3;
	v4 =	vld [tilespmem:s9+$0xA0]  }
0x137: {  	v7 =	vld [tilespmem:s19+$0xFFFFFF20]  }
0x138: {  	[tilespmem:s19+$0xFFFFFF90] =	vst v3;
	v3 =	vld [tilespmem:s19+$0xFFFFFFA0];
	v1 =	vmul.f32 v1, v2  }
0x139: {  	v2 =	vmul.f32 v6, v8;
	v6 =	vld [tilespmem:s9+$0xFFFFFFA0]  }
0x13a: {  	[tilespmem:s19+$0x10] =	vst v1;
	v1 =	vld [tilespmem:s19+$0x20]  }
0x13b: {  	[tilespmem:s19+$0xFFFFFF10] =	vst v2;
	v2 =	vld [tilespmem:s9+$0x20];
	v4 =	vmul.f32 v4, v5  }
0x13c: {  	v5 =	vld [tilespmem:s9+$0xFFFFFF20]  }
0x13d: {  	[tilespmem:s19+$0xA0] =	vst v4;
	v4 =	vld [tilespmem:s19+$0xB0]  }
0x13e: {  	v3 =	vmul.f32 v6, v3;
	v6 =	vld [tilespmem:s9+$0xB0]  }
0x13f: {  	v8 =	vld [tilespmem:s19+$0xFFFFFF30]  }
0x140: {  	[tilespmem:s19+$0xFFFFFFA0] =	vst v3;
	v3 =	vld [tilespmem:s19+$0xFFFFFFB0];
	v1 =	vmul.f32 v2, v1  }
0x141: {  	v2 =	vmul.f32 v5, v7;
	v5 =	vld [tilespmem:s9+$0xFFFFFFB0]  }
0x142: {  	[tilespmem:s19+$0x20] =	vst v1;
	v1 =	vld [tilespmem:s19+$0x30]  }
0x143: {  	[tilespmem:s19+$0xFFFFFF20] =	vst v2;
	v2 =	vld [tilespmem:s9+$0x30];
	v4 =	vmul.f32 v6, v4  }
0x144: {  	v6 =	vld [tilespmem:s9+$0xFFFFFF30]  }
0x145: {  	[tilespmem:s19+$0xB0] =	vst v4;
	v4 =	vld [tilespmem:s19+$0xC0]  }
0x146: {  	v3 =	vmul.f32 v5, v3;
	v5 =	vld [tilespmem:s9+$0xC0]  }
0x147: {  	v7 =	vld [tilespmem:s19+$0xFFFFFF40]  }
0x148: {  	[tilespmem:s19+$0xFFFFFFB0] =	vst v3;
	v3 =	vld [tilespmem:s19+$0xFFFFFFC0];
	v1 =	vmul.f32 v2, v1  }
0x149: {  	v2 =	vmul.f32 v6, v8;
	v6 =	vld [tilespmem:s9+$0xFFFFFFC0]  }
0x14a: {  	[tilespmem:s19+$0x30] =	vst v1;
	v1 =	vld [tilespmem:s19+$0x40]  }
0x14b: {  	[tilespmem:s19+$0xFFFFFF30] =	vst v2;
	v2 =	vld [tilespmem:s9+$0x40];
	v4 =	vmul.f32 v5, v4  }
0x14c: {  	v5 =	vld [tilespmem:s9+$0xFFFFFF40]  }
0x14d: {  	[tilespmem:s19+$0xC0] =	vst v4;
	v4 =	vld [tilespmem:s19+$0xD0]  }
0x14e: {  	v3 =	vmul.f32 v6, v3;
	v6 =	vld [tilespmem:s9+$0xD0]  }
0x14f: {  	v8 =	vld [tilespmem:s19+$0xFFFFFF50]  }
0x150: {  	[tilespmem:s19+$0xFFFFFFC0] =	vst v3;
	v3 =	vld [tilespmem:s19+$0xFFFFFFD0];
	v1 =	vmul.f32 v2, v1  }
0x151: {  	v2 =	vmul.f32 v5, v7;
	v5 =	vld [tilespmem:s9+$0xFFFFFFD0]  }
0x152: {  	[tilespmem:s19+$0x40] =	vst v1;
	v1 =	vld [tilespmem:s19+$0x50]  }
0x153: {  	[tilespmem:s19+$0xFFFFFF40] =	vst v2;
	v2 =	vld [tilespmem:s9+$0x50];
	v4 =	vmul.f32 v6, v4  }
0x154: {  	v6 =	vld [tilespmem:s9+$0xFFFFFF50]  }
0x155: {  	[tilespmem:s19+$0xD0] =	vst v4;
	v4 =	vld [tilespmem:s19+$0xE0]  }
0x156: {  	v3 =	vmul.f32 v5, v3;
	v5 =	vld [tilespmem:s9+$0xE0]  }
0x157: {  	v7 =	vld [tilespmem:s19+$0xFFFFFF60]  }
0x158: {  	[tilespmem:s19+$0xFFFFFFD0] =	vst v3;
	v3 =	vld [tilespmem:s19+$0xFFFFFFE0];
	v1 =	vmul.f32 v2, v1  }
0x159: {  	v2 =	vmul.f32 v6, v8;
	v6 =	vld [tilespmem:s9+$0xFFFFFFE0]  }
0x15a: {  	[tilespmem:s19+$0x50] =	vst v1;
	v8 =	vld [tilespmem:s19+$0x60]  }
0x15b: {  	[tilespmem:s19+$0xFFFFFF50] =	vst v2;
	v9 =	vld [tilespmem:s9+$0x60];
	v1 =	vmul.f32 v5, v4  }
0x15c: {  	v4 =	vld [tilespmem:s9+$0xFFFFFF60]  }
0x15d: {  	[tilespmem:s19+$0xE0] =	vst v1;
	v10 =	vld [tilespmem:s19+$0xF0]  }
0x15e: {  	v2 =	vmul.f32 v6, v3;
	v6 =	vld [tilespmem:s9+$0xF0]  }
0x15f: {  	v1 =	vld [tilespmem:s19+$0xFFFFFF70]  }
.Ltmp6:
0x160: {  	[tilespmem:s19+$0xFFFFFFE0] =	vst v2;
	v2 =	vld [tilespmem:s19+$0xFFFFFFF0];
	v3 =	vmul.f32 v9, v8;
	(pc) =	sbr.rel @p2 .LBB2_6-.Ltmp6, $4  }
0x161: {  	v5 =	vmul.f32 v4, v7;
	v4 =	vld [tilespmem:s9+$0xFFFFFFF0]  }
0x162: {  	[tilespmem:s19+$0x60] =	vst v3;
	v3 =	vld [tilespmem:s19+$0x70]  }
0x163: {  	[tilespmem:s19+$0xFFFFFF60] =	vst v5;
	v5 =	vld [tilespmem:s9+$0x70];
	v7 =	vmul.f32 v6, v10  }
0x164: {  	s19 =	sadd.s32 $0x200, s19;
	v6 =	vld [tilespmem:s9+$0xFFFFFF70]  }
0x165: {  	_ =	sdelay $0x1  }
0x166: {  	v2 =	vmul.f32 v4, v2  }
0x167: {  	[tilespmem:s17+$0xF0] =	vst v7;
	v3 =	vmul.f32 v5, v3  }
0x168: {  	[tilespmem:s17+$0xFFFFFFF0] =	vst v2;
	v1 =	vmul.f32 v6, v1  }
0x169: {  	[tilespmem:s17+$0x70] =	vst v3  }
0x16a: {  	[tilespmem:s17+$0xFFFFFF70] =	vst v1  }
0x16b: {  	v1 =	vld [tilespmem:$0xC180]  }
0x16c: {  	v2 =	vld [tilespmem:$0xC190]  }
0x16d: {  	v3 =	vld [tilespmem:$0xC1A0]  }
0x16e: {  	v63 =	vld [tilespmem:$0xC1B0];
	_ =	sdelay $0x1  }
0x16f: {  	[tilespmem:$0xC300] =	vst v1  }
0x170: {  	[tilespmem:$0xC310] =	vst v2  }
0x171: {  	[tilespmem:$0xC320] =	vst v3  }
0x172: {  	[tilespmem:$0xC330] =	vst v63  }
0x173: {  	[spmem:s4] =	stream.indirect.scatter.add.f32 [tilespmem:s5], [sflag:$0x7], $0x80, s22, s26, $0xb8;
	[tilespmem:$0x1FD00] =	vst v63  }
.LBB2_8:
0x174: {  	p2 =	seq.s32 s15, $0x0  }
0x175: {  	s9 =	simm.s32 @!p2 $0x9  }
0x176: {  	s14 =	sadd.s32 $0x2, s16;
	_ =	swait.ge @!p2 [sflag:s9], $0x2000  }
0x177: {  	p3 =	sge.u32 s14, s7;
	[sflag:s9] =	ssyncset.done @!p2 $0x0  }
0x178: {  	[sflag:s9] =	ssyncadd.s32 @!p2 $0xFFFFE000;
	s9 =	simm.s32 @!p3 $0xC  }
0x179: {  	_ =	swait.ge @!p3 [sflag:s9], $0x40  }
0x17a: {  	[sflag:s9] =	ssyncset.done @!p3 $0x0  }
0x17b: {  	[sflag:s9] =	ssyncadd.s32 @!p3 $0xFFFFFFC0  }
0x17c: {  	_ =	swait.ge @!p3 [sflag:s9], $0x40  }
0x17d: {  	s17 =	simm.s32 @!p3 $0xC100;
	[sflag:s9] =	ssyncset.done @!p3 $0x0  }
0x17e: {  	s18 =	simm.s32 @!p3 $0x4000;
	[sflag:s9] =	ssyncadd.s32 @!p3 $0xFFFFFFC0;
	s9 =	simm.s32 @!p3 $0x40  }
0x17f: {  	[tilespmem:s18], [sflag:$0x3] =	stream.indirect.gather @!p3 [hbm4b:s1+s9], $0x80, s17, s9, $0xb8;
	[tilespmem:$0x1FD00] =	vst v63  }
0x180: {  	s9 =	sadd.s32 @!p3 s8, s14  }
0x181: {  	s9 =	sshll.u32 @!p3 s9, $0xA  }
0x182: {  	s9 =	sand.u32 @!p3 $0x1FFFFC00, s9  }
0x183: {  	s14 =	simm.s32 @!p3 $0x0;
	s17 =	simm.s32 @!p3 $0xA000;
	s9 =	sadd.s32 @!p3 s3, s9  }
0x184: {  	[tilespmem:s17], [sflag:$0x6] =	stream.linear.gather @!p3 [hbm4b:s9+s14], $0x2000, $0x38;
	[tilespmem:$0x1FD00] =	vst v63  }
0x185: {  	s9 =	sadd.s32 $0x3, s16  }
0x186: {  	p4 =	sge.u32 s9, s7  }
0x187: {  	p2 =	sge.u32 s16, s0;
	s18 =	sadd.s32 @!p4 s8, s9  }
.Ltmp7:
0x188: {  	s9 =	sshll.u32 @!p4 s18, $0x3;
	(pc) =	sbr.rel @p2 .LBB2_12-.Ltmp7, $4  }
0x189: {  	s17 =	simm.s32 @!p4 $0x0;
	s19 =	simm.s32 @!p4 $0xC000;
	s14 =	sadd.s32 @!p4 s9, s6  }
0x18a: {  	[tilespmem:s19], [sflag:$0xA] =	stream.linear.gather @!p4 [hbm4b:s14+s17], $0x40, $0x38;
	[tilespmem:$0x1FD00] =	vst v63  }
0x18b: {  	s9 =	sadd.s32 @!p4 s2, s9;
	s14 =	simm.s32 @!p4 $0xC180  }
0x18c: {  	[tilespmem:s14], [sflag:$0xA] =	stream.linear.gather @!p4 [hbm4b:s9+s17], $0x40, $0x38;
	[tilespmem:$0x1FD00] =	vst v63  }
0x18d: {  	_ =	swait.ge [sflag:s23], $0x2000  }
0x18e: {  	[sflag:s23] =	ssyncset.done $0x0  }
0x18f: {  	[sflag:s23] =	ssyncadd.s32 $0xFFFFE000  }
0x190: {  	_ =	swait.ge [sflag:s20], $0x2000  }
0x191: {  	[sflag:s20] =	ssyncset.done $0x0  }
0x192: {  	s9 =	simm.s32 $0x2100;
	[sflag:s20] =	ssyncadd.s32 $0xFFFFE000  }
0x193: {  	s25 =	simm.s32 $0x8100;
	v1 =	vld [tilespmem:s9+$0x80]  }
0x194: {  	v2 =	vld [tilespmem:s25+$0x80]  }
0x195: {  	v3 =	vld [tilespmem:s9+$0xFFFFFF80]  }
0x196: {  	v4 =	vld [tilespmem:s25+$0xFFFFFF80]  }
0x197: {  	v5 =	vld [tilespmem:s9+$0x0]  }
0x198: {  	v6 =	vld [tilespmem:s25+$0x0]  }
0x199: {  	v7 =	vld [tilespmem:s9+$0xFFFFFF00];
	v1 =	vmul.f32 v2, v1  }
0x19a: {  	v2 =	vld [tilespmem:s25+$0xFFFFFF00]  }
0x19b: {  	[tilespmem:s9+$0x80] =	vst v1;
	v1 =	vld [tilespmem:s9+$0x90]  }
0x19c: {  	v3 =	vmul.f32 v4, v3;
	v4 =	vld [tilespmem:s25+$0x90]  }
0x19d: {  	v8 =	vld [tilespmem:s9+$0xFFFFFF10]  }
0x19e: {  	[tilespmem:s9+$0xFFFFFF80] =	vst v3;
	v3 =	vmul.f32 v6, v5;
	v5 =	vld [tilespmem:s9+$0xFFFFFF90]  }
0x19f: {  	v6 =	vld [tilespmem:s25+$0xFFFFFF90];
	v2 =	vmul.f32 v2, v7  }
0x1a0: {  	[tilespmem:s9+$0x0] =	vst v3;
	v3 =	vld [tilespmem:s9+$0x10]  }
0x1a1: {  	v7 =	vld [tilespmem:s25+$0x10];
	[tilespmem:s9+$0xFFFFFF00] =	vst v2;
	v1 =	vmul.f32 v4, v1  }
0x1a2: {  	v2 =	vld [tilespmem:s25+$0xFFFFFF10]  }
0x1a3: {  	[tilespmem:s9+$0x90] =	vst v1;
	v1 =	vld [tilespmem:s9+$0xA0]  }
0x1a4: {  	v4 =	vmul.f32 v6, v5;
	v5 =	vld [tilespmem:s25+$0xA0]  }
0x1a5: {  	v6 =	vld [tilespmem:s9+$0xFFFFFF20]  }
0x1a6: {  	[tilespmem:s9+$0xFFFFFF90] =	vst v4;
	v3 =	vmul.f32 v7, v3;
	v4 =	vld [tilespmem:s9+$0xFFFFFFA0]  }
0x1a7: {  	v7 =	vld [tilespmem:s25+$0xFFFFFFA0];
	v2 =	vmul.f32 v2, v8  }
0x1a8: {  	[tilespmem:s9+$0x10] =	vst v3;
	v3 =	vld [tilespmem:s9+$0x20]  }
0x1a9: {  	v8 =	vld [tilespmem:s25+$0x20];
	[tilespmem:s9+$0xFFFFFF10] =	vst v2;
	v1 =	vmul.f32 v5, v1  }
0x1aa: {  	v2 =	vld [tilespmem:s25+$0xFFFFFF20]  }
0x1ab: {  	[tilespmem:s9+$0xA0] =	vst v1;
	v1 =	vld [tilespmem:s9+$0xB0]  }
0x1ac: {  	v4 =	vmul.f32 v7, v4;
	v5 =	vld [tilespmem:s25+$0xB0]  }
0x1ad: {  	v7 =	vld [tilespmem:s9+$0xFFFFFF30]  }
0x1ae: {  	[tilespmem:s9+$0xFFFFFFA0] =	vst v4;
	v3 =	vmul.f32 v8, v3;
	v4 =	vld [tilespmem:s9+$0xFFFFFFB0]  }
0x1af: {  	v8 =	vld [tilespmem:s25+$0xFFFFFFB0];
	v2 =	vmul.f32 v2, v6  }
0x1b0: {  	[tilespmem:s9+$0x20] =	vst v3;
	v3 =	vld [tilespmem:s9+$0x30]  }
0x1b1: {  	v6 =	vld [tilespmem:s25+$0x30];
	[tilespmem:s9+$0xFFFFFF20] =	vst v2;
	v1 =	vmul.f32 v5, v1  }
0x1b2: {  	v2 =	vld [tilespmem:s25+$0xFFFFFF30]  }
0x1b3: {  	[tilespmem:s9+$0xB0] =	vst v1;
	v1 =	vld [tilespmem:s9+$0xC0]  }
0x1b4: {  	v4 =	vmul.f32 v8, v4;
	v5 =	vld [tilespmem:s25+$0xC0]  }
0x1b5: {  	v8 =	vld [tilespmem:s9+$0xFFFFFF40]  }
0x1b6: {  	[tilespmem:s9+$0xFFFFFFB0] =	vst v4;
	v3 =	vmul.f32 v6, v3;
	v4 =	vld [tilespmem:s9+$0xFFFFFFC0]  }
0x1b7: {  	v6 =	vld [tilespmem:s25+$0xFFFFFFC0];
	v2 =	vmul.f32 v2, v7  }
0x1b8: {  	[tilespmem:s9+$0x30] =	vst v3;
	v3 =	vld [tilespmem:s9+$0x40]  }
0x1b9: {  	v7 =	vld [tilespmem:s25+$0x40];
	[tilespmem:s9+$0xFFFFFF30] =	vst v2;
	v1 =	vmul.f32 v5, v1  }
0x1ba: {  	v2 =	vld [tilespmem:s25+$0xFFFFFF40]  }
0x1bb: {  	[tilespmem:s9+$0xC0] =	vst v1;
	v1 =	vld [tilespmem:s9+$0xD0]  }
0x1bc: {  	v4 =	vmul.f32 v6, v4;
	v5 =	vld [tilespmem:s25+$0xD0]  }
0x1bd: {  	v6 =	vld [tilespmem:s9+$0xFFFFFF50]  }
0x1be: {  	[tilespmem:s9+$0xFFFFFFC0] =	vst v4;
	v3 =	vmul.f32 v7, v3;
	v4 =	vld [tilespmem:s9+$0xFFFFFFD0]  }
0x1bf: {  	v7 =	vld [tilespmem:s25+$0xFFFFFFD0];
	v2 =	vmul.f32 v2, v8  }
0x1c0: {  	[tilespmem:s9+$0x40] =	vst v3;
	v3 =	vld [tilespmem:s9+$0x50]  }
0x1c1: {  	v8 =	vld [tilespmem:s25+$0x50];
	[tilespmem:s9+$0xFFFFFF40] =	vst v2;
	v1 =	vmul.f32 v5, v1  }
0x1c2: {  	v2 =	vld [tilespmem:s25+$0xFFFFFF50]  }
0x1c3: {  	[tilespmem:s9+$0xD0] =	vst v1;
	v1 =	vld [tilespmem:s9+$0xE0]  }
0x1c4: {  	v4 =	vmul.f32 v7, v4;
	v5 =	vld [tilespmem:s25+$0xE0]  }
0x1c5: {  	v7 =	vld [tilespmem:s9+$0xFFFFFF60]  }
0x1c6: {  	[tilespmem:s9+$0xFFFFFFD0] =	vst v4;
	v3 =	vmul.f32 v8, v3;
	v4 =	vld [tilespmem:s9+$0xFFFFFFE0]  }
0x1c7: {  	v8 =	vld [tilespmem:s25+$0xFFFFFFE0];
	v2 =	vmul.f32 v2, v6  }
0x1c8: {  	[tilespmem:s9+$0x50] =	vst v3;
	v3 =	vld [tilespmem:s9+$0x60]  }
0x1c9: {  	v6 =	vld [tilespmem:s25+$0x60];
	[tilespmem:s9+$0xFFFFFF50] =	vst v2;
	v1 =	vmul.f32 v5, v1  }
0x1ca: {  	v5 =	vld [tilespmem:s25+$0xFFFFFF60]  }
0x1cb: {  	v9 =	vld [tilespmem:s9+$0xF0];
	[tilespmem:s9+$0xE0] =	vst v1  }
0x1cc: {  	v2 =	vmul.f32 v8, v4;
	v8 =	vld [tilespmem:s25+$0xF0]  }
0x1cd: {  	v1 =	vld [tilespmem:s9+$0xFFFFFF70]  }
0x1ce: {  	[tilespmem:s9+$0xFFFFFFE0] =	vst v2;
	v3 =	vmul.f32 v6, v3;
	v2 =	vld [tilespmem:s9+$0xFFFFFFF0]  }
0x1cf: {  	v4 =	vld [tilespmem:s25+$0xFFFFFFF0];
	v5 =	vmul.f32 v5, v7  }
0x1d0: {  	[tilespmem:s9+$0x60] =	vst v3;
	v3 =	vld [tilespmem:s9+$0x70]  }
0x1d1: {  	[tilespmem:s9+$0xFFFFFF60] =	vst v5;
	v5 =	vld [tilespmem:s25+$0x70];
	v7 =	vmul.f32 v8, v9  }
0x1d2: {  	s28 =	simm.s32 $0x0;
	s14 =	simm.s32 $0x2300;
	v6 =	vld [tilespmem:s25+$0xFFFFFF70]  }
.LBB2_10:
0x1d3: {  	v8 =	vld [tilespmem:s14+$0x80];
	[tilespmem:s9+$0xF0] =	vst v7;
	s25 =	sadd.s32 $0x200, s25  }
0x1d4: {  	s28 =	sadd.s32 $0x4, s28;
	v7 =	vld [tilespmem:s25+$0x80];
	v2 =	vmul.f32 v4, v2  }
0x1d5: {  	p5 =	slt.u32 s28, $0x3C;
	v4 =	vld [tilespmem:s25+$0xFFFFFF00]  }
0x1d6: {  	v9 =	vld [tilespmem:s14+$0xFFFFFF80];
	[tilespmem:s9+$0xFFFFFFF0] =	vst v2;
	v2 =	vmul.f32 v5, v3  }
0x1d7: {  	v3 =	vld [tilespmem:s25+$0xFFFFFF80];
	v1 =	vmul.f32 v6, v1  }
0x1d8: {  	v5 =	vld [tilespmem:s14+$0x0];
	[tilespmem:s9+$0x70] =	vst v2  }
0x1d9: {  	v2 =	vld [tilespmem:s25+$0x0];
	v6 =	vmul.f32 v7, v8;
	[tilespmem:s9+$0xFFFFFF70] =	vst v1;
	s9 =	smov.u32 s14  }
0x1da: {  	v1 =	vld [tilespmem:s14+$0xFFFFFF00]  }
0x1db: {  	[tilespmem:s14+$0x80] =	vst v6;
	v6 =	vld [tilespmem:s14+$0x90]  }
0x1dc: {  	v3 =	vmul.f32 v3, v9;
	v7 =	vld [tilespmem:s25+$0x90]  }
0x1dd: {  	v8 =	vld [tilespmem:s14+$0xFFFFFF10]  }
0x1de: {  	[tilespmem:s14+$0xFFFFFF80] =	vst v3;
	v3 =	vld [tilespmem:s14+$0xFFFFFF90];
	v2 =	vmul.f32 v2, v5  }
0x1df: {  	v1 =	vmul.f32 v4, v1;
	v4 =	vld [tilespmem:s25+$0xFFFFFF90]  }
0x1e0: {  	[tilespmem:s14+$0x0] =	vst v2;
	v2 =	vld [tilespmem:s14+$0x10]  }
0x1e1: {  	[tilespmem:s14+$0xFFFFFF00] =	vst v1;
	v1 =	vld [tilespmem:s25+$0x10];
	v5 =	vmul.f32 v7, v6  }
0x1e2: {  	v6 =	vld [tilespmem:s25+$0xFFFFFF10]  }
0x1e3: {  	[tilespmem:s14+$0x90] =	vst v5;
	v5 =	vld [tilespmem:s14+$0xA0]  }
0x1e4: {  	v3 =	vmul.f32 v4, v3;
	v4 =	vld [tilespmem:s25+$0xA0]  }
0x1e5: {  	v7 =	vld [tilespmem:s14+$0xFFFFFF20]  }
0x1e6: {  	[tilespmem:s14+$0xFFFFFF90] =	vst v3;
	v3 =	vld [tilespmem:s14+$0xFFFFFFA0];
	v1 =	vmul.f32 v1, v2  }
0x1e7: {  	v2 =	vmul.f32 v6, v8;
	v6 =	vld [tilespmem:s25+$0xFFFFFFA0]  }
0x1e8: {  	[tilespmem:s14+$0x10] =	vst v1;
	v1 =	vld [tilespmem:s14+$0x20]  }
0x1e9: {  	[tilespmem:s14+$0xFFFFFF10] =	vst v2;
	v2 =	vld [tilespmem:s25+$0x20];
	v4 =	vmul.f32 v4, v5  }
0x1ea: {  	v5 =	vld [tilespmem:s25+$0xFFFFFF20]  }
0x1eb: {  	[tilespmem:s14+$0xA0] =	vst v4;
	v4 =	vld [tilespmem:s14+$0xB0]  }
0x1ec: {  	v3 =	vmul.f32 v6, v3;
	v6 =	vld [tilespmem:s25+$0xB0]  }
0x1ed: {  	v8 =	vld [tilespmem:s14+$0xFFFFFF30]  }
0x1ee: {  	[tilespmem:s14+$0xFFFFFFA0] =	vst v3;
	v3 =	vld [tilespmem:s14+$0xFFFFFFB0];
	v1 =	vmul.f32 v2, v1  }
0x1ef: {  	v2 =	vmul.f32 v5, v7;
	v5 =	vld [tilespmem:s25+$0xFFFFFFB0]  }
0x1f0: {  	[tilespmem:s14+$0x20] =	vst v1;
	v1 =	vld [tilespmem:s14+$0x30]  }
0x1f1: {  	[tilespmem:s14+$0xFFFFFF20] =	vst v2;
	v2 =	vld [tilespmem:s25+$0x30];
	v4 =	vmul.f32 v6, v4  }
0x1f2: {  	v6 =	vld [tilespmem:s25+$0xFFFFFF30]  }
0x1f3: {  	[tilespmem:s14+$0xB0] =	vst v4;
	v4 =	vld [tilespmem:s14+$0xC0]  }
0x1f4: {  	v3 =	vmul.f32 v5, v3;
	v5 =	vld [tilespmem:s25+$0xC0]  }
0x1f5: {  	v7 =	vld [tilespmem:s14+$0xFFFFFF40]  }
0x1f6: {  	[tilespmem:s14+$0xFFFFFFB0] =	vst v3;
	v3 =	vld [tilespmem:s14+$0xFFFFFFC0];
	v1 =	vmul.f32 v2, v1  }
0x1f7: {  	v2 =	vmul.f32 v6, v8;
	v6 =	vld [tilespmem:s25+$0xFFFFFFC0]  }
0x1f8: {  	[tilespmem:s14+$0x30] =	vst v1;
	v1 =	vld [tilespmem:s14+$0x40]  }
0x1f9: {  	[tilespmem:s14+$0xFFFFFF30] =	vst v2;
	v2 =	vld [tilespmem:s25+$0x40];
	v4 =	vmul.f32 v5, v4  }
0x1fa: {  	v5 =	vld [tilespmem:s25+$0xFFFFFF40]  }
0x1fb: {  	[tilespmem:s14+$0xC0] =	vst v4;
	v4 =	vld [tilespmem:s14+$0xD0]  }
0x1fc: {  	v3 =	vmul.f32 v6, v3;
	v6 =	vld [tilespmem:s25+$0xD0]  }
0x1fd: {  	v8 =	vld [tilespmem:s14+$0xFFFFFF50]  }
0x1fe: {  	[tilespmem:s14+$0xFFFFFFC0] =	vst v3;
	v3 =	vld [tilespmem:s14+$0xFFFFFFD0];
	v1 =	vmul.f32 v2, v1  }
0x1ff: {  	v2 =	vmul.f32 v5, v7;
	v5 =	vld [tilespmem:s25+$0xFFFFFFD0]  }
0x200: {  	[tilespmem:s14+$0x40] =	vst v1;
	v1 =	vld [tilespmem:s14+$0x50]  }
0x201: {  	[tilespmem:s14+$0xFFFFFF40] =	vst v2;
	v2 =	vld [tilespmem:s25+$0x50];
	v4 =	vmul.f32 v6, v4  }
0x202: {  	v6 =	vld [tilespmem:s25+$0xFFFFFF50]  }
0x203: {  	[tilespmem:s14+$0xD0] =	vst v4;
	v4 =	vld [tilespmem:s14+$0xE0]  }
0x204: {  	v3 =	vmul.f32 v5, v3;
	v5 =	vld [tilespmem:s25+$0xE0]  }
0x205: {  	v7 =	vld [tilespmem:s14+$0xFFFFFF60]  }
0x206: {  	[tilespmem:s14+$0xFFFFFFD0] =	vst v3;
	v3 =	vld [tilespmem:s14+$0xFFFFFFE0];
	v1 =	vmul.f32 v2, v1  }
0x207: {  	v2 =	vmul.f32 v6, v8;
	v6 =	vld [tilespmem:s25+$0xFFFFFFE0]  }
0x208: {  	[tilespmem:s14+$0x50] =	vst v1;
	v8 =	vld [tilespmem:s14+$0x60]  }
0x209: {  	[tilespmem:s14+$0xFFFFFF50] =	vst v2;
	v9 =	vld [tilespmem:s25+$0x60];
	v1 =	vmul.f32 v5, v4  }
0x20a: {  	v4 =	vld [tilespmem:s25+$0xFFFFFF60]  }
0x20b: {  	[tilespmem:s14+$0xE0] =	vst v1;
	v10 =	vld [tilespmem:s14+$0xF0]  }
0x20c: {  	v2 =	vmul.f32 v6, v3;
	v6 =	vld [tilespmem:s25+$0xF0]  }
0x20d: {  	v1 =	vld [tilespmem:s14+$0xFFFFFF70]  }
.Ltmp8:
0x20e: {  	[tilespmem:s14+$0xFFFFFFE0] =	vst v2;
	v2 =	vld [tilespmem:s14+$0xFFFFFFF0];
	v3 =	vmul.f32 v9, v8;
	(pc) =	sbr.rel @p5 .LBB2_10-.Ltmp8, $4  }
0x20f: {  	v5 =	vmul.f32 v4, v7;
	v4 =	vld [tilespmem:s25+$0xFFFFFFF0]  }
0x210: {  	[tilespmem:s14+$0x60] =	vst v3;
	v3 =	vld [tilespmem:s14+$0x70]  }
0x211: {  	[tilespmem:s14+$0xFFFFFF60] =	vst v5;
	v5 =	vld [tilespmem:s25+$0x70];
	v7 =	vmul.f32 v6, v10  }
0x212: {  	s14 =	sadd.s32 $0x200, s14;
	v6 =	vld [tilespmem:s25+$0xFFFFFF70]  }
0x213: {  	_ =	sdelay $0x1  }
0x214: {  	v2 =	vmul.f32 v4, v2  }
0x215: {  	[tilespmem:s9+$0xF0] =	vst v7;
	v3 =	vmul.f32 v5, v3  }
0x216: {  	[tilespmem:s9+$0xFFFFFFF0] =	vst v2;
	v1 =	vmul.f32 v6, v1  }
0x217: {  	[tilespmem:s9+$0x70] =	vst v3  }
0x218: {  	[tilespmem:s9+$0xFFFFFF70] =	vst v1  }
0x219: {  	v1 =	vld [tilespmem:$0xC200]  }
0x21a: {  	v2 =	vld [tilespmem:$0xC210]  }
0x21b: {  	v3 =	vld [tilespmem:$0xC220]  }
0x21c: {  	v63 =	vld [tilespmem:$0xC230];
	_ =	sdelay $0x1  }
0x21d: {  	[tilespmem:$0xC380] =	vst v1  }
0x21e: {  	[tilespmem:$0xC390] =	vst v2  }
0x21f: {  	[tilespmem:$0xC3A0] =	vst v3  }
0x220: {  	[tilespmem:$0xC3B0] =	vst v63  }
0x221: {  	[spmem:s4] =	stream.indirect.scatter.add.f32 [tilespmem:s29], [sflag:$0x8], $0x80, s21, s26, $0xb8;
	[tilespmem:$0x1FD00] =	vst v63  }
.LBB2_12:
0x222: {  	s9 =	simm.s32 @!p1 $0x7  }
0x223: {  	_ =	swait.ge @!p1 [sflag:s9], $0x2000  }
0x224: {  	[sflag:s9] =	ssyncset.done @!p1 $0x0  }
0x225: {  	[sflag:s9] =	ssyncadd.s32 @!p1 $0xFFFFE000;
	s9 =	simm.s32 @!p4 $0xA  }
0x226: {  	_ =	swait.ge @!p4 [sflag:s9], $0x40  }
0x227: {  	[sflag:s9] =	ssyncset.done @!p4 $0x0  }
0x228: {  	[sflag:s9] =	ssyncadd.s32 @!p4 $0xFFFFFFC0  }
0x229: {  	_ =	swait.ge @!p4 [sflag:s9], $0x40  }
0x22a: {  	[sflag:s9] =	ssyncset.done @!p4 $0x0  }
0x22b: {  	[sflag:s9] =	ssyncadd.s32 @!p4 $0xFFFFFFC0;
	s9 =	simm.s32 @!p4 $0x40  }
0x22c: {  	[tilespmem:s17], [sflag:$0x1] =	stream.indirect.gather @!p4 [hbm4b:s1+s9], $0x80, s19, s9, $0xb8;
	[tilespmem:$0x1FD00] =	vst v63  }
0x22d: {  	s9 =	sshll.u32 @!p4 s18, $0xA  }
0x22e: {  	s9 =	sand.u32 @!p4 $0x1FFFFC00, s9  }
0x22f: {  	s14 =	simm.s32 @!p4 $0x6000;
	s9 =	sadd.s32 @!p4 s3, s9  }
0x230: {  	[tilespmem:s14], [sflag:$0x4] =	stream.linear.gather @!p4 [hbm4b:s9+s17], $0x2000, $0x38;
	[tilespmem:$0x1FD00] =	vst v63  }
0x231: {  	s9 =	sadd.s32 $0x4, s16  }
0x232: {  	p1 =	sge.u32 s9, s7  }
0x233: {  	s18 =	sadd.s32 @!p1 s8, s9  }
.Ltmp9:
0x234: {  	s9 =	sshll.u32 @!p1 s18, $0x3;
	(pc) =	sbr.rel @p3 .LBB2_16-.Ltmp9, $4  }
0x235: {  	s17 =	simm.s32 @!p1 $0x0;
	s19 =	simm.s32 @!p1 $0xC080;
	s14 =	sadd.s32 @!p1 s9, s6  }
0x236: {  	[tilespmem:s19], [sflag:$0xB] =	stream.linear.gather @!p1 [hbm4b:s14+s17], $0x40, $0x38;
	[tilespmem:$0x1FD00] =	vst v63  }
0x237: {  	s9 =	sadd.s32 @!p1 s2, s9;
	s14 =	simm.s32 @!p1 $0xC200  }
0x238: {  	[tilespmem:s14], [sflag:$0xB] =	stream.linear.gather @!p1 [hbm4b:s9+s17], $0x40, $0x38;
	[tilespmem:$0x1FD00] =	vst v63  }
0x239: {  	_ =	swait.ge [sflag:s10], $0x2000  }
0x23a: {  	[sflag:s10] =	ssyncset.done $0x0  }
0x23b: {  	[sflag:s10] =	ssyncadd.s32 $0xFFFFE000  }
0x23c: {  	_ =	swait.ge [sflag:s11], $0x2000  }
0x23d: {  	[sflag:s11] =	ssyncset.done $0x0  }
0x23e: {  	s9 =	simm.s32 $0x4100;
	[sflag:s11] =	ssyncadd.s32 $0xFFFFE000  }
0x23f: {  	s25 =	simm.s32 $0xA100;
	v1 =	vld [tilespmem:s9+$0x80]  }
0x240: {  	v2 =	vld [tilespmem:s25+$0x80]  }
0x241: {  	v3 =	vld [tilespmem:s9+$0xFFFFFF80]  }
0x242: {  	v4 =	vld [tilespmem:s25+$0xFFFFFF80]  }
0x243: {  	v5 =	vld [tilespmem:s9+$0x0]  }
0x244: {  	v6 =	vld [tilespmem:s25+$0x0]  }
0x245: {  	v7 =	vld [tilespmem:s9+$0xFFFFFF00];
	v1 =	vmul.f32 v2, v1  }
0x246: {  	v2 =	vld [tilespmem:s25+$0xFFFFFF00]  }
0x247: {  	[tilespmem:s9+$0x80] =	vst v1;
	v1 =	vld [tilespmem:s9+$0x90]  }
0x248: {  	v3 =	vmul.f32 v4, v3;
	v4 =	vld [tilespmem:s25+$0x90]  }
0x249: {  	v8 =	vld [tilespmem:s9+$0xFFFFFF10]  }
0x24a: {  	[tilespmem:s9+$0xFFFFFF80] =	vst v3;
	v3 =	vmul.f32 v6, v5;
	v5 =	vld [tilespmem:s9+$0xFFFFFF90]  }
0x24b: {  	v6 =	vld [tilespmem:s25+$0xFFFFFF90];
	v2 =	vmul.f32 v2, v7  }
0x24c: {  	[tilespmem:s9+$0x0] =	vst v3;
	v3 =	vld [tilespmem:s9+$0x10]  }
0x24d: {  	v7 =	vld [tilespmem:s25+$0x10];
	[tilespmem:s9+$0xFFFFFF00] =	vst v2;
	v1 =	vmul.f32 v4, v1  }
0x24e: {  	v2 =	vld [tilespmem:s25+$0xFFFFFF10]  }
0x24f: {  	[tilespmem:s9+$0x90] =	vst v1;
	v1 =	vld [tilespmem:s9+$0xA0]  }
0x250: {  	v4 =	vmul.f32 v6, v5;
	v5 =	vld [tilespmem:s25+$0xA0]  }
0x251: {  	v6 =	vld [tilespmem:s9+$0xFFFFFF20]  }
0x252: {  	[tilespmem:s9+$0xFFFFFF90] =	vst v4;
	v3 =	vmul.f32 v7, v3;
	v4 =	vld [tilespmem:s9+$0xFFFFFFA0]  }
0x253: {  	v7 =	vld [tilespmem:s25+$0xFFFFFFA0];
	v2 =	vmul.f32 v2, v8  }
0x254: {  	[tilespmem:s9+$0x10] =	vst v3;
	v3 =	vld [tilespmem:s9+$0x20]  }
0x255: {  	v8 =	vld [tilespmem:s25+$0x20];
	[tilespmem:s9+$0xFFFFFF10] =	vst v2;
	v1 =	vmul.f32 v5, v1  }
0x256: {  	v2 =	vld [tilespmem:s25+$0xFFFFFF20]  }
0x257: {  	[tilespmem:s9+$0xA0] =	vst v1;
	v1 =	vld [tilespmem:s9+$0xB0]  }
0x258: {  	v4 =	vmul.f32 v7, v4;
	v5 =	vld [tilespmem:s25+$0xB0]  }
0x259: {  	v7 =	vld [tilespmem:s9+$0xFFFFFF30]  }
0x25a: {  	[tilespmem:s9+$0xFFFFFFA0] =	vst v4;
	v3 =	vmul.f32 v8, v3;
	v4 =	vld [tilespmem:s9+$0xFFFFFFB0]  }
0x25b: {  	v8 =	vld [tilespmem:s25+$0xFFFFFFB0];
	v2 =	vmul.f32 v2, v6  }
0x25c: {  	[tilespmem:s9+$0x20] =	vst v3;
	v3 =	vld [tilespmem:s9+$0x30]  }
0x25d: {  	v6 =	vld [tilespmem:s25+$0x30];
	[tilespmem:s9+$0xFFFFFF20] =	vst v2;
	v1 =	vmul.f32 v5, v1  }
0x25e: {  	v2 =	vld [tilespmem:s25+$0xFFFFFF30]  }
0x25f: {  	[tilespmem:s9+$0xB0] =	vst v1;
	v1 =	vld [tilespmem:s9+$0xC0]  }
0x260: {  	v4 =	vmul.f32 v8, v4;
	v5 =	vld [tilespmem:s25+$0xC0]  }
0x261: {  	v8 =	vld [tilespmem:s9+$0xFFFFFF40]  }
0x262: {  	[tilespmem:s9+$0xFFFFFFB0] =	vst v4;
	v3 =	vmul.f32 v6, v3;
	v4 =	vld [tilespmem:s9+$0xFFFFFFC0]  }
0x263: {  	v6 =	vld [tilespmem:s25+$0xFFFFFFC0];
	v2 =	vmul.f32 v2, v7  }
0x264: {  	[tilespmem:s9+$0x30] =	vst v3;
	v3 =	vld [tilespmem:s9+$0x40]  }
0x265: {  	v7 =	vld [tilespmem:s25+$0x40];
	[tilespmem:s9+$0xFFFFFF30] =	vst v2;
	v1 =	vmul.f32 v5, v1  }
0x266: {  	v2 =	vld [tilespmem:s25+$0xFFFFFF40]  }
0x267: {  	[tilespmem:s9+$0xC0] =	vst v1;
	v1 =	vld [tilespmem:s9+$0xD0]  }
0x268: {  	v4 =	vmul.f32 v6, v4;
	v5 =	vld [tilespmem:s25+$0xD0]  }
0x269: {  	v6 =	vld [tilespmem:s9+$0xFFFFFF50]  }
0x26a: {  	[tilespmem:s9+$0xFFFFFFC0] =	vst v4;
	v3 =	vmul.f32 v7, v3;
	v4 =	vld [tilespmem:s9+$0xFFFFFFD0]  }
0x26b: {  	v7 =	vld [tilespmem:s25+$0xFFFFFFD0];
	v2 =	vmul.f32 v2, v8  }
0x26c: {  	[tilespmem:s9+$0x40] =	vst v3;
	v3 =	vld [tilespmem:s9+$0x50]  }
0x26d: {  	v8 =	vld [tilespmem:s25+$0x50];
	[tilespmem:s9+$0xFFFFFF40] =	vst v2;
	v1 =	vmul.f32 v5, v1  }
0x26e: {  	v2 =	vld [tilespmem:s25+$0xFFFFFF50]  }
0x26f: {  	[tilespmem:s9+$0xD0] =	vst v1;
	v1 =	vld [tilespmem:s9+$0xE0]  }
0x270: {  	v4 =	vmul.f32 v7, v4;
	v5 =	vld [tilespmem:s25+$0xE0]  }
0x271: {  	v7 =	vld [tilespmem:s9+$0xFFFFFF60]  }
0x272: {  	[tilespmem:s9+$0xFFFFFFD0] =	vst v4;
	v3 =	vmul.f32 v8, v3;
	v4 =	vld [tilespmem:s9+$0xFFFFFFE0]  }
0x273: {  	v8 =	vld [tilespmem:s25+$0xFFFFFFE0];
	v2 =	vmul.f32 v2, v6  }
0x274: {  	[tilespmem:s9+$0x50] =	vst v3;
	v3 =	vld [tilespmem:s9+$0x60]  }
0x275: {  	v6 =	vld [tilespmem:s25+$0x60];
	[tilespmem:s9+$0xFFFFFF50] =	vst v2;
	v1 =	vmul.f32 v5, v1  }
0x276: {  	v5 =	vld [tilespmem:s25+$0xFFFFFF60]  }
0x277: {  	v9 =	vld [tilespmem:s9+$0xF0];
	[tilespmem:s9+$0xE0] =	vst v1  }
0x278: {  	v2 =	vmul.f32 v8, v4;
	v8 =	vld [tilespmem:s25+$0xF0]  }
0x279: {  	v1 =	vld [tilespmem:s9+$0xFFFFFF70]  }
0x27a: {  	[tilespmem:s9+$0xFFFFFFE0] =	vst v2;
	v3 =	vmul.f32 v6, v3;
	v2 =	vld [tilespmem:s9+$0xFFFFFFF0]  }
0x27b: {  	v4 =	vld [tilespmem:s25+$0xFFFFFFF0];
	v5 =	vmul.f32 v5, v7  }
0x27c: {  	[tilespmem:s9+$0x60] =	vst v3;
	v3 =	vld [tilespmem:s9+$0x70]  }
0x27d: {  	[tilespmem:s9+$0xFFFFFF60] =	vst v5;
	v5 =	vld [tilespmem:s25+$0x70];
	v7 =	vmul.f32 v8, v9  }
0x27e: {  	s28 =	simm.s32 $0x0;
	s14 =	simm.s32 $0x4300;
	v6 =	vld [tilespmem:s25+$0xFFFFFF70]  }
.LBB2_14:
0x27f: {  	v8 =	vld [tilespmem:s14+$0x80];
	[tilespmem:s9+$0xF0] =	vst v7;
	s25 =	sadd.s32 $0x200, s25  }
0x280: {  	s28 =	sadd.s32 $0x4, s28;
	v7 =	vld [tilespmem:s25+$0x80];
	v2 =	vmul.f32 v4, v2  }
0x281: {  	p3 =	slt.u32 s28, $0x3C;
	v4 =	vld [tilespmem:s25+$0xFFFFFF00]  }
0x282: {  	v9 =	vld [tilespmem:s14+$0xFFFFFF80];
	[tilespmem:s9+$0xFFFFFFF0] =	vst v2;
	v2 =	vmul.f32 v5, v3  }
0x283: {  	v3 =	vld [tilespmem:s25+$0xFFFFFF80];
	v1 =	vmul.f32 v6, v1  }
0x284: {  	v5 =	vld [tilespmem:s14+$0x0];
	[tilespmem:s9+$0x70] =	vst v2  }
0x285: {  	v2 =	vld [tilespmem:s25+$0x0];
	v6 =	vmul.f32 v7, v8;
	[tilespmem:s9+$0xFFFFFF70] =	vst v1;
	s9 =	smov.u32 s14  }
0x286: {  	v1 =	vld [tilespmem:s14+$0xFFFFFF00]  }
0x287: {  	[tilespmem:s14+$0x80] =	vst v6;
	v6 =	vld [tilespmem:s14+$0x90]  }
0x288: {  	v3 =	vmul.f32 v3, v9;
	v7 =	vld [tilespmem:s25+$0x90]  }
0x289: {  	v8 =	vld [tilespmem:s14+$0xFFFFFF10]  }
0x28a: {  	[tilespmem:s14+$0xFFFFFF80] =	vst v3;
	v3 =	vld [tilespmem:s14+$0xFFFFFF90];
	v2 =	vmul.f32 v2, v5  }
0x28b: {  	v1 =	vmul.f32 v4, v1;
	v4 =	vld [tilespmem:s25+$0xFFFFFF90]  }
0x28c: {  	[tilespmem:s14+$0x0] =	vst v2;
	v2 =	vld [tilespmem:s14+$0x10]  }
0x28d: {  	[tilespmem:s14+$0xFFFFFF00] =	vst v1;
	v1 =	vld [tilespmem:s25+$0x10];
	v5 =	vmul.f32 v7, v6  }
0x28e: {  	v6 =	vld [tilespmem:s25+$0xFFFFFF10]  }
0x28f: {  	[tilespmem:s14+$0x90] =	vst v5;
	v5 =	vld [tilespmem:s14+$0xA0]  }
0x290: {  	v3 =	vmul.f32 v4, v3;
	v4 =	vld [tilespmem:s25+$0xA0]  }
0x291: {  	v7 =	vld [tilespmem:s14+$0xFFFFFF20]  }
0x292: {  	[tilespmem:s14+$0xFFFFFF90] =	vst v3;
	v3 =	vld [tilespmem:s14+$0xFFFFFFA0];
	v1 =	vmul.f32 v1, v2  }
0x293: {  	v2 =	vmul.f32 v6, v8;
	v6 =	vld [tilespmem:s25+$0xFFFFFFA0]  }
0x294: {  	[tilespmem:s14+$0x10] =	vst v1;
	v1 =	vld [tilespmem:s14+$0x20]  }
0x295: {  	[tilespmem:s14+$0xFFFFFF10] =	vst v2;
	v2 =	vld [tilespmem:s25+$0x20];
	v4 =	vmul.f32 v4, v5  }
0x296: {  	v5 =	vld [tilespmem:s25+$0xFFFFFF20]  }
0x297: {  	[tilespmem:s14+$0xA0] =	vst v4;
	v4 =	vld [tilespmem:s14+$0xB0]  }
0x298: {  	v3 =	vmul.f32 v6, v3;
	v6 =	vld [tilespmem:s25+$0xB0]  }
0x299: {  	v8 =	vld [tilespmem:s14+$0xFFFFFF30]  }
0x29a: {  	[tilespmem:s14+$0xFFFFFFA0] =	vst v3;
	v3 =	vld [tilespmem:s14+$0xFFFFFFB0];
	v1 =	vmul.f32 v2, v1  }
0x29b: {  	v2 =	vmul.f32 v5, v7;
	v5 =	vld [tilespmem:s25+$0xFFFFFFB0]  }
0x29c: {  	[tilespmem:s14+$0x20] =	vst v1;
	v1 =	vld [tilespmem:s14+$0x30]  }
0x29d: {  	[tilespmem:s14+$0xFFFFFF20] =	vst v2;
	v2 =	vld [tilespmem:s25+$0x30];
	v4 =	vmul.f32 v6, v4  }
0x29e: {  	v6 =	vld [tilespmem:s25+$0xFFFFFF30]  }
0x29f: {  	[tilespmem:s14+$0xB0] =	vst v4;
	v4 =	vld [tilespmem:s14+$0xC0]  }
0x2a0: {  	v3 =	vmul.f32 v5, v3;
	v5 =	vld [tilespmem:s25+$0xC0]  }
0x2a1: {  	v7 =	vld [tilespmem:s14+$0xFFFFFF40]  }
0x2a2: {  	[tilespmem:s14+$0xFFFFFFB0] =	vst v3;
	v3 =	vld [tilespmem:s14+$0xFFFFFFC0];
	v1 =	vmul.f32 v2, v1  }
0x2a3: {  	v2 =	vmul.f32 v6, v8;
	v6 =	vld [tilespmem:s25+$0xFFFFFFC0]  }
0x2a4: {  	[tilespmem:s14+$0x30] =	vst v1;
	v1 =	vld [tilespmem:s14+$0x40]  }
0x2a5: {  	[tilespmem:s14+$0xFFFFFF30] =	vst v2;
	v2 =	vld [tilespmem:s25+$0x40];
	v4 =	vmul.f32 v5, v4  }
0x2a6: {  	v5 =	vld [tilespmem:s25+$0xFFFFFF40]  }
0x2a7: {  	[tilespmem:s14+$0xC0] =	vst v4;
	v4 =	vld [tilespmem:s14+$0xD0]  }
0x2a8: {  	v3 =	vmul.f32 v6, v3;
	v6 =	vld [tilespmem:s25+$0xD0]  }
0x2a9: {  	v8 =	vld [tilespmem:s14+$0xFFFFFF50]  }
0x2aa: {  	[tilespmem:s14+$0xFFFFFFC0] =	vst v3;
	v3 =	vld [tilespmem:s14+$0xFFFFFFD0];
	v1 =	vmul.f32 v2, v1  }
0x2ab: {  	v2 =	vmul.f32 v5, v7;
	v5 =	vld [tilespmem:s25+$0xFFFFFFD0]  }
0x2ac: {  	[tilespmem:s14+$0x40] =	vst v1;
	v1 =	vld [tilespmem:s14+$0x50]  }
0x2ad: {  	[tilespmem:s14+$0xFFFFFF40] =	vst v2;
	v2 =	vld [tilespmem:s25+$0x50];
	v4 =	vmul.f32 v6, v4  }
0x2ae: {  	v6 =	vld [tilespmem:s25+$0xFFFFFF50]  }
0x2af: {  	[tilespmem:s14+$0xD0] =	vst v4;
	v4 =	vld [tilespmem:s14+$0xE0]  }
0x2b0: {  	v3 =	vmul.f32 v5, v3;
	v5 =	vld [tilespmem:s25+$0xE0]  }
0x2b1: {  	v7 =	vld [tilespmem:s14+$0xFFFFFF60]  }
0x2b2: {  	[tilespmem:s14+$0xFFFFFFD0] =	vst v3;
	v3 =	vld [tilespmem:s14+$0xFFFFFFE0];
	v1 =	vmul.f32 v2, v1  }
0x2b3: {  	v2 =	vmul.f32 v6, v8;
	v6 =	vld [tilespmem:s25+$0xFFFFFFE0]  }
0x2b4: {  	[tilespmem:s14+$0x50] =	vst v1;
	v8 =	vld [tilespmem:s14+$0x60]  }
0x2b5: {  	[tilespmem:s14+$0xFFFFFF50] =	vst v2;
	v9 =	vld [tilespmem:s25+$0x60];
	v1 =	vmul.f32 v5, v4  }
0x2b6: {  	v4 =	vld [tilespmem:s25+$0xFFFFFF60]  }
0x2b7: {  	[tilespmem:s14+$0xE0] =	vst v1;
	v10 =	vld [tilespmem:s14+$0xF0]  }
0x2b8: {  	v2 =	vmul.f32 v6, v3;
	v6 =	vld [tilespmem:s25+$0xF0]  }
0x2b9: {  	v1 =	vld [tilespmem:s14+$0xFFFFFF70]  }
.Ltmp10:
0x2ba: {  	[tilespmem:s14+$0xFFFFFFE0] =	vst v2;
	v2 =	vld [tilespmem:s14+$0xFFFFFFF0];
	v3 =	vmul.f32 v9, v8;
	(pc) =	sbr.rel @p3 .LBB2_14-.Ltmp10, $4  }
0x2bb: {  	v5 =	vmul.f32 v4, v7;
	v4 =	vld [tilespmem:s25+$0xFFFFFFF0]  }
0x2bc: {  	[tilespmem:s14+$0x60] =	vst v3;
	v3 =	vld [tilespmem:s14+$0x70]  }
0x2bd: {  	[tilespmem:s14+$0xFFFFFF60] =	vst v5;
	v5 =	vld [tilespmem:s25+$0x70];
	v7 =	vmul.f32 v6, v10  }
0x2be: {  	s14 =	sadd.s32 $0x200, s14;
	v6 =	vld [tilespmem:s25+$0xFFFFFF70]  }
0x2bf: {  	_ =	sdelay $0x1  }
0x2c0: {  	v2 =	vmul.f32 v4, v2  }
0x2c1: {  	[tilespmem:s9+$0xF0] =	vst v7;
	v3 =	vmul.f32 v5, v3  }
0x2c2: {  	[tilespmem:s9+$0xFFFFFFF0] =	vst v2;
	v1 =	vmul.f32 v6, v1  }
0x2c3: {  	[tilespmem:s9+$0x70] =	vst v3  }
0x2c4: {  	[tilespmem:s9+$0xFFFFFF70] =	vst v1  }
0x2c5: {  	v1 =	vld [tilespmem:$0xC280]  }
0x2c6: {  	v2 =	vld [tilespmem:$0xC290]  }
0x2c7: {  	v3 =	vld [tilespmem:$0xC2A0]  }
0x2c8: {  	v63 =	vld [tilespmem:$0xC2B0];
	_ =	sdelay $0x1  }
.Ltmp11:
0x2c9: {  	[tilespmem:$0xC400] =	vst v1;
	(pc) =	sbr.rel .LBB2_16-.Ltmp11, $4  }
0x2ca: {  	[tilespmem:$0xC410] =	vst v2  }
0x2cb: {  	[tilespmem:$0xC420] =	vst v3  }
0x2cc: {  	[tilespmem:$0xC430] =	vst v63  }
0x2cd: {  	[spmem:s4] =	stream.indirect.scatter.add.f32 [tilespmem:s13], [sflag:$0x9], $0x80, s12, s26, $0xb8;
	[tilespmem:$0x1FD00] =	vst v63  }
.LBB2_18:
0x2ce: {  	_ =	sfence.sel $0x180000  }
0x2cf: {  	[bflag:$0x0] =	sbarrier.arrive $0xFFFF  }
0x2d0: {  	_ =	strace $0x90000047  }
0x2d1: {  	s0 =	stileid.u32;
	[bflag:$0x2] =	sbarrier.arrive $0xFFFF  }
0x2d2: {  	p0 =	sne.s32 s0, $0x0;
	s0 =	rddreg [dreg:$0x5]  }
0x2d3: {  	s0 =	sadd.s32 @!p0 $0x100000, s0  }
0x2d4: {  	[sflag:s0] =	ssyncadd.tile.s32 @!p0 $0x1;
	_ =	shalt  }
.Lfunc_end2:
_tile_overlayer_lowered:
.L_overlay_start_2:
0x2d5: {  	(tag) =	ssettag $0x2  }
0x2d6: {  	s0 =	rddreg [dreg:$0x0];
	s2 =	stileid.u32  }
0x2d7: {  	s1 =	rddreg [dreg:$0x1];
	p0 =	sne.s32 s2, $0x0  }
0x2d8: {  	s3 =	rddreg [dreg:$0x2];
	[bflag:$0x3] =	sbarrier.arrive $0xFFFF;
	s2 =	simm.s32 @!p0 $0x1C0D  }
0x2d9: {  	[timem:s3], [sflag:s2] =	dma.local @!p0 [hbm:s0], s1  }
0x2da: {  	s0 =	simm.s32 @!p0 $0xD  }
0x2db: {  	_ =	swait.ge @!p0 [sflag:s0], s1  }
0x2dc: {  	s1 =	ssub.s32 @!p0 $0x0, s1;
	[sflag:s0] =	ssyncset.done @!p0 $0x0  }
0x2dd: {  	[sflag:s0] =	ssyncadd.s32 @!p0 s1  }
0x2de: {  	[bflag:$0x3] =	sbarrier.arrive $0xFFFF  }
0x2df: {  	_ =	shalt  }

</sc_bundles>
